<compile_context>
chip_gen: v7x
topology: tpu7x:2x2x1
jax: 0.10.2.dev20260603
libtpu: 0.0.44.dev20260713+nightly
codegen_flags: <defaults>
</compile_context>

<pallas_src>
import functools

import jax
import jax.numpy as jnp
from jax import lax
from jax.experimental import pallas as pl
from jax.experimental.pallas import tpu as pltpu
from jax.experimental.pallas import tpu_sc as plsc

N = 10000
E = 320000
D = 128
K = 32
L = 3

NC = 2
NS = 16
NW = NC * NS
CHUNK = 128
CPW = 80
HALF = CPW // 2
NCHUNK = NW * CPW
EPAD = NCHUNK * CHUNK
NP = 10240
ROWS_PER_TILE = NP // NS
DEGW = 128



@functools.lru_cache(maxsize=1)
def _sc_kernels():
    mesh = plsc.VectorSubcoreMesh(
        core_axis_name="c", subcore_axis_name="s", num_cores=NC)

    @functools.partial(
        pl.kernel,
        mesh=mesh,
        out_type=jax.ShapeDtypeStruct((NC, NP, DEGW), jnp.float32),
        scratch_types=[
            pltpu.VMEM((CPW, CHUNK), jnp.int32),
            pltpu.VMEM((CHUNK, DEGW), jnp.float32),
            pltpu.VMEM_SHARED((NP, DEGW), jnp.float32),
        ],
    )
    def sc_degree(dst_hbm, ones_hbm, zeros_hbm, out_hbm, dstv, onesv, acc):
        cid = lax.axis_index("c")
        sid = lax.axis_index("s")
        wid = sid * NC + cid
        base_row = sid * ROWS_PER_TILE
        pltpu.sync_copy(zeros_hbm, acc.at[pl.ds(base_row, ROWS_PER_TILE)])
        pltpu.sync_copy(ones_hbm, onesv)
        pltpu.sync_copy(dst_hbm.at[pl.ds(wid * CPW, CPW)], dstv)
        plsc.subcore_barrier()

        def body(i, carry):
            pltpu.sync_copy(onesv, acc.at[dstv.at[i]], add=True)
            return carry

        lax.fori_loop(0, CPW, body, 0)
        plsc.subcore_barrier()
        pltpu.sync_copy(
            acc.at[pl.ds(base_row, ROWS_PER_TILE)],
            out_hbm.at[cid, pl.ds(base_row, ROWS_PER_TILE)],
        )

    @functools.partial(
        pl.kernel,
        mesh=mesh,
        out_type=jax.ShapeDtypeStruct((NC, NP, D), jnp.float32),
        scratch_types=[
            pltpu.VMEM((HALF, CHUNK), jnp.int32),
            pltpu.VMEM((HALF, CHUNK), jnp.int32),
            pltpu.VMEM((CHUNK, D), jnp.float32),
            pltpu.VMEM((CHUNK, D), jnp.float32),
            pltpu.VMEM_SHARED((NP, D), jnp.float32),
            pltpu.SemaphoreType.DMA,
            pltpu.SemaphoreType.DMA,
            pltpu.SemaphoreType.DMA,
            pltpu.SemaphoreType.DMA,
        ],
    )
    def sc_aggregate(hk_hbm, src_hbm, dst_hbm, zeros_hbm, out_hbm,
                     srcv, dstv, rows0, rows1, acc,
                     gsem0, gsem1, ssem0, ssem1):
        cid = lax.axis_index("c")
        sid = lax.axis_index("s")
        wid = sid * NC + cid
        base_row = sid * ROWS_PER_TILE
        pltpu.sync_copy(zeros_hbm, acc.at[pl.ds(base_row, ROWS_PER_TILE)])
        plsc.subcore_barrier()

        gbufs = ((rows0, gsem0), (rows1, gsem1))
        ssems = (ssem0, ssem1)
        for half in range(2):
            chunk0 = wid * CPW + half * HALF
            pltpu.sync_copy(src_hbm.at[pl.ds(chunk0, HALF)], srcv)
            pltpu.sync_copy(dst_hbm.at[pl.ds(chunk0, HALF)], dstv)
            pltpu.async_copy(hk_hbm.at[srcv.at[0]], rows0, gsem0)

            def body(t, carry):
                for b, (rows, gsem) in enumerate(gbufs):
                    i = t * 2 + b
                    nrows, ngsem = gbufs[1 - b]
                    ssem, nssem = ssems[b], ssems[1 - b]
                    pltpu.make_async_copy(
                        hk_hbm.at[srcv.at[i]], rows, gsem).wait()
                    pltpu.async_copy(rows, acc.at[dstv.at[i]], ssem, add=True)

                    @pl.when((i + 1 < HALF) & (i >= 1))
                    def _():
                        pltpu.make_async_copy(
                            rows, acc.at[dstv.at[i]], nssem).wait()

                    @pl.when(i + 1 < HALF)
                    def _():
                        pltpu.async_copy(
                            hk_hbm.at[srcv.at[i + 1]], nrows, ngsem)
                return carry

            lax.fori_loop(0, HALF // 2, body, 0)
            pltpu.make_async_copy(rows0, acc.at[dstv.at[0]], ssem0).wait()
            pltpu.make_async_copy(rows1, acc.at[dstv.at[0]], ssem1).wait()
        plsc.subcore_barrier()
        pltpu.sync_copy(
            acc.at[pl.ds(base_row, ROWS_PER_TILE)],
            out_hbm.at[cid, pl.ds(base_row, ROWS_PER_TILE)],
        )

    return sc_degree, sc_aggregate



BLK = 2000


def _maxk_rows(h):
    work = h
    t = None
    for _ in range(K):
        t = jnp.max(work, axis=1, keepdims=True)
        work = jnp.where(work >= t, -jnp.inf, work)
    return jnp.where(h >= t, h, 0.0)


def _k0_body(x_ref, w_ref, b_ref, o_ref):
    h = jnp.dot(x_ref[...], w_ref[...], preferred_element_type=jnp.float32)
    o_ref[...] = _maxk_rows(h + b_ref[...])


def _agg_scaled(p0_ref, p1_ref, d0_ref, d1_ref):
    deg = d0_ref[...][0, :, 0:1] + d1_ref[...][0, :, 0:1]
    agg = p0_ref[...][0] + p1_ref[...][0]
    return agg / jnp.maximum(deg, 1.0)


def _k1_body(hk_ref, p0_ref, p1_ref, d0_ref, d1_ref,
             ws_ref, wn_ref, b_ref, o_ref):
    agg = _agg_scaled(p0_ref, p1_ref, d0_ref, d1_ref)
    h = (jnp.dot(hk_ref[...], ws_ref[...], preferred_element_type=jnp.float32)
         + jnp.dot(agg, wn_ref[...], preferred_element_type=jnp.float32)
         + b_ref[...])
    o_ref[...] = _maxk_rows(h)


def _k2_body(hk_ref, p0_ref, p1_ref, d0_ref, d1_ref,
             ws_ref, wn_ref, b_ref, wo_ref, bo_ref, o_ref):
    agg = _agg_scaled(p0_ref, p1_ref, d0_ref, d1_ref)
    h = (jnp.dot(hk_ref[...], ws_ref[...], preferred_element_type=jnp.float32)
         + jnp.dot(agg, wn_ref[...], preferred_element_type=jnp.float32)
         + b_ref[...])
    o_ref[...] = (jnp.dot(h, wo_ref[...], preferred_element_type=jnp.float32)
                  + bo_ref[...])


def _row_spec():
    return pl.BlockSpec((BLK, D), lambda i: (i, 0))


def _full_spec(shape):
    return pl.BlockSpec(shape, lambda i: tuple(0 for _ in shape))


def _tc_call(body, num_inputs_rowwise, num_full, full_shapes):
    in_specs = [_row_spec() for _ in range(num_inputs_rowwise)]
    in_specs += [_full_spec(s) for s in full_shapes]
    return pl.pallas_call(
        body,
        grid=(N // BLK,),
        in_specs=in_specs,
        out_specs=_row_spec(),
        out_shape=jax.ShapeDtypeStruct((N, D), jnp.float32),
    )


def kernel(x, edge_index, W_in, b_in, W_self, W_neigh, b_neigh, W_out, b_out):
    idx_pad = N + jnp.arange(EPAD - E, dtype=jnp.int32) % (NP - N)
    src = jnp.concatenate([edge_index[0].astype(jnp.int32), idx_pad])
    src = src.reshape(NCHUNK, CHUNK)
    dst = jnp.concatenate([edge_index[1].astype(jnp.int32), idx_pad])
    dst = dst.reshape(NCHUNK, CHUNK)

    ones_deg = jnp.ones((CHUNK, DEGW), jnp.float32)
    zeros_deg = jnp.zeros((ROWS_PER_TILE, DEGW), jnp.float32)
    zeros_agg = jnp.zeros((ROWS_PER_TILE, D), jnp.float32)

    sc_degree, sc_aggregate = _sc_kernels()
    degp = sc_degree(dst, ones_deg, zeros_deg)

    b_in2 = b_in.reshape(1, D)
    bo2 = b_out.reshape(1, D)

    def _pc_spec(c, w):
        return pl.BlockSpec((1, BLK, w), lambda i, c=c: (c, i, 0))

    k0 = pl.pallas_call(
        _k0_body,
        grid=(N // BLK,),
        in_specs=[pl.BlockSpec((BLK, D), lambda i: (i, 0)),
                  _full_spec((D, D)), _full_spec((1, D))],
        out_specs=_row_spec(),
        out_shape=jax.ShapeDtypeStruct((NP, D), jnp.float32),
    )
    hk = k0(x, W_in, b_in2)

    k1 = pl.pallas_call(
        _k1_body,
        grid=(N // BLK,),
        in_specs=[_row_spec(), _pc_spec(0, D), _pc_spec(1, D),
                  _pc_spec(0, DEGW), _pc_spec(1, DEGW),
                  _full_spec((D, D)), _full_spec((D, D)), _full_spec((1, D))],
        out_specs=_row_spec(),
        out_shape=jax.ShapeDtypeStruct((NP, D), jnp.float32),
    )
    k2 = pl.pallas_call(
        _k2_body,
        grid=(N // BLK,),
        in_specs=[_row_spec(), _pc_spec(0, D), _pc_spec(1, D),
                  _pc_spec(0, DEGW), _pc_spec(1, DEGW),
                  _full_spec((D, D)), _full_spec((D, D)), _full_spec((1, D)),
                  _full_spec((D, D)), _full_spec((1, D))],
        out_specs=pl.BlockSpec((BLK, D), lambda i: (i, 0)),
        out_shape=jax.ShapeDtypeStruct((N, D), jnp.float32),
    )

    for l in range(L):
        p = sc_aggregate(hk, src, dst, zeros_agg)
        bl = b_neigh[l].reshape(1, D)
        if l < L - 1:
            hk = k1(hk, p, p, degp, degp, W_self[l], W_neigh[l], bl)
        else:
            out = k2(hk, p, p, degp, degp, W_self[l], W_neigh[l], bl,
                     W_out, bo2)
    return out

# --- scband reference (transcript-rebuilt; emitter-appended) ---
"""Pipeline reference for scband-max-ksage-11768210391437 (READ-ONLY COPY).

The authoritative reference and input builder live on the scoring server;
editing this copy changes nothing except your own understanding.
"""

import jax, jax.numpy as jnp
import numpy as np

N = 10000
E = 320000
D_IN = 128
HID = 128
OUT = 128
K = 32
L = 3


def maxk(x, k):
    # MaxK nonlinearity: keep top-k values per row, zero the rest
    vals, idx = jax.lax.top_k(x, k)
    rows = jnp.arange(x.shape[0])[:, None]
    return jnp.zeros_like(x).at[rows, idx].set(vals)


def setup_inputs(seed: int = 0) -> dict:
    key = jax.random.key(seed)
    ks = jax.random.split(key, 10)
    x = jax.random.normal(ks[0], (N, D_IN), dtype=jnp.float32)
    edge_index = jax.random.randint(ks[1], (2, E), 0, N)
    s_in = 1.0 / np.sqrt(D_IN)
    s_h = 1.0 / np.sqrt(HID)
    W_in = jax.random.uniform(ks[2], (D_IN, HID), jnp.float32, -s_in, s_in)
    b_in = jnp.zeros((HID,), jnp.float32)
    W_self = jax.random.uniform(ks[3], (L, HID, HID), jnp.float32, -s_h, s_h)
    W_neigh = jax.random.uniform(ks[4], (L, HID, HID), jnp.float32, -s_h, s_h)
    b_neigh = jnp.zeros((L, HID), jnp.float32)
    W_out = jax.random.uniform(ks[5], (HID, OUT), jnp.float32, -s_h, s_h)
    b_out = jnp.zeros((OUT,), jnp.float32)
    return {"x": x, "edge_index": edge_index, "W_in": W_in, "b_in": b_in,
            "W_self": W_self, "W_neigh": W_neigh, "b_neigh": b_neigh,
            "W_out": W_out, "b_out": b_out}


def reference(x, edge_index, W_in, b_in, W_self, W_neigh, b_neigh, W_out, b_out):
    src = edge_index[0]
    dst = edge_index[1]
    # in-degree for mean aggregation (clamped at 1)
    deg = jax.ops.segment_sum(jnp.ones((E,), jnp.float32), dst, num_segments=N)
    deg = jnp.clip(deg, 1.0, None)
    h = x @ W_in + b_in
    for l in range(L):
        hk = maxk(h, K)
        # mean aggregation over incoming edges (SAGE 'mean' aggregator)
        msg = jnp.take(hk, src, axis=0)
        agg = jax.ops.segment_sum(msg, dst, num_segments=N) / deg[:, None]
        h = hk @ W_self[l] + agg @ W_neigh[l] + b_neigh[l]
    out = h @ W_out + b_out
    return out

if __name__ == "__main__":
    import jax
    _d = setup_inputs()
    print(jax.jit(kernel)(*tuple(_d.values())))

</pallas_src>

<mosaic_0001>
#map = affine_map<(d0, d1) -> (0, 0)>
#map1 = affine_map<(d0, d1) -> (0, 0, 0)>
module attributes {stable_mosaic.version = 14 : i64} {
  func.func @sc_aggregate(%arg0: i32, %arg1: i32, %arg2: memref<10240x128xf32, #tpu.memory_space<hbm>>, %arg3: memref<2560x128xi32, #tpu.memory_space<hbm>>, %arg4: memref<2560x128xi32, #tpu.memory_space<hbm>>, %arg5: memref<640x128xf32, #tpu.memory_space<hbm>>, %arg6: memref<2x10240x128xf32, #tpu.memory_space<hbm>>, %arg7: memref<40x128xi32, #tpu.memory_space<vmem>>, %arg8: memref<40x128xi32, #tpu.memory_space<vmem>>, %arg9: memref<128x128xf32, #tpu.memory_space<vmem>>, %arg10: memref<128x128xf32, #tpu.memory_space<vmem>>, %arg11: memref<10240x128xf32, #tpu.memory_space<vmem_shared>>, %arg12: memref<!tpu.dma_semaphore, #tpu.memory_space<semaphore_mem>>, %arg13: memref<!tpu.dma_semaphore, #tpu.memory_space<semaphore_mem>>, %arg14: memref<!tpu.dma_semaphore, #tpu.memory_space<semaphore_mem>>, %arg15: memref<!tpu.dma_semaphore, #tpu.memory_space<semaphore_mem>>) attributes {dimension_semantics = [#tpu.dimension_semantics<core_parallel>, #tpu.dimension_semantics<subcore_parallel>], iteration_bounds = array<i64: 2, 16>, scalar_prefetch = 0 : i64, scratch_operands = 9 : i64, tpu.core_type = #tpu.core_type<sc_vector_subcore>, window_params = [{transform_indices = #map}, {transform_indices = #map}, {transform_indices = #map}, {transform_indices = #map}, {transform_indices = #map1}]} {
    %mul3A = arith.constant 2 : i32
    %mul3A_0 = arith.muli %arg1, %mul3A : i32
    %add3A = arith.addi %mul3A_0, %arg0 : i32
    %mul3A_1 = arith.constant 640 : i32
    %mul3A_2 = arith.muli %arg1, %mul3A_1 : i32
    "tpu.region"() ({
      %run_scoped3A = tpu.sem_alloc : memref<!tpu.dma_semaphore, #tpu.memory_space<semaphore_mem>>
      %dma_start3A_63 = arith.constant 0 : i32
      %dma_start3A_64 = tpu.memref_slice %arg11[%mul3A_2, %dma_start3A_63] : memref<10240x128xf32, #tpu.memory_space<vmem_shared>> -> memref<640x128xf32, #tpu.memory_space<vmem_shared>>
      tpu.enqueue_dma source(%arg5 : memref<640x128xf32, #tpu.memory_space<hbm>>) target(%dma_start3A_64 : memref<640x128xf32, #tpu.memory_space<vmem_shared>>) target_semaphore(%run_scoped3A : memref<!tpu.dma_semaphore, #tpu.memory_space<semaphore_mem>>)
      %dma_wait3A_65 = arith.constant 0 : i32
      %dma_wait3A_66 = tpu.memref_slice %arg11[%mul3A_2, %dma_wait3A_65] : memref<10240x128xf32, #tpu.memory_space<vmem_shared>> -> memref<640x128xf32, #tpu.memory_space<vmem_shared>>
      tpu.wait_dma2 semaphore(%run_scoped3A : memref<!tpu.dma_semaphore, #tpu.memory_space<semaphore_mem>>) src(%arg5 : memref<640x128xf32, #tpu.memory_space<hbm>>) dst(%dma_wait3A_66 : memref<640x128xf32, #tpu.memory_space<vmem_shared>>)
      tpu.yield
    }) : () -> ()
    %barrier3A = arith.constant 0 : index
    tpu.barrier barrier_id(%barrier3A)
    %mul3A_3 = arith.constant 80 : i32
    %mul3A_4 = arith.muli %add3A, %mul3A_3 : i32
    %add3A_5 = arith.constant 0 : i32
    %add3A_6 = arith.addi %mul3A_4, %add3A_5 : i32
    "tpu.region"() ({
      %run_scoped3A = tpu.sem_alloc : memref<!tpu.dma_semaphore, #tpu.memory_space<semaphore_mem>>
      %dma_start3A_63 = arith.constant 0 : i32
      %dma_start3A_64 = tpu.memref_slice %arg3[%add3A_6, %dma_start3A_63] : memref<2560x128xi32, #tpu.memory_space<hbm>> -> memref<40x128xi32, #tpu.memory_space<hbm>>
      %dma_start3A_65 = arith.constant 0 : i32
      %dma_start3A_66 = tpu.memref_slice %arg3[%add3A_6, %dma_start3A_65] : memref<2560x128xi32, #tpu.memory_space<hbm>> -> memref<40x128xi32, #tpu.memory_space<hbm>>
      tpu.enqueue_dma source(%dma_start3A_66 : memref<40x128xi32, #tpu.memory_space<hbm>>) target(%arg7 : memref<40x128xi32, #tpu.memory_space<vmem>>) target_semaphore(%run_scoped3A : memref<!tpu.dma_semaphore, #tpu.memory_space<semaphore_mem>>)
      %dma_wait3A_67 = arith.constant 0 : i32
      %dma_wait3A_68 = tpu.memref_slice %arg3[%add3A_6, %dma_wait3A_67] : memref<2560x128xi32, #tpu.memory_space<hbm>> -> memref<40x128xi32, #tpu.memory_space<hbm>>
      %dma_wait3A_69 = arith.constant 0 : i32
      %dma_wait3A_70 = tpu.memref_slice %arg3[%add3A_6, %dma_wait3A_69] : memref<2560x128xi32, #tpu.memory_space<hbm>> -> memref<40x128xi32, #tpu.memory_space<hbm>>
      tpu.wait_dma2 semaphore(%run_scoped3A : memref<!tpu.dma_semaphore, #tpu.memory_space<semaphore_mem>>) src(%dma_wait3A_70 : memref<40x128xi32, #tpu.memory_space<hbm>>) dst(%arg7 : memref<40x128xi32, #tpu.memory_space<vmem>>)
      tpu.yield
    }) : () -> ()
    "tpu.region"() ({
      %run_scoped3A = tpu.sem_alloc : memref<!tpu.dma_semaphore, #tpu.memory_space<semaphore_mem>>
      %dma_start3A_63 = arith.constant 0 : i32
      %dma_start3A_64 = tpu.memref_slice %arg4[%add3A_6, %dma_start3A_63] : memref<2560x128xi32, #tpu.memory_space<hbm>> -> memref<40x128xi32, #tpu.memory_space<hbm>>
      %dma_start3A_65 = arith.constant 0 : i32
      %dma_start3A_66 = tpu.memref_slice %arg4[%add3A_6, %dma_start3A_65] : memref<2560x128xi32, #tpu.memory_space<hbm>> -> memref<40x128xi32, #tpu.memory_space<hbm>>
      tpu.enqueue_dma source(%dma_start3A_66 : memref<40x128xi32, #tpu.memory_space<hbm>>) target(%arg8 : memref<40x128xi32, #tpu.memory_space<vmem>>) target_semaphore(%run_scoped3A : memref<!tpu.dma_semaphore, #tpu.memory_space<semaphore_mem>>)
      %dma_wait3A_67 = arith.constant 0 : i32
      %dma_wait3A_68 = tpu.memref_slice %arg4[%add3A_6, %dma_wait3A_67] : memref<2560x128xi32, #tpu.memory_space<hbm>> -> memref<40x128xi32, #tpu.memory_space<hbm>>
      %dma_wait3A_69 = arith.constant 0 : i32
      %dma_wait3A_70 = tpu.memref_slice %arg4[%add3A_6, %dma_wait3A_69] : memref<2560x128xi32, #tpu.memory_space<hbm>> -> memref<40x128xi32, #tpu.memory_space<hbm>>
      tpu.wait_dma2 semaphore(%run_scoped3A : memref<!tpu.dma_semaphore, #tpu.memory_space<semaphore_mem>>) src(%dma_wait3A_70 : memref<40x128xi32, #tpu.memory_space<hbm>>) dst(%arg8 : memref<40x128xi32, #tpu.memory_space<vmem>>)
      tpu.yield
    }) : () -> ()
    %dma_start3A = arith.constant 0 : i32
    %dma_start3A_7 = arith.constant 0 : i32
    %dma_start3A_8 = tpu.memref_slice %arg7[%dma_start3A, %dma_start3A_7] : memref<40x128xi32, #tpu.memory_space<vmem>> -> memref<1x128xi32, #tpu.memory_space<vmem>>
    %dma_start3A_9 = tpu.memref_squeeze %dma_start3A_8 : memref<1x128xi32, #tpu.memory_space<vmem>> -> memref<128xi32, #tpu.memory_space<vmem>>
    %dma_start3A_10 = arith.constant 0 : i32
    %dma_start3A_11 = arith.constant 0 : i32
    %dma_start3A_12 = tpu.memref_slice %arg2[%dma_start3A_10, %dma_start3A_11] : memref<10240x128xf32, #tpu.memory_space<hbm>> -> memref<10240x128xf32, #tpu.memory_space<hbm>>
    tpu.enqueue_indirect_dma source(%dma_start3A_12 : memref<10240x128xf32, #tpu.memory_space<hbm>>) target(%arg9 : memref<128x128xf32, #tpu.memory_space<vmem>>) offsets(%dma_start3A_9 : memref<128xi32, #tpu.memory_space<vmem>>) semaphore(%arg12 : memref<!tpu.dma_semaphore, #tpu.memory_space<semaphore_mem>>)
    %scan3A = arith.constant 0 : i32
    %scan3A_13 = arith.constant 0 : i32
    %scan3A_14 = arith.constant 20 : i32
    %scan3A_15 = arith.addi %scan3A_13, %scan3A_14 : i32
    %scan3A_16 = arith.constant 1 : i32
    scf.for %scan3A_63 = %scan3A_13 to %scan3A_15 step %scan3A_16  : i32 {
      %mul3A_64 = arith.constant 2 : i32
      %mul3A_65 = arith.muli %scan3A_63, %mul3A_64 : i32
      %add3A_66 = arith.constant 0 : i32
      %add3A_67 = arith.addi %mul3A_65, %add3A_66 : i32
      %dma_wait3A_68 = arith.constant 0 : i32
      %dma_wait3A_69 = tpu.memref_slice %arg7[%add3A_67, %dma_wait3A_68] : memref<40x128xi32, #tpu.memory_space<vmem>> -> memref<1x128xi32, #tpu.memory_space<vmem>>
      %dma_wait3A_70 = tpu.memref_squeeze %dma_wait3A_69 : memref<1x128xi32, #tpu.memory_space<vmem>> -> memref<128xi32, #tpu.memory_space<vmem>>
      %dma_wait3A_71 = arith.constant 0 : i32
      %dma_wait3A_72 = arith.constant 0 : i32
      %dma_wait3A_73 = tpu.memref_slice %arg2[%dma_wait3A_71, %dma_wait3A_72] : memref<10240x128xf32, #tpu.memory_space<hbm>> -> memref<10240x128xf32, #tpu.memory_space<hbm>>
      tpu.wait_indirect_dma semaphore(%arg12 : memref<!tpu.dma_semaphore, #tpu.memory_space<semaphore_mem>>) src(%dma_wait3A_73 : memref<10240x128xf32, #tpu.memory_space<hbm>>) dst(%arg9 : memref<128x128xf32, #tpu.memory_space<vmem>>)
      %dma_start3A_74 = arith.constant 0 : i32
      %dma_start3A_75 = tpu.memref_slice %arg8[%add3A_67, %dma_start3A_74] : memref<40x128xi32, #tpu.memory_space<vmem>> -> memref<1x128xi32, #tpu.memory_space<vmem>>
      %dma_start3A_76 = tpu.memref_squeeze %dma_start3A_75 : memref<1x128xi32, #tpu.memory_space<vmem>> -> memref<128xi32, #tpu.memory_space<vmem>>
      %dma_start3A_77 = arith.constant 0 : i32
      %dma_start3A_78 = arith.constant 0 : i32
      %dma_start3A_79 = tpu.memref_slice %arg11[%dma_start3A_77, %dma_start3A_78] : memref<10240x128xf32, #tpu.memory_space<vmem_shared>> -> memref<10240x128xf32, #tpu.memory_space<vmem_shared>>
      tpu.enqueue_indirect_dma source(%arg9 : memref<128x128xf32, #tpu.memory_space<vmem>>) target(%dma_start3A_79 : memref<10240x128xf32, #tpu.memory_space<vmem_shared>>) offsets(%dma_start3A_76 : memref<128xi32, #tpu.memory_space<vmem>>) semaphore(%arg14 : memref<!tpu.dma_semaphore, #tpu.memory_space<semaphore_mem>>) {add = true}
      %add3A_80 = arith.constant 1 : i32
      %add3A_81 = arith.addi %add3A_67, %add3A_80 : i32
      %lt3A = arith.constant 40 : i32
      %lt3A_82 = arith.cmpi slt, %add3A_81, %lt3A : i32
      %ge3A = arith.constant 1 : i32
      %ge3A_83 = arith.cmpi sge, %add3A_67, %ge3A : i32
      %and3A = arith.andi %lt3A_82, %ge3A_83 : i1
      %convert_element_type3A = arith.extui %and3A : i1 to i32
      %cond3A = arith.constant 0 : i32
      %cond3A_84 = arith.cmpi ne, %convert_element_type3A, %cond3A : i32
      scf.if %cond3A_84 {
        %dma_wait3A_125 = arith.constant 0 : i32
        %dma_wait3A_126 = tpu.memref_slice %arg8[%add3A_67, %dma_wait3A_125] : memref<40x128xi32, #tpu.memory_space<vmem>> -> memref<1x128xi32, #tpu.memory_space<vmem>>
        %dma_wait3A_127 = tpu.memref_squeeze %dma_wait3A_126 : memref<1x128xi32, #tpu.memory_space<vmem>> -> memref<128xi32, #tpu.memory_space<vmem>>
        %dma_wait3A_128 = arith.constant 0 : i32
        %dma_wait3A_129 = arith.constant 0 : i32
        %dma_wait3A_130 = tpu.memref_slice %arg11[%dma_wait3A_128, %dma_wait3A_129] : memref<10240x128xf32, #tpu.memory_space<vmem_shared>> -> memref<10240x128xf32, #tpu.memory_space<vmem_shared>>
        tpu.wait_indirect_dma semaphore(%arg15 : memref<!tpu.dma_semaphore, #tpu.memory_space<semaphore_mem>>) src(%arg9 : memref<128x128xf32, #tpu.memory_space<vmem>>) dst(%dma_wait3A_130 : memref<10240x128xf32, #tpu.memory_space<vmem_shared>>)
      } else {
      }
      %add3A_85 = arith.constant 1 : i32
      %add3A_86 = arith.addi %add3A_67, %add3A_85 : i32
      %lt3A_87 = arith.constant 40 : i32
      %lt3A_88 = arith.cmpi slt, %add3A_86, %lt3A_87 : i32
      %convert_element_type3A_89 = arith.extui %lt3A_88 : i1 to i32
      %cond3A_90 = arith.constant 0 : i32
      %cond3A_91 = arith.cmpi ne, %convert_element_type3A_89, %cond3A_90 : i32
      scf.if %cond3A_91 {
        %add3A_125 = arith.constant 1 : i32
        %add3A_126 = arith.addi %add3A_67, %add3A_125 : i32
        %dma_start3A_127 = arith.constant 0 : i32
        %dma_start3A_128 = tpu.memref_slice %arg7[%add3A_126, %dma_start3A_127] : memref<40x128xi32, #tpu.memory_space<vmem>> -> memref<1x128xi32, #tpu.memory_space<vmem>>
        %dma_start3A_129 = tpu.memref_squeeze %dma_start3A_128 : memref<1x128xi32, #tpu.memory_space<vmem>> -> memref<128xi32, #tpu.memory_space<vmem>>
        %dma_start3A_130 = arith.constant 0 : i32
        %dma_start3A_131 = arith.constant 0 : i32
        %dma_start3A_132 = tpu.memref_slice %arg2[%dma_start3A_130, %dma_start3A_131] : memref<10240x128xf32, #tpu.memory_space<hbm>> -> memref<10240x128xf32, #tpu.memory_space<hbm>>
        tpu.enqueue_indirect_dma source(%dma_start3A_132 : memref<10240x128xf32, #tpu.memory_space<hbm>>) target(%arg10 : memref<128x128xf32, #tpu.memory_space<vmem>>) offsets(%dma_start3A_129 : memref<128xi32, #tpu.memory_space<vmem>>) semaphore(%arg13 : memref<!tpu.dma_semaphore, #tpu.memory_space<semaphore_mem>>)
      } else {
      }
      %mul3A_92 = arith.constant 2 : i32
      %mul3A_93 = arith.muli %scan3A_63, %mul3A_92 : i32
      %add3A_94 = arith.constant 1 : i32
      %add3A_95 = arith.addi %mul3A_93, %add3A_94 : i32
      %dma_wait3A_96 = arith.constant 0 : i32
      %dma_wait3A_97 = tpu.memref_slice %arg7[%add3A_95, %dma_wait3A_96] : memref<40x128xi32, #tpu.memory_space<vmem>> -> memref<1x128xi32, #tpu.memory_space<vmem>>
      %dma_wait3A_98 = tpu.memref_squeeze %dma_wait3A_97 : memref<1x128xi32, #tpu.memory_space<vmem>> -> memref<128xi32, #tpu.memory_space<vmem>>
      %dma_wait3A_99 = arith.constant 0 : i32
      %dma_wait3A_100 = arith.constant 0 : i32
      %dma_wait3A_101 = tpu.memref_slice %arg2[%dma_wait3A_99, %dma_wait3A_100] : memref<10240x128xf32, #tpu.memory_space<hbm>> -> memref<10240x128xf32, #tpu.memory_space<hbm>>
      tpu.wait_indirect_dma semaphore(%arg13 : memref<!tpu.dma_semaphore, #tpu.memory_space<semaphore_mem>>) src(%dma_wait3A_101 : memref<10240x128xf32, #tpu.memory_space<hbm>>) dst(%arg10 : memref<128x128xf32, #tpu.memory_space<vmem>>)
      %dma_start3A_102 = arith.constant 0 : i32
      %dma_start3A_103 = tpu.memref_slice %arg8[%add3A_95, %dma_start3A_102] : memref<40x128xi32, #tpu.memory_space<vmem>> -> memref<1x128xi32, #tpu.memory_space<vmem>>
      %dma_start3A_104 = tpu.memref_squeeze %dma_start3A_103 : memref<1x128xi32, #tpu.memory_space<vmem>> -> memref<128xi32, #tpu.memory_space<vmem>>
      %dma_start3A_105 = arith.constant 0 : i32
      %dma_start3A_106 = arith.constant 0 : i32
      %dma_start3A_107 = tpu.memref_slice %arg11[%dma_start3A_105, %dma_start3A_106] : memref<10240x128xf32, #tpu.memory_space<vmem_shared>> -> memref<10240x128xf32, #tpu.memory_space<vmem_shared>>
      tpu.enqueue_indirect_dma source(%arg10 : memref<128x128xf32, #tpu.memory_space<vmem>>) target(%dma_start3A_107 : memref<10240x128xf32, #tpu.memory_space<vmem_shared>>) offsets(%dma_start3A_104 : memref<128xi32, #tpu.memory_space<vmem>>) semaphore(%arg15 : memref<!tpu.dma_semaphore, #tpu.memory_space<semaphore_mem>>) {add = true}
      %add3A_108 = arith.constant 1 : i32
      %add3A_109 = arith.addi %add3A_95, %add3A_108 : i32
      %lt3A_110 = arith.constant 40 : i32
      %lt3A_111 = arith.cmpi slt, %add3A_109, %lt3A_110 : i32
      %ge3A_112 = arith.constant 1 : i32
      %ge3A_113 = arith.cmpi sge, %add3A_95, %ge3A_112 : i32
      %and3A_114 = arith.andi %lt3A_111, %ge3A_113 : i1
      %convert_element_type3A_115 = arith.extui %and3A_114 : i1 to i32
      %cond3A_116 = arith.constant 0 : i32
      %cond3A_117 = arith.cmpi ne, %convert_element_type3A_115, %cond3A_116 : i32
      scf.if %cond3A_117 {
        %dma_wait3A_125 = arith.constant 0 : i32
        %dma_wait3A_126 = tpu.memref_slice %arg8[%add3A_95, %dma_wait3A_125] : memref<40x128xi32, #tpu.memory_space<vmem>> -> memref<1x128xi32, #tpu.memory_space<vmem>>
        %dma_wait3A_127 = tpu.memref_squeeze %dma_wait3A_126 : memref<1x128xi32, #tpu.memory_space<vmem>> -> memref<128xi32, #tpu.memory_space<vmem>>
        %dma_wait3A_128 = arith.constant 0 : i32
        %dma_wait3A_129 = arith.constant 0 : i32
        %dma_wait3A_130 = tpu.memref_slice %arg11[%dma_wait3A_128, %dma_wait3A_129] : memref<10240x128xf32, #tpu.memory_space<vmem_shared>> -> memref<10240x128xf32, #tpu.memory_space<vmem_shared>>
        tpu.wait_indirect_dma semaphore(%arg14 : memref<!tpu.dma_semaphore, #tpu.memory_space<semaphore_mem>>) src(%arg10 : memref<128x128xf32, #tpu.memory_space<vmem>>) dst(%dma_wait3A_130 : memref<10240x128xf32, #tpu.memory_space<vmem_shared>>)
      } else {
      }
      %add3A_118 = arith.constant 1 : i32
      %add3A_119 = arith.addi %add3A_95, %add3A_118 : i32
      %lt3A_120 = arith.constant 40 : i32
      %lt3A_121 = arith.cmpi slt, %add3A_119, %lt3A_120 : i32
      %convert_element_type3A_122 = arith.extui %lt3A_121 : i1 to i32
      %cond3A_123 = arith.constant 0 : i32
      %cond3A_124 = arith.cmpi ne, %convert_element_type3A_122, %cond3A_123 : i32
      scf.if %cond3A_124 {
        %add3A_125 = arith.constant 1 : i32
        %add3A_126 = arith.addi %add3A_95, %add3A_125 : i32
        %dma_start3A_127 = arith.constant 0 : i32
        %dma_start3A_128 = tpu.memref_slice %arg7[%add3A_126, %dma_start3A_127] : memref<40x128xi32, #tpu.memory_space<vmem>> -> memref<1x128xi32, #tpu.memory_space<vmem>>
        %dma_start3A_129 = tpu.memref_squeeze %dma_start3A_128 : memref<1x128xi32, #tpu.memory_space<vmem>> -> memref<128xi32, #tpu.memory_space<vmem>>
        %dma_start3A_130 = arith.constant 0 : i32
        %dma_start3A_131 = arith.constant 0 : i32
        %dma_start3A_132 = tpu.memref_slice %arg2[%dma_start3A_130, %dma_start3A_131] : memref<10240x128xf32, #tpu.memory_space<hbm>> -> memref<10240x128xf32, #tpu.memory_space<hbm>>
        tpu.enqueue_indirect_dma source(%dma_start3A_132 : memref<10240x128xf32, #tpu.memory_space<hbm>>) target(%arg9 : memref<128x128xf32, #tpu.memory_space<vmem>>) offsets(%dma_start3A_129 : memref<128xi32, #tpu.memory_space<vmem>>) semaphore(%arg12 : memref<!tpu.dma_semaphore, #tpu.memory_space<semaphore_mem>>)
      } else {
      }
    }
    %scan3A_17 = arith.constant 20 : i32
    %dma_wait3A = arith.constant 0 : i32
    %dma_wait3A_18 = arith.constant 0 : i32
    %dma_wait3A_19 = tpu.memref_slice %arg8[%dma_wait3A, %dma_wait3A_18] : memref<40x128xi32, #tpu.memory_space<vmem>> -> memref<1x128xi32, #tpu.memory_space<vmem>>
    %dma_wait3A_20 = tpu.memref_squeeze %dma_wait3A_19 : memref<1x128xi32, #tpu.memory_space<vmem>> -> memref<128xi32, #tpu.memory_space<vmem>>
    %dma_wait3A_21 = arith.constant 0 : i32
    %dma_wait3A_22 = arith.constant 0 : i32
    %dma_wait3A_23 = tpu.memref_slice %arg11[%dma_wait3A_21, %dma_wait3A_22] : memref<10240x128xf32, #tpu.memory_space<vmem_shared>> -> memref<10240x128xf32, #tpu.memory_space<vmem_shared>>
    tpu.wait_indirect_dma semaphore(%arg14 : memref<!tpu.dma_semaphore, #tpu.memory_space<semaphore_mem>>) src(%arg9 : memref<128x128xf32, #tpu.memory_space<vmem>>) dst(%dma_wait3A_23 : memref<10240x128xf32, #tpu.memory_space<vmem_shared>>)
    %dma_wait3A_24 = arith.constant 0 : i32
    %dma_wait3A_25 = arith.constant 0 : i32
    %dma_wait3A_26 = tpu.memref_slice %arg8[%dma_wait3A_24, %dma_wait3A_25] : memref<40x128xi32, #tpu.memory_space<vmem>> -> memref<1x128xi32, #tpu.memory_space<vmem>>
    %dma_wait3A_27 = tpu.memref_squeeze %dma_wait3A_26 : memref<1x128xi32, #tpu.memory_space<vmem>> -> memref<128xi32, #tpu.memory_space<vmem>>
    %dma_wait3A_28 = arith.constant 0 : i32
    %dma_wait3A_29 = arith.constant 0 : i32
    %dma_wait3A_30 = tpu.memref_slice %arg11[%dma_wait3A_28, %dma_wait3A_29] : memref<10240x128xf32, #tpu.memory_space<vmem_shared>> -> memref<10240x128xf32, #tpu.memory_space<vmem_shared>>
    tpu.wait_indirect_dma semaphore(%arg15 : memref<!tpu.dma_semaphore, #tpu.memory_space<semaphore_mem>>) src(%arg10 : memref<128x128xf32, #tpu.memory_space<vmem>>) dst(%dma_wait3A_30 : memref<10240x128xf32, #tpu.memory_space<vmem_shared>>)
    %mul3A_31 = arith.constant 80 : i32
    %mul3A_32 = arith.muli %add3A, %mul3A_31 : i32
    %add3A_33 = arith.constant 40 : i32
    %add3A_34 = arith.addi %mul3A_32, %add3A_33 : i32
    "tpu.region"() ({
      %run_scoped3A = tpu.sem_alloc : memref<!tpu.dma_semaphore, #tpu.memory_space<semaphore_mem>>
      %dma_start3A_63 = arith.constant 0 : i32
      %dma_start3A_64 = tpu.memref_slice %arg3[%add3A_34, %dma_start3A_63] : memref<2560x128xi32, #tpu.memory_space<hbm>> -> memref<40x128xi32, #tpu.memory_space<hbm>>
      %dma_start3A_65 = arith.constant 0 : i32
      %dma_start3A_66 = tpu.memref_slice %arg3[%add3A_34, %dma_start3A_65] : memref<2560x128xi32, #tpu.memory_space<hbm>> -> memref<40x128xi32, #tpu.memory_space<hbm>>
      tpu.enqueue_dma source(%dma_start3A_66 : memref<40x128xi32, #tpu.memory_space<hbm>>) target(%arg7 : memref<40x128xi32, #tpu.memory_space<vmem>>) target_semaphore(%run_scoped3A : memref<!tpu.dma_semaphore, #tpu.memory_space<semaphore_mem>>)
      %dma_wait3A_67 = arith.constant 0 : i32
      %dma_wait3A_68 = tpu.memref_slice %arg3[%add3A_34, %dma_wait3A_67] : memref<2560x128xi32, #tpu.memory_space<hbm>> -> memref<40x128xi32, #tpu.memory_space<hbm>>
      %dma_wait3A_69 = arith.constant 0 : i32
      %dma_wait3A_70 = tpu.memref_slice %arg3[%add3A_34, %dma_wait3A_69] : memref<2560x128xi32, #tpu.memory_space<hbm>> -> memref<40x128xi32, #tpu.memory_space<hbm>>
      tpu.wait_dma2 semaphore(%run_scoped3A : memref<!tpu.dma_semaphore, #tpu.memory_space<semaphore_mem>>) src(%dma_wait3A_70 : memref<40x128xi32, #tpu.memory_space<hbm>>) dst(%arg7 : memref<40x128xi32, #tpu.memory_space<vmem>>)
      tpu.yield
    }) : () -> ()
    "tpu.region"() ({
      %run_scoped3A = tpu.sem_alloc : memref<!tpu.dma_semaphore, #tpu.memory_space<semaphore_mem>>
      %dma_start3A_63 = arith.constant 0 : i32
      %dma_start3A_64 = tpu.memref_slice %arg4[%add3A_34, %dma_start3A_63] : memref<2560x128xi32, #tpu.memory_space<hbm>> -> memref<40x128xi32, #tpu.memory_space<hbm>>
      %dma_start3A_65 = arith.constant 0 : i32
      %dma_start3A_66 = tpu.memref_slice %arg4[%add3A_34, %dma_start3A_65] : memref<2560x128xi32, #tpu.memory_space<hbm>> -> memref<40x128xi32, #tpu.memory_space<hbm>>
      tpu.enqueue_dma source(%dma_start3A_66 : memref<40x128xi32, #tpu.memory_space<hbm>>) target(%arg8 : memref<40x128xi32, #tpu.memory_space<vmem>>) target_semaphore(%run_scoped3A : memref<!tpu.dma_semaphore, #tpu.memory_space<semaphore_mem>>)
      %dma_wait3A_67 = arith.constant 0 : i32
      %dma_wait3A_68 = tpu.memref_slice %arg4[%add3A_34, %dma_wait3A_67] : memref<2560x128xi32, #tpu.memory_space<hbm>> -> memref<40x128xi32, #tpu.memory_space<hbm>>
      %dma_wait3A_69 = arith.constant 0 : i32
      %dma_wait3A_70 = tpu.memref_slice %arg4[%add3A_34, %dma_wait3A_69] : memref<2560x128xi32, #tpu.memory_space<hbm>> -> memref<40x128xi32, #tpu.memory_space<hbm>>
      tpu.wait_dma2 semaphore(%run_scoped3A : memref<!tpu.dma_semaphore, #tpu.memory_space<semaphore_mem>>) src(%dma_wait3A_70 : memref<40x128xi32, #tpu.memory_space<hbm>>) dst(%arg8 : memref<40x128xi32, #tpu.memory_space<vmem>>)
      tpu.yield
    }) : () -> ()
    %dma_start3A_35 = arith.constant 0 : i32
    %dma_start3A_36 = arith.constant 0 : i32
    %dma_start3A_37 = tpu.memref_slice %arg7[%dma_start3A_35, %dma_start3A_36] : memref<40x128xi32, #tpu.memory_space<vmem>> -> memref<1x128xi32, #tpu.memory_space<vmem>>
    %dma_start3A_38 = tpu.memref_squeeze %dma_start3A_37 : memref<1x128xi32, #tpu.memory_space<vmem>> -> memref<128xi32, #tpu.memory_space<vmem>>
    %dma_start3A_39 = arith.constant 0 : i32
    %dma_start3A_40 = arith.constant 0 : i32
    %dma_start3A_41 = tpu.memref_slice %arg2[%dma_start3A_39, %dma_start3A_40] : memref<10240x128xf32, #tpu.memory_space<hbm>> -> memref<10240x128xf32, #tpu.memory_space<hbm>>
    tpu.enqueue_indirect_dma source(%dma_start3A_41 : memref<10240x128xf32, #tpu.memory_space<hbm>>) target(%arg9 : memref<128x128xf32, #tpu.memory_space<vmem>>) offsets(%dma_start3A_38 : memref<128xi32, #tpu.memory_space<vmem>>) semaphore(%arg12 : memref<!tpu.dma_semaphore, #tpu.memory_space<semaphore_mem>>)
    %scan3A_42 = arith.constant 0 : i32
    %scan3A_43 = arith.constant 0 : i32
    %scan3A_44 = arith.constant 20 : i32
    %scan3A_45 = arith.addi %scan3A_43, %scan3A_44 : i32
    %scan3A_46 = arith.constant 1 : i32
    scf.for %scan3A_63 = %scan3A_43 to %scan3A_45 step %scan3A_46  : i32 {
      %mul3A_64 = arith.constant 2 : i32
      %mul3A_65 = arith.muli %scan3A_63, %mul3A_64 : i32
      %add3A_66 = arith.constant 0 : i32
      %add3A_67 = arith.addi %mul3A_65, %add3A_66 : i32
      %dma_wait3A_68 = arith.constant 0 : i32
      %dma_wait3A_69 = tpu.memref_slice %arg7[%add3A_67, %dma_wait3A_68] : memref<40x128xi32, #tpu.memory_space<vmem>> -> memref<1x128xi32, #tpu.memory_space<vmem>>
      %dma_wait3A_70 = tpu.memref_squeeze %dma_wait3A_69 : memref<1x128xi32, #tpu.memory_space<vmem>> -> memref<128xi32, #tpu.memory_space<vmem>>
      %dma_wait3A_71 = arith.constant 0 : i32
      %dma_wait3A_72 = arith.constant 0 : i32
      %dma_wait3A_73 = tpu.memref_slice %arg2[%dma_wait3A_71, %dma_wait3A_72] : memref<10240x128xf32, #tpu.memory_space<hbm>> -> memref<10240x128xf32, #tpu.memory_space<hbm>>
      tpu.wait_indirect_dma semaphore(%arg12 : memref<!tpu.dma_semaphore, #tpu.memory_space<semaphore_mem>>) src(%dma_wait3A_73 : memref<10240x128xf32, #tpu.memory_space<hbm>>) dst(%arg9 : memref<128x128xf32, #tpu.memory_space<vmem>>)
      %dma_start3A_74 = arith.constant 0 : i32
      %dma_start3A_75 = tpu.memref_slice %arg8[%add3A_67, %dma_start3A_74] : memref<40x128xi32, #tpu.memory_space<vmem>> -> memref<1x128xi32, #tpu.memory_space<vmem>>
      %dma_start3A_76 = tpu.memref_squeeze %dma_start3A_75 : memref<1x128xi32, #tpu.memory_space<vmem>> -> memref<128xi32, #tpu.memory_space<vmem>>
      %dma_start3A_77 = arith.constant 0 : i32
      %dma_start3A_78 = arith.constant 0 : i32
      %dma_start3A_79 = tpu.memref_slice %arg11[%dma_start3A_77, %dma_start3A_78] : memref<10240x128xf32, #tpu.memory_space<vmem_shared>> -> memref<10240x128xf32, #tpu.memory_space<vmem_shared>>
      tpu.enqueue_indirect_dma source(%arg9 : memref<128x128xf32, #tpu.memory_space<vmem>>) target(%dma_start3A_79 : memref<10240x128xf32, #tpu.memory_space<vmem_shared>>) offsets(%dma_start3A_76 : memref<128xi32, #tpu.memory_space<vmem>>) semaphore(%arg14 : memref<!tpu.dma_semaphore, #tpu.memory_space<semaphore_mem>>) {add = true}
      %add3A_80 = arith.constant 1 : i32
      %add3A_81 = arith.addi %add3A_67, %add3A_80 : i32
      %lt3A = arith.constant 40 : i32
      %lt3A_82 = arith.cmpi slt, %add3A_81, %lt3A : i32
      %ge3A = arith.constant 1 : i32
      %ge3A_83 = arith.cmpi sge, %add3A_67, %ge3A : i32
      %and3A = arith.andi %lt3A_82, %ge3A_83 : i1
      %convert_element_type3A = arith.extui %and3A : i1 to i32
      %cond3A = arith.constant 0 : i32
      %cond3A_84 = arith.cmpi ne, %convert_element_type3A, %cond3A : i32
      scf.if %cond3A_84 {
        %dma_wait3A_125 = arith.constant 0 : i32
        %dma_wait3A_126 = tpu.memref_slice %arg8[%add3A_67, %dma_wait3A_125] : memref<40x128xi32, #tpu.memory_space<vmem>> -> memref<1x128xi32, #tpu.memory_space<vmem>>
        %dma_wait3A_127 = tpu.memref_squeeze %dma_wait3A_126 : memref<1x128xi32, #tpu.memory_space<vmem>> -> memref<128xi32, #tpu.memory_space<vmem>>
        %dma_wait3A_128 = arith.constant 0 : i32
        %dma_wait3A_129 = arith.constant 0 : i32
        %dma_wait3A_130 = tpu.memref_slice %arg11[%dma_wait3A_128, %dma_wait3A_129] : memref<10240x128xf32, #tpu.memory_space<vmem_shared>> -> memref<10240x128xf32, #tpu.memory_space<vmem_shared>>
        tpu.wait_indirect_dma semaphore(%arg15 : memref<!tpu.dma_semaphore, #tpu.memory_space<semaphore_mem>>) src(%arg9 : memref<128x128xf32, #tpu.memory_space<vmem>>) dst(%dma_wait3A_130 : memref<10240x128xf32, #tpu.memory_space<vmem_shared>>)
      } else {
      }
      %add3A_85 = arith.constant 1 : i32
      %add3A_86 = arith.addi %add3A_67, %add3A_85 : i32
      %lt3A_87 = arith.constant 40 : i32
      %lt3A_88 = arith.cmpi slt, %add3A_86, %lt3A_87 : i32
      %convert_element_type3A_89 = arith.extui %lt3A_88 : i1 to i32
      %cond3A_90 = arith.constant 0 : i32
      %cond3A_91 = arith.cmpi ne, %convert_element_type3A_89, %cond3A_90 : i32
      scf.if %cond3A_91 {
        %add3A_125 = arith.constant 1 : i32
        %add3A_126 = arith.addi %add3A_67, %add3A_125 : i32
        %dma_start3A_127 = arith.constant 0 : i32
        %dma_start3A_128 = tpu.memref_slice %arg7[%add3A_126, %dma_start3A_127] : memref<40x128xi32, #tpu.memory_space<vmem>> -> memref<1x128xi32, #tpu.memory_space<vmem>>
        %dma_start3A_129 = tpu.memref_squeeze %dma_start3A_128 : memref<1x128xi32, #tpu.memory_space<vmem>> -> memref<128xi32, #tpu.memory_space<vmem>>
        %dma_start3A_130 = arith.constant 0 : i32
        %dma_start3A_131 = arith.constant 0 : i32
        %dma_start3A_132 = tpu.memref_slice %arg2[%dma_start3A_130, %dma_start3A_131] : memref<10240x128xf32, #tpu.memory_space<hbm>> -> memref<10240x128xf32, #tpu.memory_space<hbm>>
        tpu.enqueue_indirect_dma source(%dma_start3A_132 : memref<10240x128xf32, #tpu.memory_space<hbm>>) target(%arg10 : memref<128x128xf32, #tpu.memory_space<vmem>>) offsets(%dma_start3A_129 : memref<128xi32, #tpu.memory_space<vmem>>) semaphore(%arg13 : memref<!tpu.dma_semaphore, #tpu.memory_space<semaphore_mem>>)
      } else {
      }
      %mul3A_92 = arith.constant 2 : i32
      %mul3A_93 = arith.muli %scan3A_63, %mul3A_92 : i32
      %add3A_94 = arith.constant 1 : i32
      %add3A_95 = arith.addi %mul3A_93, %add3A_94 : i32
      %dma_wait3A_96 = arith.constant 0 : i32
      %dma_wait3A_97 = tpu.memref_slice %arg7[%add3A_95, %dma_wait3A_96] : memref<40x128xi32, #tpu.memory_space<vmem>> -> memref<1x128xi32, #tpu.memory_space<vmem>>
      %dma_wait3A_98 = tpu.memref_squeeze %dma_wait3A_97 : memref<1x128xi32, #tpu.memory_space<vmem>> -> memref<128xi32, #tpu.memory_space<vmem>>
      %dma_wait3A_99 = arith.constant 0 : i32
      %dma_wait3A_100 = arith.constant 0 : i32
      %dma_wait3A_101 = tpu.memref_slice %arg2[%dma_wait3A_99, %dma_wait3A_100] : memref<10240x128xf32, #tpu.memory_space<hbm>> -> memref<10240x128xf32, #tpu.memory_space<hbm>>
      tpu.wait_indirect_dma semaphore(%arg13 : memref<!tpu.dma_semaphore, #tpu.memory_space<semaphore_mem>>) src(%dma_wait3A_101 : memref<10240x128xf32, #tpu.memory_space<hbm>>) dst(%arg10 : memref<128x128xf32, #tpu.memory_space<vmem>>)
      %dma_start3A_102 = arith.constant 0 : i32
      %dma_start3A_103 = tpu.memref_slice %arg8[%add3A_95, %dma_start3A_102] : memref<40x128xi32, #tpu.memory_space<vmem>> -> memref<1x128xi32, #tpu.memory_space<vmem>>
      %dma_start3A_104 = tpu.memref_squeeze %dma_start3A_103 : memref<1x128xi32, #tpu.memory_space<vmem>> -> memref<128xi32, #tpu.memory_space<vmem>>
      %dma_start3A_105 = arith.constant 0 : i32
      %dma_start3A_106 = arith.constant 0 : i32
      %dma_start3A_107 = tpu.memref_slice %arg11[%dma_start3A_105, %dma_start3A_106] : memref<10240x128xf32, #tpu.memory_space<vmem_shared>> -> memref<10240x128xf32, #tpu.memory_space<vmem_shared>>
      tpu.enqueue_indirect_dma source(%arg10 : memref<128x128xf32, #tpu.memory_space<vmem>>) target(%dma_start3A_107 : memref<10240x128xf32, #tpu.memory_space<vmem_shared>>) offsets(%dma_start3A_104 : memref<128xi32, #tpu.memory_space<vmem>>) semaphore(%arg15 : memref<!tpu.dma_semaphore, #tpu.memory_space<semaphore_mem>>) {add = true}
      %add3A_108 = arith.constant 1 : i32
      %add3A_109 = arith.addi %add3A_95, %add3A_108 : i32
      %lt3A_110 = arith.constant 40 : i32
      %lt3A_111 = arith.cmpi slt, %add3A_109, %lt3A_110 : i32
      %ge3A_112 = arith.constant 1 : i32
      %ge3A_113 = arith.cmpi sge, %add3A_95, %ge3A_112 : i32
      %and3A_114 = arith.andi %lt3A_111, %ge3A_113 : i1
      %convert_element_type3A_115 = arith.extui %and3A_114 : i1 to i32
      %cond3A_116 = arith.constant 0 : i32
      %cond3A_117 = arith.cmpi ne, %convert_element_type3A_115, %cond3A_116 : i32
      scf.if %cond3A_117 {
        %dma_wait3A_125 = arith.constant 0 : i32
        %dma_wait3A_126 = tpu.memref_slice %arg8[%add3A_95, %dma_wait3A_125] : memref<40x128xi32, #tpu.memory_space<vmem>> -> memref<1x128xi32, #tpu.memory_space<vmem>>
        %dma_wait3A_127 = tpu.memref_squeeze %dma_wait3A_126 : memref<1x128xi32, #tpu.memory_space<vmem>> -> memref<128xi32, #tpu.memory_space<vmem>>
        %dma_wait3A_128 = arith.constant 0 : i32
        %dma_wait3A_129 = arith.constant 0 : i32
        %dma_wait3A_130 = tpu.memref_slice %arg11[%dma_wait3A_128, %dma_wait3A_129] : memref<10240x128xf32, #tpu.memory_space<vmem_shared>> -> memref<10240x128xf32, #tpu.memory_space<vmem_shared>>
        tpu.wait_indirect_dma semaphore(%arg14 : memref<!tpu.dma_semaphore, #tpu.memory_space<semaphore_mem>>) src(%arg10 : memref<128x128xf32, #tpu.memory_space<vmem>>) dst(%dma_wait3A_130 : memref<10240x128xf32, #tpu.memory_space<vmem_shared>>)
      } else {
      }
      %add3A_118 = arith.constant 1 : i32
      %add3A_119 = arith.addi %add3A_95, %add3A_118 : i32
      %lt3A_120 = arith.constant 40 : i32
      %lt3A_121 = arith.cmpi slt, %add3A_119, %lt3A_120 : i32
      %convert_element_type3A_122 = arith.extui %lt3A_121 : i1 to i32
      %cond3A_123 = arith.constant 0 : i32
      %cond3A_124 = arith.cmpi ne, %convert_element_type3A_122, %cond3A_123 : i32
      scf.if %cond3A_124 {
        %add3A_125 = arith.constant 1 : i32
        %add3A_126 = arith.addi %add3A_95, %add3A_125 : i32
        %dma_start3A_127 = arith.constant 0 : i32
        %dma_start3A_128 = tpu.memref_slice %arg7[%add3A_126, %dma_start3A_127] : memref<40x128xi32, #tpu.memory_space<vmem>> -> memref<1x128xi32, #tpu.memory_space<vmem>>
        %dma_start3A_129 = tpu.memref_squeeze %dma_start3A_128 : memref<1x128xi32, #tpu.memory_space<vmem>> -> memref<128xi32, #tpu.memory_space<vmem>>
        %dma_start3A_130 = arith.constant 0 : i32
        %dma_start3A_131 = arith.constant 0 : i32
        %dma_start3A_132 = tpu.memref_slice %arg2[%dma_start3A_130, %dma_start3A_131] : memref<10240x128xf32, #tpu.memory_space<hbm>> -> memref<10240x128xf32, #tpu.memory_space<hbm>>
        tpu.enqueue_indirect_dma source(%dma_start3A_132 : memref<10240x128xf32, #tpu.memory_space<hbm>>) target(%arg9 : memref<128x128xf32, #tpu.memory_space<vmem>>) offsets(%dma_start3A_129 : memref<128xi32, #tpu.memory_space<vmem>>) semaphore(%arg12 : memref<!tpu.dma_semaphore, #tpu.memory_space<semaphore_mem>>)
      } else {
      }
    }
    %scan3A_47 = arith.constant 20 : i32
    %dma_wait3A_48 = arith.constant 0 : i32
    %dma_wait3A_49 = arith.constant 0 : i32
    %dma_wait3A_50 = tpu.memref_slice %arg8[%dma_wait3A_48, %dma_wait3A_49] : memref<40x128xi32, #tpu.memory_space<vmem>> -> memref<1x128xi32, #tpu.memory_space<vmem>>
    %dma_wait3A_51 = tpu.memref_squeeze %dma_wait3A_50 : memref<1x128xi32, #tpu.memory_space<vmem>> -> memref<128xi32, #tpu.memory_space<vmem>>
    %dma_wait3A_52 = arith.constant 0 : i32
    %dma_wait3A_53 = arith.constant 0 : i32
    %dma_wait3A_54 = tpu.memref_slice %arg11[%dma_wait3A_52, %dma_wait3A_53] : memref<10240x128xf32, #tpu.memory_space<vmem_shared>> -> memref<10240x128xf32, #tpu.memory_space<vmem_shared>>
    tpu.wait_indirect_dma semaphore(%arg14 : memref<!tpu.dma_semaphore, #tpu.memory_space<semaphore_mem>>) src(%arg9 : memref<128x128xf32, #tpu.memory_space<vmem>>) dst(%dma_wait3A_54 : memref<10240x128xf32, #tpu.memory_space<vmem_shared>>)
    %dma_wait3A_55 = arith.constant 0 : i32
    %dma_wait3A_56 = arith.constant 0 : i32
    %dma_wait3A_57 = tpu.memref_slice %arg8[%dma_wait3A_55, %dma_wait3A_56] : memref<40x128xi32, #tpu.memory_space<vmem>> -> memref<1x128xi32, #tpu.memory_space<vmem>>
    %dma_wait3A_58 = tpu.memref_squeeze %dma_wait3A_57 : memref<1x128xi32, #tpu.memory_space<vmem>> -> memref<128xi32, #tpu.memory_space<vmem>>
    %dma_wait3A_59 = arith.constant 0 : i32
    %dma_wait3A_60 = arith.constant 0 : i32
    %dma_wait3A_61 = tpu.memref_slice %arg11[%dma_wait3A_59, %dma_wait3A_60] : memref<10240x128xf32, #tpu.memory_space<vmem_shared>> -> memref<10240x128xf32, #tpu.memory_space<vmem_shared>>
    tpu.wait_indirect_dma semaphore(%arg15 : memref<!tpu.dma_semaphore, #tpu.memory_space<semaphore_mem>>) src(%arg10 : memref<128x128xf32, #tpu.memory_space<vmem>>) dst(%dma_wait3A_61 : memref<10240x128xf32, #tpu.memory_space<vmem_shared>>)
    %barrier3A_62 = arith.constant 0 : index
    tpu.barrier barrier_id(%barrier3A_62)
    "tpu.region"() ({
      %run_scoped3A = tpu.sem_alloc : memref<!tpu.dma_semaphore, #tpu.memory_space<semaphore_mem>>
      %dma_start3A_63 = arith.constant 0 : i32
      %dma_start3A_64 = tpu.memref_slice %arg6[%arg0, %mul3A_2, %dma_start3A_63] : memref<2x10240x128xf32, #tpu.memory_space<hbm>> -> memref<1x640x128xf32, #tpu.memory_space<hbm>>
      %dma_start3A_65 = tpu.memref_squeeze %dma_start3A_64 : memref<1x640x128xf32, #tpu.memory_space<hbm>> -> memref<640x128xf32, #tpu.memory_space<hbm>>
      %dma_start3A_66 = arith.constant 0 : i32
      %dma_start3A_67 = tpu.memref_slice %arg11[%mul3A_2, %dma_start3A_66] : memref<10240x128xf32, #tpu.memory_space<vmem_shared>> -> memref<640x128xf32, #tpu.memory_space<vmem_shared>>
      tpu.enqueue_dma source(%dma_start3A_67 : memref<640x128xf32, #tpu.memory_space<vmem_shared>>) target(%dma_start3A_65 : memref<640x128xf32, #tpu.memory_space<hbm>>) target_semaphore(%run_scoped3A : memref<!tpu.dma_semaphore, #tpu.memory_space<semaphore_mem>>)
      %dma_wait3A_68 = arith.constant 0 : i32
      %dma_wait3A_69 = tpu.memref_slice %arg6[%arg0, %mul3A_2, %dma_wait3A_68] : memref<2x10240x128xf32, #tpu.memory_space<hbm>> -> memref<1x640x128xf32, #tpu.memory_space<hbm>>
      %dma_wait3A_70 = tpu.memref_squeeze %dma_wait3A_69 : memref<1x640x128xf32, #tpu.memory_space<hbm>> -> memref<640x128xf32, #tpu.memory_space<hbm>>
      %dma_wait3A_71 = arith.constant 0 : i32
      %dma_wait3A_72 = tpu.memref_slice %arg11[%mul3A_2, %dma_wait3A_71] : memref<10240x128xf32, #tpu.memory_space<vmem_shared>> -> memref<640x128xf32, #tpu.memory_space<vmem_shared>>
      tpu.wait_dma2 semaphore(%run_scoped3A : memref<!tpu.dma_semaphore, #tpu.memory_space<semaphore_mem>>) src(%dma_wait3A_72 : memref<640x128xf32, #tpu.memory_space<vmem_shared>>) dst(%dma_wait3A_70 : memref<640x128xf32, #tpu.memory_space<hbm>>)
      tpu.yield
    }) : () -> ()
    return
  }
}

#map = affine_map<(d0, d1) -> (0, 0)>
#map1 = affine_map<(d0, d1) -> (0, 0, 0)>
module attributes {stable_mosaic.version = 14 : i64} {
  func.func @sc_aggregate(%arg0: i32, %arg1: i32, %arg2: memref<10240x128xf32, #tpu.memory_space<hbm>>, %arg3: memref<2560x128xi32, #tpu.memory_space<hbm>>, %arg4: memref<2560x128xi32, #tpu.memory_space<hbm>>, %arg5: memref<640x128xf32, #tpu.memory_space<hbm>>, %arg6: memref<2x10240x128xf32, #tpu.memory_space<hbm>>, %arg7: memref<40x128xi32, #tpu.memory_space<vmem>>, %arg8: memref<40x128xi32, #tpu.memory_space<vmem>>, %arg9: memref<128x128xf32, #tpu.memory_space<vmem>>, %arg10: memref<128x128xf32, #tpu.memory_space<vmem>>, %arg11: memref<10240x128xf32, #tpu.memory_space<vmem_shared>>, %arg12: memref<!tpu.dma_semaphore, #tpu.memory_space<semaphore_mem>>, %arg13: memref<!tpu.dma_semaphore, #tpu.memory_space<semaphore_mem>>, %arg14: memref<!tpu.dma_semaphore, #tpu.memory_space<semaphore_mem>>, %arg15: memref<!tpu.dma_semaphore, #tpu.memory_space<semaphore_mem>>) attributes {dimension_semantics = [#tpu.dimension_semantics<core_parallel>, #tpu.dimension_semantics<subcore_parallel>], iteration_bounds = array<i64: 2, 16>, scalar_prefetch = 0 : i64, scratch_operands = 9 : i64, tpu.core_type = #tpu.core_type<sc_vector_subcore>, window_params = [{transform_indices = #map}, {transform_indices = #map}, {transform_indices = #map}, {transform_indices = #map}, {transform_indices = #map1}]} {
    %mul3A = arith.constant 2 : i32
    %mul3A_0 = arith.muli %arg1, %mul3A : i32
    %add3A = arith.addi %mul3A_0, %arg0 : i32
    %mul3A_1 = arith.constant 640 : i32
    %mul3A_2 = arith.muli %arg1, %mul3A_1 : i32
    "tpu.region"() ({
      %run_scoped3A = tpu.sem_alloc : memref<!tpu.dma_semaphore, #tpu.memory_space<semaphore_mem>>
      %dma_start3A_63 = arith.constant 0 : i32
      %dma_start3A_64 = tpu.memref_slice %arg11[%mul3A_2, %dma_start3A_63] : memref<10240x128xf32, #tpu.memory_space<vmem_shared>> -> memref<640x128xf32, #tpu.memory_space<vmem_shared>>
      tpu.enqueue_dma source(%arg5 : memref<640x128xf32, #tpu.memory_space<hbm>>) target(%dma_start3A_64 : memref<640x128xf32, #tpu.memory_space<vmem_shared>>) target_semaphore(%run_scoped3A : memref<!tpu.dma_semaphore, #tpu.memory_space<semaphore_mem>>)
      %dma_wait3A_65 = arith.constant 0 : i32
      %dma_wait3A_66 = tpu.memref_slice %arg11[%mul3A_2, %dma_wait3A_65] : memref<10240x128xf32, #tpu.memory_space<vmem_shared>> -> memref<640x128xf32, #tpu.memory_space<vmem_shared>>
      tpu.wait_dma2 semaphore(%run_scoped3A : memref<!tpu.dma_semaphore, #tpu.memory_space<semaphore_mem>>) src(%arg5 : memref<640x128xf32, #tpu.memory_space<hbm>>) dst(%dma_wait3A_66 : memref<640x128xf32, #tpu.memory_space<vmem_shared>>)
      tpu.yield
    }) : () -> ()
    %barrier3A = arith.constant 0 : index
    tpu.barrier barrier_id(%barrier3A)
    %mul3A_3 = arith.constant 80 : i32
    %mul3A_4 = arith.muli %add3A, %mul3A_3 : i32
    %add3A_5 = arith.constant 0 : i32
    %add3A_6 = arith.addi %mul3A_4, %add3A_5 : i32
    "tpu.region"() ({
      %run_scoped3A = tpu.sem_alloc : memref<!tpu.dma_semaphore, #tpu.memory_space<semaphore_mem>>
      %dma_start3A_63 = arith.constant 0 : i32
      %dma_start3A_64 = tpu.memref_slice %arg3[%add3A_6, %dma_start3A_63] : memref<2560x128xi32, #tpu.memory_space<hbm>> -> memref<40x128xi32, #tpu.memory_space<hbm>>
      %dma_start3A_65 = arith.constant 0 : i32
      %dma_start3A_66 = tpu.memref_slice %arg3[%add3A_6, %dma_start3A_65] : memref<2560x128xi32, #tpu.memory_space<hbm>> -> memref<40x128xi32, #tpu.memory_space<hbm>>
      tpu.enqueue_dma source(%dma_start3A_66 : memref<40x128xi32, #tpu.memory_space<hbm>>) target(%arg7 : memref<40x128xi32, #tpu.memory_space<vmem>>) target_semaphore(%run_scoped3A : memref<!tpu.dma_semaphore, #tpu.memory_space<semaphore_mem>>)
      %dma_wait3A_67 = arith.constant 0 : i32
      %dma_wait3A_68 = tpu.memref_slice %arg3[%add3A_6, %dma_wait3A_67] : memref<2560x128xi32, #tpu.memory_space<hbm>> -> memref<40x128xi32, #tpu.memory_space<hbm>>
      %dma_wait3A_69 = arith.constant 0 : i32
      %dma_wait3A_70 = tpu.memref_slice %arg3[%add3A_6, %dma_wait3A_69] : memref<2560x128xi32, #tpu.memory_space<hbm>> -> memref<40x128xi32, #tpu.memory_space<hbm>>
      tpu.wait_dma2 semaphore(%run_scoped3A : memref<!tpu.dma_semaphore, #tpu.memory_space<semaphore_mem>>) src(%dma_wait3A_70 : memref<40x128xi32, #tpu.memory_space<hbm>>) dst(%arg7 : memref<40x128xi32, #tpu.memory_space<vmem>>)
      tpu.yield
    }) : () -> ()
    "tpu.region"() ({
      %run_scoped3A = tpu.sem_alloc : memref<!tpu.dma_semaphore, #tpu.memory_space<semaphore_mem>>
      %dma_start3A_63 = arith.constant 0 : i32
      %dma_start3A_64 = tpu.memref_slice %arg4[%add3A_6, %dma_start3A_63] : memref<2560x128xi32, #tpu.memory_space<hbm>> -> memref<40x128xi32, #tpu.memory_space<hbm>>
      %dma_start3A_65 = arith.constant 0 : i32
      %dma_start3A_66 = tpu.memref_slice %arg4[%add3A_6, %dma_start3A_65] : memref<2560x128xi32, #tpu.memory_space<hbm>> -> memref<40x128xi32, #tpu.memory_space<hbm>>
      tpu.enqueue_dma source(%dma_start3A_66 : memref<40x128xi32, #tpu.memory_space<hbm>>) target(%arg8 : memref<40x128xi32, #tpu.memory_space<vmem>>) target_semaphore(%run_scoped3A : memref<!tpu.dma_semaphore, #tpu.memory_space<semaphore_mem>>)
      %dma_wait3A_67 = arith.constant 0 : i32
      %dma_wait3A_68 = tpu.memref_slice %arg4[%add3A_6, %dma_wait3A_67] : memref<2560x128xi32, #tpu.memory_space<hbm>> -> memref<40x128xi32, #tpu.memory_space<hbm>>
      %dma_wait3A_69 = arith.constant 0 : i32
      %dma_wait3A_70 = tpu.memref_slice %arg4[%add3A_6, %dma_wait3A_69] : memref<2560x128xi32, #tpu.memory_space<hbm>> -> memref<40x128xi32, #tpu.memory_space<hbm>>
      tpu.wait_dma2 semaphore(%run_scoped3A : memref<!tpu.dma_semaphore, #tpu.memory_space<semaphore_mem>>) src(%dma_wait3A_70 : memref<40x128xi32, #tpu.memory_space<hbm>>) dst(%arg8 : memref<40x128xi32, #tpu.memory_space<vmem>>)
      tpu.yield
    }) : () -> ()
    %dma_start3A = arith.constant 0 : i32
    %dma_start3A_7 = arith.constant 0 : i32
    %dma_start3A_8 = tpu.memref_slice %arg7[%dma_start3A, %dma_start3A_7] : memref<40x128xi32, #tpu.memory_space<vmem>> -> memref<1x128xi32, #tpu.memory_space<vmem>>
    %dma_start3A_9 = tpu.memref_squeeze %dma_start3A_8 : memref<1x128xi32, #tpu.memory_space<vmem>> -> memref<128xi32, #tpu.memory_space<vmem>>
    %dma_start3A_10 = arith.constant 0 : i32
    %dma_start3A_11 = arith.constant 0 : i32
    %dma_start3A_12 = tpu.memref_slice %arg2[%dma_start3A_10, %dma_start3A_11] : memref<10240x128xf32, #tpu.memory_space<hbm>> -> memref<10240x128xf32, #tpu.memory_space<hbm>>
    tpu.enqueue_indirect_dma source(%dma_start3A_12 : memref<10240x128xf32, #tpu.memory_space<hbm>>) target(%arg9 : memref<128x128xf32, #tpu.memory_space<vmem>>) offsets(%dma_start3A_9 : memref<128xi32, #tpu.memory_space<vmem>>) semaphore(%arg12 : memref<!tpu.dma_semaphore, #tpu.memory_space<semaphore_mem>>)
    %scan3A = arith.constant 0 : i32
    %scan3A_13 = arith.constant 0 : i32
    %scan3A_14 = arith.constant 20 : i32
    %scan3A_15 = arith.addi %scan3A_13, %scan3A_14 : i32
    %scan3A_16 = arith.constant 1 : i32
    scf.for %scan3A_63 = %scan3A_13 to %scan3A_15 step %scan3A_16  : i32 {
      %mul3A_64 = arith.constant 2 : i32
      %mul3A_65 = arith.muli %scan3A_63, %mul3A_64 : i32
      %add3A_66 = arith.constant 0 : i32
      %add3A_67 = arith.addi %mul3A_65, %add3A_66 : i32
      %dma_wait3A_68 = arith.constant 0 : i32
      %dma_wait3A_69 = tpu.memref_slice %arg7[%add3A_67, %dma_wait3A_68] : memref<40x128xi32, #tpu.memory_space<vmem>> -> memref<1x128xi32, #tpu.memory_space<vmem>>
      %dma_wait3A_70 = tpu.memref_squeeze %dma_wait3A_69 : memref<1x128xi32, #tpu.memory_space<vmem>> -> memref<128xi32, #tpu.memory_space<vmem>>
      %dma_wait3A_71 = arith.constant 0 : i32
      %dma_wait3A_72 = arith.constant 0 : i32
      %dma_wait3A_73 = tpu.memref_slice %arg2[%dma_wait3A_71, %dma_wait3A_72] : memref<10240x128xf32, #tpu.memory_space<hbm>> -> memref<10240x128xf32, #tpu.memory_space<hbm>>
      tpu.wait_indirect_dma semaphore(%arg12 : memref<!tpu.dma_semaphore, #tpu.memory_space<semaphore_mem>>) src(%dma_wait3A_73 : memref<10240x128xf32, #tpu.memory_space<hbm>>) dst(%arg9 : memref<128x128xf32, #tpu.memory_space<vmem>>)
      %dma_start3A_74 = arith.constant 0 : i32
      %dma_start3A_75 = tpu.memref_slice %arg8[%add3A_67, %dma_start3A_74] : memref<40x128xi32, #tpu.memory_space<vmem>> -> memref<1x128xi32, #tpu.memory_space<vmem>>
      %dma_start3A_76 = tpu.memref_squeeze %dma_start3A_75 : memref<1x128xi32, #tpu.memory_space<vmem>> -> memref<128xi32, #tpu.memory_space<vmem>>
      %dma_start3A_77 = arith.constant 0 : i32
      %dma_start3A_78 = arith.constant 0 : i32
      %dma_start3A_79 = tpu.memref_slice %arg11[%dma_start3A_77, %dma_start3A_78] : memref<10240x128xf32, #tpu.memory_space<vmem_shared>> -> memref<10240x128xf32, #tpu.memory_space<vmem_shared>>
      tpu.enqueue_indirect_dma source(%arg9 : memref<128x128xf32, #tpu.memory_space<vmem>>) target(%dma_start3A_79 : memref<10240x128xf32, #tpu.memory_space<vmem_shared>>) offsets(%dma_start3A_76 : memref<128xi32, #tpu.memory_space<vmem>>) semaphore(%arg14 : memref<!tpu.dma_semaphore, #tpu.memory_space<semaphore_mem>>) {add = true}
      %add3A_80 = arith.constant 1 : i32
      %add3A_81 = arith.addi %add3A_67, %add3A_80 : i32
      %lt3A = arith.constant 40 : i32
      %lt3A_82 = arith.cmpi slt, %add3A_81, %lt3A : i32
      %ge3A = arith.constant 1 : i32
      %ge3A_83 = arith.cmpi sge, %add3A_67, %ge3A : i32
      %and3A = arith.andi %lt3A_82, %ge3A_83 : i1
      %convert_element_type3A = arith.extui %and3A : i1 to i32
      %cond3A = arith.constant 0 : i32
      %cond3A_84 = arith.cmpi ne, %convert_element_type3A, %cond3A : i32
      scf.if %cond3A_84 {
        %dma_wait3A_125 = arith.constant 0 : i32
        %dma_wait3A_126 = tpu.memref_slice %arg8[%add3A_67, %dma_wait3A_125] : memref<40x128xi32, #tpu.memory_space<vmem>> -> memref<1x128xi32, #tpu.memory_space<vmem>>
        %dma_wait3A_127 = tpu.memref_squeeze %dma_wait3A_126 : memref<1x128xi32, #tpu.memory_space<vmem>> -> memref<128xi32, #tpu.memory_space<vmem>>
        %dma_wait3A_128 = arith.constant 0 : i32
        %dma_wait3A_129 = arith.constant 0 : i32
        %dma_wait3A_130 = tpu.memref_slice %arg11[%dma_wait3A_128, %dma_wait3A_129] : memref<10240x128xf32, #tpu.memory_space<vmem_shared>> -> memref<10240x128xf32, #tpu.memory_space<vmem_shared>>
        tpu.wait_indirect_dma semaphore(%arg15 : memref<!tpu.dma_semaphore, #tpu.memory_space<semaphore_mem>>) src(%arg9 : memref<128x128xf32, #tpu.memory_space<vmem>>) dst(%dma_wait3A_130 : memref<10240x128xf32, #tpu.memory_space<vmem_shared>>)
      } else {
      }
      %add3A_85 = arith.constant 1 : i32
      %add3A_86 = arith.addi %add3A_67, %add3A_85 : i32
      %lt3A_87 = arith.constant 40 : i32
      %lt3A_88 = arith.cmpi slt, %add3A_86, %lt3A_87 : i32
      %convert_element_type3A_89 = arith.extui %lt3A_88 : i1 to i32
      %cond3A_90 = arith.constant 0 : i32
      %cond3A_91 = arith.cmpi ne, %convert_element_type3A_89, %cond3A_90 : i32
      scf.if %cond3A_91 {
        %add3A_125 = arith.constant 1 : i32
        %add3A_126 = arith.addi %add3A_67, %add3A_125 : i32
        %dma_start3A_127 = arith.constant 0 : i32
        %dma_start3A_128 = tpu.memref_slice %arg7[%add3A_126, %dma_start3A_127] : memref<40x128xi32, #tpu.memory_space<vmem>> -> memref<1x128xi32, #tpu.memory_space<vmem>>
        %dma_start3A_129 = tpu.memref_squeeze %dma_start3A_128 : memref<1x128xi32, #tpu.memory_space<vmem>> -> memref<128xi32, #tpu.memory_space<vmem>>
        %dma_start3A_130 = arith.constant 0 : i32
        %dma_start3A_131 = arith.constant 0 : i32
        %dma_start3A_132 = tpu.memref_slice %arg2[%dma_start3A_130, %dma_start3A_131] : memref<10240x128xf32, #tpu.memory_space<hbm>> -> memref<10240x128xf32, #tpu.memory_space<hbm>>
        tpu.enqueue_indirect_dma source(%dma_start3A_132 : memref<10240x128xf32, #tpu.memory_space<hbm>>) target(%arg10 : memref<128x128xf32, #tpu.memory_space<vmem>>) offsets(%dma_start3A_129 : memref<128xi32, #tpu.memory_space<vmem>>) semaphore(%arg13 : memref<!tpu.dma_semaphore, #tpu.memory_space<semaphore_mem>>)
      } else {
      }
      %mul3A_92 = arith.constant 2 : i32
      %mul3A_93 = arith.muli %scan3A_63, %mul3A_92 : i32
      %add3A_94 = arith.constant 1 : i32
      %add3A_95 = arith.addi %mul3A_93, %add3A_94 : i32
      %dma_wait3A_96 = arith.constant 0 : i32
      %dma_wait3A_97 = tpu.memref_slice %arg7[%add3A_95, %dma_wait3A_96] : memref<40x128xi32, #tpu.memory_space<vmem>> -> memref<1x128xi32, #tpu.memory_space<vmem>>
      %dma_wait3A_98 = tpu.memref_squeeze %dma_wait3A_97 : memref<1x128xi32, #tpu.memory_space<vmem>> -> memref<128xi32, #tpu.memory_space<vmem>>
      %dma_wait3A_99 = arith.constant 0 : i32
      %dma_wait3A_100 = arith.constant 0 : i32
      %dma_wait3A_101 = tpu.memref_slice %arg2[%dma_wait3A_99, %dma_wait3A_100] : memref<10240x128xf32, #tpu.memory_space<hbm>> -> memref<10240x128xf32, #tpu.memory_space<hbm>>
      tpu.wait_indirect_dma semaphore(%arg13 : memref<!tpu.dma_semaphore, #tpu.memory_space<semaphore_mem>>) src(%dma_wait3A_101 : memref<10240x128xf32, #tpu.memory_space<hbm>>) dst(%arg10 : memref<128x128xf32, #tpu.memory_space<vmem>>)
      %dma_start3A_102 = arith.constant 0 : i32
      %dma_start3A_103 = tpu.memref_slice %arg8[%add3A_95, %dma_start3A_102] : memref<40x128xi32, #tpu.memory_space<vmem>> -> memref<1x128xi32, #tpu.memory_space<vmem>>
      %dma_start3A_104 = tpu.memref_squeeze %dma_start3A_103 : memref<1x128xi32, #tpu.memory_space<vmem>> -> memref<128xi32, #tpu.memory_space<vmem>>
      %dma_start3A_105 = arith.constant 0 : i32
      %dma_start3A_106 = arith.constant 0 : i32
      %dma_start3A_107 = tpu.memref_slice %arg11[%dma_start3A_105, %dma_start3A_106] : memref<10240x128xf32, #tpu.memory_space<vmem_shared>> -> memref<10240x128xf32, #tpu.memory_space<vmem_shared>>
      tpu.enqueue_indirect_dma source(%arg10 : memref<128x128xf32, #tpu.memory_space<vmem>>) target(%dma_start3A_107 : memref<10240x128xf32, #tpu.memory_space<vmem_shared>>) offsets(%dma_start3A_104 : memref<128xi32, #tpu.memory_space<vmem>>) semaphore(%arg15 : memref<!tpu.dma_semaphore, #tpu.memory_space<semaphore_mem>>) {add = true}
      %add3A_108 = arith.constant 1 : i32
      %add3A_109 = arith.addi %add3A_95, %add3A_108 : i32
      %lt3A_110 = arith.constant 40 : i32
      %lt3A_111 = arith.cmpi slt, %add3A_109, %lt3A_110 : i32
      %ge3A_112 = arith.constant 1 : i32
      %ge3A_113 = arith.cmpi sge, %add3A_95, %ge3A_112 : i32
      %and3A_114 = arith.andi %lt3A_111, %ge3A_113 : i1
      %convert_element_type3A_115 = arith.extui %and3A_114 : i1 to i32
      %cond3A_116 = arith.constant 0 : i32
      %cond3A_117 = arith.cmpi ne, %convert_element_type3A_115, %cond3A_116 : i32
      scf.if %cond3A_117 {
        %dma_wait3A_125 = arith.constant 0 : i32
        %dma_wait3A_126 = tpu.memref_slice %arg8[%add3A_95, %dma_wait3A_125] : memref<40x128xi32, #tpu.memory_space<vmem>> -> memref<1x128xi32, #tpu.memory_space<vmem>>
        %dma_wait3A_127 = tpu.memref_squeeze %dma_wait3A_126 : memref<1x128xi32, #tpu.memory_space<vmem>> -> memref<128xi32, #tpu.memory_space<vmem>>
        %dma_wait3A_128 = arith.constant 0 : i32
        %dma_wait3A_129 = arith.constant 0 : i32
        %dma_wait3A_130 = tpu.memref_slice %arg11[%dma_wait3A_128, %dma_wait3A_129] : memref<10240x128xf32, #tpu.memory_space<vmem_shared>> -> memref<10240x128xf32, #tpu.memory_space<vmem_shared>>
        tpu.wait_indirect_dma semaphore(%arg14 : memref<!tpu.dma_semaphore, #tpu.memory_space<semaphore_mem>>) src(%arg10 : memref<128x128xf32, #tpu.memory_space<vmem>>) dst(%dma_wait3A_130 : memref<10240x128xf32, #tpu.memory_space<vmem_shared>>)
      } else {
      }
      %add3A_118 = arith.constant 1 : i32
      %add3A_119 = arith.addi %add3A_95, %add3A_118 : i32
      %lt3A_120 = arith.constant 40 : i32
      %lt3A_121 = arith.cmpi slt, %add3A_119, %lt3A_120 : i32
      %convert_element_type3A_122 = arith.extui %lt3A_121 : i1 to i32
      %cond3A_123 = arith.constant 0 : i32
      %cond3A_124 = arith.cmpi ne, %convert_element_type3A_122, %cond3A_123 : i32
      scf.if %cond3A_124 {
        %add3A_125 = arith.constant 1 : i32
        %add3A_126 = arith.addi %add3A_95, %add3A_125 : i32
        %dma_start3A_127 = arith.constant 0 : i32
        %dma_start3A_128 = tpu.memref_slice %arg7[%add3A_126, %dma_start3A_127] : memref<40x128xi32, #tpu.memory_space<vmem>> -> memref<1x128xi32, #tpu.memory_space<vmem>>
        %dma_start3A_129 = tpu.memref_squeeze %dma_start3A_128 : memref<1x128xi32, #tpu.memory_space<vmem>> -> memref<128xi32, #tpu.memory_space<vmem>>
        %dma_start3A_130 = arith.constant 0 : i32
        %dma_start3A_131 = arith.constant 0 : i32
        %dma_start3A_132 = tpu.memref_slice %arg2[%dma_start3A_130, %dma_start3A_131] : memref<10240x128xf32, #tpu.memory_space<hbm>> -> memref<10240x128xf32, #tpu.memory_space<hbm>>
        tpu.enqueue_indirect_dma source(%dma_start3A_132 : memref<10240x128xf32, #tpu.memory_space<hbm>>) target(%arg9 : memref<128x128xf32, #tpu.memory_space<vmem>>) offsets(%dma_start3A_129 : memref<128xi32, #tpu.memory_space<vmem>>) semaphore(%arg12 : memref<!tpu.dma_semaphore, #tpu.memory_space<semaphore_mem>>)
      } else {
      }
    }
    %scan3A_17 = arith.constant 20 : i32
    %dma_wait3A = arith.constant 0 : i32
    %dma_wait3A_18 = arith.constant 0 : i32
    %dma_wait3A_19 = tpu.memref_slice %arg8[%dma_wait3A, %dma_wait3A_18] : memref<40x128xi32, #tpu.memory_space<vmem>> -> memref<1x128xi32, #tpu.memory_space<vmem>>
    %dma_wait3A_20 = tpu.memref_squeeze %dma_wait3A_19 : memref<1x128xi32, #tpu.memory_space<vmem>> -> memref<128xi32, #tpu.memory_space<vmem>>
    %dma_wait3A_21 = arith.constant 0 : i32
    %dma_wait3A_22 = arith.constant 0 : i32
    %dma_wait3A_23 = tpu.memref_slice %arg11[%dma_wait3A_21, %dma_wait3A_22] : memref<10240x128xf32, #tpu.memory_space<vmem_shared>> -> memref<10240x128xf32, #tpu.memory_space<vmem_shared>>
    tpu.wait_indirect_dma semaphore(%arg14 : memref<!tpu.dma_semaphore, #tpu.memory_space<semaphore_mem>>) src(%arg9 : memref<128x128xf32, #tpu.memory_space<vmem>>) dst(%dma_wait3A_23 : memref<10240x128xf32, #tpu.memory_space<vmem_shared>>)
    %dma_wait3A_24 = arith.constant 0 : i32
    %dma_wait3A_25 = arith.constant 0 : i32
    %dma_wait3A_26 = tpu.memref_slice %arg8[%dma_wait3A_24, %dma_wait3A_25] : memref<40x128xi32, #tpu.memory_space<vmem>> -> memref<1x128xi32, #tpu.memory_space<vmem>>
    %dma_wait3A_27 = tpu.memref_squeeze %dma_wait3A_26 : memref<1x128xi32, #tpu.memory_space<vmem>> -> memref<128xi32, #tpu.memory_space<vmem>>
    %dma_wait3A_28 = arith.constant 0 : i32
    %dma_wait3A_29 = arith.constant 0 : i32
    %dma_wait3A_30 = tpu.memref_slice %arg11[%dma_wait3A_28, %dma_wait3A_29] : memref<10240x128xf32, #tpu.memory_space<vmem_shared>> -> memref<10240x128xf32, #tpu.memory_space<vmem_shared>>
    tpu.wait_indirect_dma semaphore(%arg15 : memref<!tpu.dma_semaphore, #tpu.memory_space<semaphore_mem>>) src(%arg10 : memref<128x128xf32, #tpu.memory_space<vmem>>) dst(%dma_wait3A_30 : memref<10240x128xf32, #tpu.memory_space<vmem_shared>>)
    %mul3A_31 = arith.constant 80 : i32
    %mul3A_32 = arith.muli %add3A, %mul3A_31 : i32
    %add3A_33 = arith.constant 40 : i32
    %add3A_34 = arith.addi %mul3A_32, %add3A_33 : i32
    "tpu.region"() ({
      %run_scoped3A = tpu.sem_alloc : memref<!tpu.dma_semaphore, #tpu.memory_space<semaphore_mem>>
      %dma_start3A_63 = arith.constant 0 : i32
      %dma_start3A_64 = tpu.memref_slice %arg3[%add3A_34, %dma_start3A_63] : memref<2560x128xi32, #tpu.memory_space<hbm>> -> memref<40x128xi32, #tpu.memory_space<hbm>>
      %dma_start3A_65 = arith.constant 0 : i32
      %dma_start3A_66 = tpu.memref_slice %arg3[%add3A_34, %dma_start3A_65] : memref<2560x128xi32, #tpu.memory_space<hbm>> -> memref<40x128xi32, #tpu.memory_space<hbm>>
      tpu.enqueue_dma source(%dma_start3A_66 : memref<40x128xi32, #tpu.memory_space<hbm>>) target(%arg7 : memref<40x128xi32, #tpu.memory_space<vmem>>) target_semaphore(%run_scoped3A : memref<!tpu.dma_semaphore, #tpu.memory_space<semaphore_mem>>)
      %dma_wait3A_67 = arith.constant 0 : i32
      %dma_wait3A_68 = tpu.memref_slice %arg3[%add3A_34, %dma_wait3A_67] : memref<2560x128xi32, #tpu.memory_space<hbm>> -> memref<40x128xi32, #tpu.memory_space<hbm>>
      %dma_wait3A_69 = arith.constant 0 : i32
      %dma_wait3A_70 = tpu.memref_slice %arg3[%add3A_34, %dma_wait3A_69] : memref<2560x128xi32, #tpu.memory_space<hbm>> -> memref<40x128xi32, #tpu.memory_space<hbm>>
      tpu.wait_dma2 semaphore(%run_scoped3A : memref<!tpu.dma_semaphore, #tpu.memory_space<semaphore_mem>>) src(%dma_wait3A_70 : memref<40x128xi32, #tpu.memory_space<hbm>>) dst(%arg7 : memref<40x128xi32, #tpu.memory_space<vmem>>)
      tpu.yield
    }) : () -> ()
    "tpu.region"() ({
      %run_scoped3A = tpu.sem_alloc : memref<!tpu.dma_semaphore, #tpu.memory_space<semaphore_mem>>
      %dma_start3A_63 = arith.constant 0 : i32
      %dma_start3A_64 = tpu.memref_slice %arg4[%add3A_34, %dma_start3A_63] : memref<2560x128xi32, #tpu.memory_space<hbm>> -> memref<40x128xi32, #tpu.memory_space<hbm>>
      %dma_start3A_65 = arith.constant 0 : i32
      %dma_start3A_66 = tpu.memref_slice %arg4[%add3A_34, %dma_start3A_65] : memref<2560x128xi32, #tpu.memory_space<hbm>> -> memref<40x128xi32, #tpu.memory_space<hbm>>
      tpu.enqueue_dma source(%dma_start3A_66 : memref<40x128xi32, #tpu.memory_space<hbm>>) target(%arg8 : memref<40x128xi32, #tpu.memory_space<vmem>>) target_semaphore(%run_scoped3A : memref<!tpu.dma_semaphore, #tpu.memory_space<semaphore_mem>>)
      %dma_wait3A_67 = arith.constant 0 : i32
      %dma_wait3A_68 = tpu.memref_slice %arg4[%add3A_34, %dma_wait3A_67] : memref<2560x128xi32, #tpu.memory_space<hbm>> -> memref<40x128xi32, #tpu.memory_space<hbm>>
      %dma_wait3A_69 = arith.constant 0 : i32
      %dma_wait3A_70 = tpu.memref_slice %arg4[%add3A_34, %dma_wait3A_69] : memref<2560x128xi32, #tpu.memory_space<hbm>> -> memref<40x128xi32, #tpu.memory_space<hbm>>
      tpu.wait_dma2 semaphore(%run_scoped3A : memref<!tpu.dma_semaphore, #tpu.memory_space<semaphore_mem>>) src(%dma_wait3A_70 : memref<40x128xi32, #tpu.memory_space<hbm>>) dst(%arg8 : memref<40x128xi32, #tpu.memory_space<vmem>>)
      tpu.yield
    }) : () -> ()
    %dma_start3A_35 = arith.constant 0 : i32
    %dma_start3A_36 = arith.constant 0 : i32
    %dma_start3A_37 = tpu.memref_slice %arg7[%dma_start3A_35, %dma_start3A_36] : memref<40x128xi32, #tpu.memory_space<vmem>> -> memref<1x128xi32, #tpu.memory_space<vmem>>
    %dma_start3A_38 = tpu.memref_squeeze %dma_start3A_37 : memref<1x128xi32, #tpu.memory_space<vmem>> -> memref<128xi32, #tpu.memory_space<vmem>>
    %dma_start3A_39 = arith.constant 0 : i32
    %dma_start3A_40 = arith.constant 0 : i32
    %dma_start3A_41 = tpu.memref_slice %arg2[%dma_start3A_39, %dma_start3A_40] : memref<10240x128xf32, #tpu.memory_space<hbm>> -> memref<10240x128xf32, #tpu.memory_space<hbm>>
    tpu.enqueue_indirect_dma source(%dma_start3A_41 : memref<10240x128xf32, #tpu.memory_space<hbm>>) target(%arg9 : memref<128x128xf32, #tpu.memory_space<vmem>>) offsets(%dma_start3A_38 : memref<128xi32, #tpu.memory_space<vmem>>) semaphore(%arg12 : memref<!tpu.dma_semaphore, #tpu.memory_space<semaphore_mem>>)
    %scan3A_42 = arith.constant 0 : i32
    %scan3A_43 = arith.constant 0 : i32
    %scan3A_44 = arith.constant 20 : i32
    %scan3A_45 = arith.addi %scan3A_43, %scan3A_44 : i32
    %scan3A_46 = arith.constant 1 : i32
    scf.for %scan3A_63 = %scan3A_43 to %scan3A_45 step %scan3A_46  : i32 {
      %mul3A_64 = arith.constant 2 : i32
      %mul3A_65 = arith.muli %scan3A_63, %mul3A_64 : i32
      %add3A_66 = arith.constant 0 : i32
      %add3A_67 = arith.addi %mul3A_65, %add3A_66 : i32
      %dma_wait3A_68 = arith.constant 0 : i32
      %dma_wait3A_69 = tpu.memref_slice %arg7[%add3A_67, %dma_wait3A_68] : memref<40x128xi32, #tpu.memory_space<vmem>> -> memref<1x128xi32, #tpu.memory_space<vmem>>
      %dma_wait3A_70 = tpu.memref_squeeze %dma_wait3A_69 : memref<1x128xi32, #tpu.memory_space<vmem>> -> memref<128xi32, #tpu.memory_space<vmem>>
      %dma_wait3A_71 = arith.constant 0 : i32
      %dma_wait3A_72 = arith.constant 0 : i32
      %dma_wait3A_73 = tpu.memref_slice %arg2[%dma_wait3A_71, %dma_wait3A_72] : memref<10240x128xf32, #tpu.memory_space<hbm>> -> memref<10240x128xf32, #tpu.memory_space<hbm>>
      tpu.wait_indirect_dma semaphore(%arg12 : memref<!tpu.dma_semaphore, #tpu.memory_space<semaphore_mem>>) src(%dma_wait3A_73 : memref<10240x128xf32, #tpu.memory_space<hbm>>) dst(%arg9 : memref<128x128xf32, #tpu.memory_space<vmem>>)
      %dma_start3A_74 = arith.constant 0 : i32
      %dma_start3A_75 = tpu.memref_slice %arg8[%add3A_67, %dma_start3A_74] : memref<40x128xi32, #tpu.memory_space<vmem>> -> memref<1x128xi32, #tpu.memory_space<vmem>>
      %dma_start3A_76 = tpu.memref_squeeze %dma_start3A_75 : memref<1x128xi32, #tpu.memory_space<vmem>> -> memref<128xi32, #tpu.memory_space<vmem>>
      %dma_start3A_77 = arith.constant 0 : i32
      %dma_start3A_78 = arith.constant 0 : i32
      %dma_start3A_79 = tpu.memref_slice %arg11[%dma_start3A_77, %dma_start3A_78] : memref<10240x128xf32, #tpu.memory_space<vmem_shared>> -> memref<10240x128xf32, #tpu.memory_space<vmem_shared>>
      tpu.enqueue_indirect_dma source(%arg9 : memref<128x128xf32, #tpu.memory_space<vmem>>) target(%dma_start3A_79 : memref<10240x128xf32, #tpu.memory_space<vmem_shared>>) offsets(%dma_start3A_76 : memref<128xi32, #tpu.memory_space<vmem>>) semaphore(%arg14 : memref<!tpu.dma_semaphore, #tpu.memory_space<semaphore_mem>>) {add = true}
      %add3A_80 = arith.constant 1 : i32
      %add3A_81 = arith.addi %add3A_67, %add3A_80 : i32
      %lt3A = arith.constant 40 : i32
      %lt3A_82 = arith.cmpi slt, %add3A_81, %lt3A : i32
      %ge3A = arith.constant 1 : i32
      %ge3A_83 = arith.cmpi sge, %add3A_67, %ge3A : i32
      %and3A = arith.andi %lt3A_82, %ge3A_83 : i1
      %convert_element_type3A = arith.extui %and3A : i1 to i32
      %cond3A = arith.constant 0 : i32
      %cond3A_84 = arith.cmpi ne, %convert_element_type3A, %cond3A : i32
      scf.if %cond3A_84 {
        %dma_wait3A_125 = arith.constant 0 : i32
        %dma_wait3A_126 = tpu.memref_slice %arg8[%add3A_67, %dma_wait3A_125] : memref<40x128xi32, #tpu.memory_space<vmem>> -> memref<1x128xi32, #tpu.memory_space<vmem>>
        %dma_wait3A_127 = tpu.memref_squeeze %dma_wait3A_126 : memref<1x128xi32, #tpu.memory_space<vmem>> -> memref<128xi32, #tpu.memory_space<vmem>>
        %dma_wait3A_128 = arith.constant 0 : i32
        %dma_wait3A_129 = arith.constant 0 : i32
        %dma_wait3A_130 = tpu.memref_slice %arg11[%dma_wait3A_128, %dma_wait3A_129] : memref<10240x128xf32, #tpu.memory_space<vmem_shared>> -> memref<10240x128xf32, #tpu.memory_space<vmem_shared>>
        tpu.wait_indirect_dma semaphore(%arg15 : memref<!tpu.dma_semaphore, #tpu.memory_space<semaphore_mem>>) src(%arg9 : memref<128x128xf32, #tpu.memory_space<vmem>>) dst(%dma_wait3A_130 : memref<10240x128xf32, #tpu.memory_space<vmem_shared>>)
      } else {
      }
      %add3A_85 = arith.constant 1 : i32
      %add3A_86 = arith.addi %add3A_67, %add3A_85 : i32
      %lt3A_87 = arith.constant 40 : i32
      %lt3A_88 = arith.cmpi slt, %add3A_86, %lt3A_87 : i32
      %convert_element_type3A_89 = arith.extui %lt3A_88 : i1 to i32
      %cond3A_90 = arith.constant 0 : i32
      %cond3A_91 = arith.cmpi ne, %convert_element_type3A_89, %cond3A_90 : i32
      scf.if %cond3A_91 {
        %add3A_125 = arith.constant 1 : i32
        %add3A_126 = arith.addi %add3A_67, %add3A_125 : i32
        %dma_start3A_127 = arith.constant 0 : i32
        %dma_start3A_128 = tpu.memref_slice %arg7[%add3A_126, %dma_start3A_127] : memref<40x128xi32, #tpu.memory_space<vmem>> -> memref<1x128xi32, #tpu.memory_space<vmem>>
        %dma_start3A_129 = tpu.memref_squeeze %dma_start3A_128 : memref<1x128xi32, #tpu.memory_space<vmem>> -> memref<128xi32, #tpu.memory_space<vmem>>
        %dma_start3A_130 = arith.constant 0 : i32
        %dma_start3A_131 = arith.constant 0 : i32
        %dma_start3A_132 = tpu.memref_slice %arg2[%dma_start3A_130, %dma_start3A_131] : memref<10240x128xf32, #tpu.memory_space<hbm>> -> memref<10240x128xf32, #tpu.memory_space<hbm>>
        tpu.enqueue_indirect_dma source(%dma_start3A_132 : memref<10240x128xf32, #tpu.memory_space<hbm>>) target(%arg10 : memref<128x128xf32, #tpu.memory_space<vmem>>) offsets(%dma_start3A_129 : memref<128xi32, #tpu.memory_space<vmem>>) semaphore(%arg13 : memref<!tpu.dma_semaphore, #tpu.memory_space<semaphore_mem>>)
      } else {
      }
      %mul3A_92 = arith.constant 2 : i32
      %mul3A_93 = arith.muli %scan3A_63, %mul3A_92 : i32
      %add3A_94 = arith.constant 1 : i32
      %add3A_95 = arith.addi %mul3A_93, %add3A_94 : i32
      %dma_wait3A_96 = arith.constant 0 : i32
      %dma_wait3A_97 = tpu.memref_slice %arg7[%add3A_95, %dma_wait3A_96] : memref<40x128xi32, #tpu.memory_space<vmem>> -> memref<1x128xi32, #tpu.memory_space<vmem>>
      %dma_wait3A_98 = tpu.memref_squeeze %dma_wait3A_97 : memref<1x128xi32, #tpu.memory_space<vmem>> -> memref<128xi32, #tpu.memory_space<vmem>>
      %dma_wait3A_99 = arith.constant 0 : i32
      %dma_wait3A_100 = arith.constant 0 : i32
      %dma_wait3A_101 = tpu.memref_slice %arg2[%dma_wait3A_99, %dma_wait3A_100] : memref<10240x128xf32, #tpu.memory_space<hbm>> -> memref<10240x128xf32, #tpu.memory_space<hbm>>
      tpu.wait_indirect_dma semaphore(%arg13 : memref<!tpu.dma_semaphore, #tpu.memory_space<semaphore_mem>>) src(%dma_wait3A_101 : memref<10240x128xf32, #tpu.memory_space<hbm>>) dst(%arg10 : memref<128x128xf32, #tpu.memory_space<vmem>>)
      %dma_start3A_102 = arith.constant 0 : i32
      %dma_start3A_103 = tpu.memref_slice %arg8[%add3A_95, %dma_start3A_102] : memref<40x128xi32, #tpu.memory_space<vmem>> -> memref<1x128xi32, #tpu.memory_space<vmem>>
      %dma_start3A_104 = tpu.memref_squeeze %dma_start3A_103 : memref<1x128xi32, #tpu.memory_space<vmem>> -> memref<128xi32, #tpu.memory_space<vmem>>
      %dma_start3A_105 = arith.constant 0 : i32
      %dma_start3A_106 = arith.constant 0 : i32
      %dma_start3A_107 = tpu.memref_slice %arg11[%dma_start3A_105, %dma_start3A_106] : memref<10240x128xf32, #tpu.memory_space<vmem_shared>> -> memref<10240x128xf32, #tpu.memory_space<vmem_shared>>
      tpu.enqueue_indirect_dma source(%arg10 : memref<128x128xf32, #tpu.memory_space<vmem>>) target(%dma_start3A_107 : memref<10240x128xf32, #tpu.memory_space<vmem_shared>>) offsets(%dma_start3A_104 : memref<128xi32, #tpu.memory_space<vmem>>) semaphore(%arg15 : memref<!tpu.dma_semaphore, #tpu.memory_space<semaphore_mem>>) {add = true}
      %add3A_108 = arith.constant 1 : i32
      %add3A_109 = arith.addi %add3A_95, %add3A_108 : i32
      %lt3A_110 = arith.constant 40 : i32
      %lt3A_111 = arith.cmpi slt, %add3A_109, %lt3A_110 : i32
      %ge3A_112 = arith.constant 1 : i32
      %ge3A_113 = arith.cmpi sge, %add3A_95, %ge3A_112 : i32
      %and3A_114 = arith.andi %lt3A_111, %ge3A_113 : i1
      %convert_element_type3A_115 = arith.extui %and3A_114 : i1 to i32
      %cond3A_116 = arith.constant 0 : i32
      %cond3A_117 = arith.cmpi ne, %convert_element_type3A_115, %cond3A_116 : i32
      scf.if %cond3A_117 {
        %dma_wait3A_125 = arith.constant 0 : i32
        %dma_wait3A_126 = tpu.memref_slice %arg8[%add3A_95, %dma_wait3A_125] : memref<40x128xi32, #tpu.memory_space<vmem>> -> memref<1x128xi32, #tpu.memory_space<vmem>>
        %dma_wait3A_127 = tpu.memref_squeeze %dma_wait3A_126 : memref<1x128xi32, #tpu.memory_space<vmem>> -> memref<128xi32, #tpu.memory_space<vmem>>
        %dma_wait3A_128 = arith.constant 0 : i32
        %dma_wait3A_129 = arith.constant 0 : i32
        %dma_wait3A_130 = tpu.memref_slice %arg11[%dma_wait3A_128, %dma_wait3A_129] : memref<10240x128xf32, #tpu.memory_space<vmem_shared>> -> memref<10240x128xf32, #tpu.memory_space<vmem_shared>>
        tpu.wait_indirect_dma semaphore(%arg14 : memref<!tpu.dma_semaphore, #tpu.memory_space<semaphore_mem>>) src(%arg10 : memref<128x128xf32, #tpu.memory_space<vmem>>) dst(%dma_wait3A_130 : memref<10240x128xf32, #tpu.memory_space<vmem_shared>>)
      } else {
      }
      %add3A_118 = arith.constant 1 : i32
      %add3A_119 = arith.addi %add3A_95, %add3A_118 : i32
      %lt3A_120 = arith.constant 40 : i32
      %lt3A_121 = arith.cmpi slt, %add3A_119, %lt3A_120 : i32
      %convert_element_type3A_122 = arith.extui %lt3A_121 : i1 to i32
      %cond3A_123 = arith.constant 0 : i32
      %cond3A_124 = arith.cmpi ne, %convert_element_type3A_122, %cond3A_123 : i32
      scf.if %cond3A_124 {
        %add3A_125 = arith.constant 1 : i32
        %add3A_126 = arith.addi %add3A_95, %add3A_125 : i32
        %dma_start3A_127 = arith.constant 0 : i32
        %dma_start3A_128 = tpu.memref_slice %arg7[%add3A_126, %dma_start3A_127] : memref<40x128xi32, #tpu.memory_space<vmem>> -> memref<1x128xi32, #tpu.memory_space<vmem>>
        %dma_start3A_129 = tpu.memref_squeeze %dma_start3A_128 : memref<1x128xi32, #tpu.memory_space<vmem>> -> memref<128xi32, #tpu.memory_space<vmem>>
        %dma_start3A_130 = arith.constant 0 : i32
        %dma_start3A_131 = arith.constant 0 : i32
        %dma_start3A_132 = tpu.memref_slice %arg2[%dma_start3A_130, %dma_start3A_131] : memref<10240x128xf32, #tpu.memory_space<hbm>> -> memref<10240x128xf32, #tpu.memory_space<hbm>>
        tpu.enqueue_indirect_dma source(%dma_start3A_132 : memref<10240x128xf32, #tpu.memory_space<hbm>>) target(%arg9 : memref<128x128xf32, #tpu.memory_space<vmem>>) offsets(%dma_start3A_129 : memref<128xi32, #tpu.memory_space<vmem>>) semaphore(%arg12 : memref<!tpu.dma_semaphore, #tpu.memory_space<semaphore_mem>>)
      } else {
      }
    }
    %scan3A_47 = arith.constant 20 : i32
    %dma_wait3A_48 = arith.constant 0 : i32
    %dma_wait3A_49 = arith.constant 0 : i32
    %dma_wait3A_50 = tpu.memref_slice %arg8[%dma_wait3A_48, %dma_wait3A_49] : memref<40x128xi32, #tpu.memory_space<vmem>> -> memref<1x128xi32, #tpu.memory_space<vmem>>
    %dma_wait3A_51 = tpu.memref_squeeze %dma_wait3A_50 : memref<1x128xi32, #tpu.memory_space<vmem>> -> memref<128xi32, #tpu.memory_space<vmem>>
    %dma_wait3A_52 = arith.constant 0 : i32
    %dma_wait3A_53 = arith.constant 0 : i32
    %dma_wait3A_54 = tpu.memref_slice %arg11[%dma_wait3A_52, %dma_wait3A_53] : memref<10240x128xf32, #tpu.memory_space<vmem_shared>> -> memref<10240x128xf32, #tpu.memory_space<vmem_shared>>
    tpu.wait_indirect_dma semaphore(%arg14 : memref<!tpu.dma_semaphore, #tpu.memory_space<semaphore_mem>>) src(%arg9 : memref<128x128xf32, #tpu.memory_space<vmem>>) dst(%dma_wait3A_54 : memref<10240x128xf32, #tpu.memory_space<vmem_shared>>)
    %dma_wait3A_55 = arith.constant 0 : i32
    %dma_wait3A_56 = arith.constant 0 : i32
    %dma_wait3A_57 = tpu.memref_slice %arg8[%dma_wait3A_55, %dma_wait3A_56] : memref<40x128xi32, #tpu.memory_space<vmem>> -> memref<1x128xi32, #tpu.memory_space<vmem>>
    %dma_wait3A_58 = tpu.memref_squeeze %dma_wait3A_57 : memref<1x128xi32, #tpu.memory_space<vmem>> -> memref<128xi32, #tpu.memory_space<vmem>>
    %dma_wait3A_59 = arith.constant 0 : i32
    %dma_wait3A_60 = arith.constant 0 : i32
    %dma_wait3A_61 = tpu.memref_slice %arg11[%dma_wait3A_59, %dma_wait3A_60] : memref<10240x128xf32, #tpu.memory_space<vmem_shared>> -> memref<10240x128xf32, #tpu.memory_space<vmem_shared>>
    tpu.wait_indirect_dma semaphore(%arg15 : memref<!tpu.dma_semaphore, #tpu.memory_space<semaphore_mem>>) src(%arg10 : memref<128x128xf32, #tpu.memory_space<vmem>>) dst(%dma_wait3A_61 : memref<10240x128xf32, #tpu.memory_space<vmem_shared>>)
    %barrier3A_62 = arith.constant 0 : index
    tpu.barrier barrier_id(%barrier3A_62)
    "tpu.region"() ({
      %run_scoped3A = tpu.sem_alloc : memref<!tpu.dma_semaphore, #tpu.memory_space<semaphore_mem>>
      %dma_start3A_63 = arith.constant 0 : i32
      %dma_start3A_64 = tpu.memref_slice %arg6[%arg0, %mul3A_2, %dma_start3A_63] : memref<2x10240x128xf32, #tpu.memory_space<hbm>> -> memref<1x640x128xf32, #tpu.memory_space<hbm>>
      %dma_start3A_65 = tpu.memref_squeeze %dma_start3A_64 : memref<1x640x128xf32, #tpu.memory_space<hbm>> -> memref<640x128xf32, #tpu.memory_space<hbm>>
      %dma_start3A_66 = arith.constant 0 : i32
      %dma_start3A_67 = tpu.memref_slice %arg11[%mul3A_2, %dma_start3A_66] : memref<10240x128xf32, #tpu.memory_space<vmem_shared>> -> memref<640x128xf32, #tpu.memory_space<vmem_shared>>
      tpu.enqueue_dma source(%dma_start3A_67 : memref<640x128xf32, #tpu.memory_space<vmem_shared>>) target(%dma_start3A_65 : memref<640x128xf32, #tpu.memory_space<hbm>>) target_semaphore(%run_scoped3A : memref<!tpu.dma_semaphore, #tpu.memory_space<semaphore_mem>>)
      %dma_wait3A_68 = arith.constant 0 : i32
      %dma_wait3A_69 = tpu.memref_slice %arg6[%arg0, %mul3A_2, %dma_wait3A_68] : memref<2x10240x128xf32, #tpu.memory_space<hbm>> -> memref<1x640x128xf32, #tpu.memory_space<hbm>>
      %dma_wait3A_70 = tpu.memref_squeeze %dma_wait3A_69 : memref<1x640x128xf32, #tpu.memory_space<hbm>> -> memref<640x128xf32, #tpu.memory_space<hbm>>
      %dma_wait3A_71 = arith.constant 0 : i32
      %dma_wait3A_72 = tpu.memref_slice %arg11[%mul3A_2, %dma_wait3A_71] : memref<10240x128xf32, #tpu.memory_space<vmem_shared>> -> memref<640x128xf32, #tpu.memory_space<vmem_shared>>
      tpu.wait_dma2 semaphore(%run_scoped3A : memref<!tpu.dma_semaphore, #tpu.memory_space<semaphore_mem>>) src(%dma_wait3A_72 : memref<640x128xf32, #tpu.memory_space<vmem_shared>>) dst(%dma_wait3A_70 : memref<640x128xf32, #tpu.memory_space<hbm>>)
      tpu.yield
    }) : () -> ()
    return
  }
}

#map = affine_map<(d0, d1) -> (0, 0)>
#map1 = affine_map<(d0, d1) -> (0, 0, 0)>
module attributes {stable_mosaic.version = 14 : i64} {
  func.func @sc_aggregate(%arg0: i32, %arg1: i32, %arg2: memref<10240x128xf32, #tpu.memory_space<hbm>>, %arg3: memref<2560x128xi32, #tpu.memory_space<hbm>>, %arg4: memref<2560x128xi32, #tpu.memory_space<hbm>>, %arg5: memref<640x128xf32, #tpu.memory_space<hbm>>, %arg6: memref<2x10240x128xf32, #tpu.memory_space<hbm>>, %arg7: memref<40x128xi32, #tpu.memory_space<vmem>>, %arg8: memref<40x128xi32, #tpu.memory_space<vmem>>, %arg9: memref<128x128xf32, #tpu.memory_space<vmem>>, %arg10: memref<128x128xf32, #tpu.memory_space<vmem>>, %arg11: memref<10240x128xf32, #tpu.memory_space<vmem_shared>>, %arg12: memref<!tpu.dma_semaphore, #tpu.memory_space<semaphore_mem>>, %arg13: memref<!tpu.dma_semaphore, #tpu.memory_space<semaphore_mem>>, %arg14: memref<!tpu.dma_semaphore, #tpu.memory_space<semaphore_mem>>, %arg15: memref<!tpu.dma_semaphore, #tpu.memory_space<semaphore_mem>>) attributes {dimension_semantics = [#tpu.dimension_semantics<core_parallel>, #tpu.dimension_semantics<subcore_parallel>], iteration_bounds = array<i64: 2, 16>, scalar_prefetch = 0 : i64, scratch_operands = 9 : i64, tpu.core_type = #tpu.core_type<sc_vector_subcore>, window_params = [{transform_indices = #map}, {transform_indices = #map}, {transform_indices = #map}, {transform_indices = #map}, {transform_indices = #map1}]} {
    %mul3A = arith.constant 2 : i32
    %mul3A_0 = arith.muli %arg1, %mul3A : i32
    %add3A = arith.addi %mul3A_0, %arg0 : i32
    %mul3A_1 = arith.constant 640 : i32
    %mul3A_2 = arith.muli %arg1, %mul3A_1 : i32
    "tpu.region"() ({
      %run_scoped3A = tpu.sem_alloc : memref<!tpu.dma_semaphore, #tpu.memory_space<semaphore_mem>>
      %dma_start3A_63 = arith.constant 0 : i32
      %dma_start3A_64 = tpu.memref_slice %arg11[%mul3A_2, %dma_start3A_63] : memref<10240x128xf32, #tpu.memory_space<vmem_shared>> -> memref<640x128xf32, #tpu.memory_space<vmem_shared>>
      tpu.enqueue_dma source(%arg5 : memref<640x128xf32, #tpu.memory_space<hbm>>) target(%dma_start3A_64 : memref<640x128xf32, #tpu.memory_space<vmem_shared>>) target_semaphore(%run_scoped3A : memref<!tpu.dma_semaphore, #tpu.memory_space<semaphore_mem>>)
      %dma_wait3A_65 = arith.constant 0 : i32
      %dma_wait3A_66 = tpu.memref_slice %arg11[%mul3A_2, %dma_wait3A_65] : memref<10240x128xf32, #tpu.memory_space<vmem_shared>> -> memref<640x128xf32, #tpu.memory_space<vmem_shared>>
      tpu.wait_dma2 semaphore(%run_scoped3A : memref<!tpu.dma_semaphore, #tpu.memory_space<semaphore_mem>>) src(%arg5 : memref<640x128xf32, #tpu.memory_space<hbm>>) dst(%dma_wait3A_66 : memref<640x128xf32, #tpu.memory_space<vmem_shared>>)
      tpu.yield
    }) : () -> ()
    %barrier3A = arith.constant 0 : index
    tpu.barrier barrier_id(%barrier3A)
    %mul3A_3 = arith.constant 80 : i32
    %mul3A_4 = arith.muli %add3A, %mul3A_3 : i32
    %add3A_5 = arith.constant 0 : i32
    %add3A_6 = arith.addi %mul3A_4, %add3A_5 : i32
    "tpu.region"() ({
      %run_scoped3A = tpu.sem_alloc : memref<!tpu.dma_semaphore, #tpu.memory_space<semaphore_mem>>
      %dma_start3A_63 = arith.constant 0 : i32
      %dma_start3A_64 = tpu.memref_slice %arg3[%add3A_6, %dma_start3A_63] : memref<2560x128xi32, #tpu.memory_space<hbm>> -> memref<40x128xi32, #tpu.memory_space<hbm>>
      %dma_start3A_65 = arith.constant 0 : i32
      %dma_start3A_66 = tpu.memref_slice %arg3[%add3A_6, %dma_start3A_65] : memref<2560x128xi32, #tpu.memory_space<hbm>> -> memref<40x128xi32, #tpu.memory_space<hbm>>
      tpu.enqueue_dma source(%dma_start3A_66 : memref<40x128xi32, #tpu.memory_space<hbm>>) target(%arg7 : memref<40x128xi32, #tpu.memory_space<vmem>>) target_semaphore(%run_scoped3A : memref<!tpu.dma_semaphore, #tpu.memory_space<semaphore_mem>>)
      %dma_wait3A_67 = arith.constant 0 : i32
      %dma_wait3A_68 = tpu.memref_slice %arg3[%add3A_6, %dma_wait3A_67] : memref<2560x128xi32, #tpu.memory_space<hbm>> -> memref<40x128xi32, #tpu.memory_space<hbm>>
      %dma_wait3A_69 = arith.constant 0 : i32
      %dma_wait3A_70 = tpu.memref_slice %arg3[%add3A_6, %dma_wait3A_69] : memref<2560x128xi32, #tpu.memory_space<hbm>> -> memref<40x128xi32, #tpu.memory_space<hbm>>
      tpu.wait_dma2 semaphore(%run_scoped3A : memref<!tpu.dma_semaphore, #tpu.memory_space<semaphore_mem>>) src(%dma_wait3A_70 : memref<40x128xi32, #tpu.memory_space<hbm>>) dst(%arg7 : memref<40x128xi32, #tpu.memory_space<vmem>>)
      tpu.yield
    }) : () -> ()
    "tpu.region"() ({
      %run_scoped3A = tpu.sem_alloc : memref<!tpu.dma_semaphore, #tpu.memory_space<semaphore_mem>>
      %dma_start3A_63 = arith.constant 0 : i32
      %dma_start3A_64 = tpu.memref_slice %arg4[%add3A_6, %dma_start3A_63] : memref<2560x128xi32, #tpu.memory_space<hbm>> -> memref<40x128xi32, #tpu.memory_space<hbm>>
      %dma_start3A_65 = arith.constant 0 : i32
      %dma_start3A_66 = tpu.memref_slice %arg4[%add3A_6, %dma_start3A_65] : memref<2560x128xi32, #tpu.memory_space<hbm>> -> memref<40x128xi32, #tpu.memory_space<hbm>>
      tpu.enqueue_dma source(%dma_start3A_66 : memref<40x128xi32, #tpu.memory_space<hbm>>) target(%arg8 : memref<40x128xi32, #tpu.memory_space<vmem>>) target_semaphore(%run_scoped3A : memref<!tpu.dma_semaphore, #tpu.memory_space<semaphore_mem>>)
      %dma_wait3A_67 = arith.constant 0 : i32
      %dma_wait3A_68 = tpu.memref_slice %arg4[%add3A_6, %dma_wait3A_67] : memref<2560x128xi32, #tpu.memory_space<hbm>> -> memref<40x128xi32, #tpu.memory_space<hbm>>
      %dma_wait3A_69 = arith.constant 0 : i32
      %dma_wait3A_70 = tpu.memref_slice %arg4[%add3A_6, %dma_wait3A_69] : memref<2560x128xi32, #tpu.memory_space<hbm>> -> memref<40x128xi32, #tpu.memory_space<hbm>>
      tpu.wait_dma2 semaphore(%run_scoped3A : memref<!tpu.dma_semaphore, #tpu.memory_space<semaphore_mem>>) src(%dma_wait3A_70 : memref<40x128xi32, #tpu.memory_space<hbm>>) dst(%arg8 : memref<40x128xi32, #tpu.memory_space<vmem>>)
      tpu.yield
    }) : () -> ()
    %dma_start3A = arith.constant 0 : i32
    %dma_start3A_7 = arith.constant 0 : i32
    %dma_start3A_8 = tpu.memref_slice %arg7[%dma_start3A, %dma_start3A_7] : memref<40x128xi32, #tpu.memory_space<vmem>> -> memref<1x128xi32, #tpu.memory_space<vmem>>
    %dma_start3A_9 = tpu.memref_squeeze %dma_start3A_8 : memref<1x128xi32, #tpu.memory_space<vmem>> -> memref<128xi32, #tpu.memory_space<vmem>>
    %dma_start3A_10 = arith.constant 0 : i32
    %dma_start3A_11 = arith.constant 0 : i32
    %dma_start3A_12 = tpu.memref_slice %arg2[%dma_start3A_10, %dma_start3A_11] : memref<10240x128xf32, #tpu.memory_space<hbm>> -> memref<10240x128xf32, #tpu.memory_space<hbm>>
    tpu.enqueue_indirect_dma source(%dma_start3A_12 : memref<10240x128xf32, #tpu.memory_space<hbm>>) target(%arg9 : memref<128x128xf32, #tpu.memory_space<vmem>>) offsets(%dma_start3A_9 : memref<128xi32, #tpu.memory_space<vmem>>) semaphore(%arg12 : memref<!tpu.dma_semaphore, #tpu.memory_space<semaphore_mem>>)
    %scan3A = arith.constant 0 : i32
    %scan3A_13 = arith.constant 0 : i32
    %scan3A_14 = arith.constant 20 : i32
    %scan3A_15 = arith.addi %scan3A_13, %scan3A_14 : i32
    %scan3A_16 = arith.constant 1 : i32
    scf.for %scan3A_63 = %scan3A_13 to %scan3A_15 step %scan3A_16  : i32 {
      %mul3A_64 = arith.constant 2 : i32
      %mul3A_65 = arith.muli %scan3A_63, %mul3A_64 : i32
      %add3A_66 = arith.constant 0 : i32
      %add3A_67 = arith.addi %mul3A_65, %add3A_66 : i32
      %dma_wait3A_68 = arith.constant 0 : i32
      %dma_wait3A_69 = tpu.memref_slice %arg7[%add3A_67, %dma_wait3A_68] : memref<40x128xi32, #tpu.memory_space<vmem>> -> memref<1x128xi32, #tpu.memory_space<vmem>>
      %dma_wait3A_70 = tpu.memref_squeeze %dma_wait3A_69 : memref<1x128xi32, #tpu.memory_space<vmem>> -> memref<128xi32, #tpu.memory_space<vmem>>
      %dma_wait3A_71 = arith.constant 0 : i32
      %dma_wait3A_72 = arith.constant 0 : i32
      %dma_wait3A_73 = tpu.memref_slice %arg2[%dma_wait3A_71, %dma_wait3A_72] : memref<10240x128xf32, #tpu.memory_space<hbm>> -> memref<10240x128xf32, #tpu.memory_space<hbm>>
      tpu.wait_indirect_dma semaphore(%arg12 : memref<!tpu.dma_semaphore, #tpu.memory_space<semaphore_mem>>) src(%dma_wait3A_73 : memref<10240x128xf32, #tpu.memory_space<hbm>>) dst(%arg9 : memref<128x128xf32, #tpu.memory_space<vmem>>)
      %dma_start3A_74 = arith.constant 0 : i32
      %dma_start3A_75 = tpu.memref_slice %arg8[%add3A_67, %dma_start3A_74] : memref<40x128xi32, #tpu.memory_space<vmem>> -> memref<1x128xi32, #tpu.memory_space<vmem>>
      %dma_start3A_76 = tpu.memref_squeeze %dma_start3A_75 : memref<1x128xi32, #tpu.memory_space<vmem>> -> memref<128xi32, #tpu.memory_space<vmem>>
      %dma_start3A_77 = arith.constant 0 : i32
      %dma_start3A_78 = arith.constant 0 : i32
      %dma_start3A_79 = tpu.memref_slice %arg11[%dma_start3A_77, %dma_start3A_78] : memref<10240x128xf32, #tpu.memory_space<vmem_shared>> -> memref<10240x128xf32, #tpu.memory_space<vmem_shared>>
      tpu.enqueue_indirect_dma source(%arg9 : memref<128x128xf32, #tpu.memory_space<vmem>>) target(%dma_start3A_79 : memref<10240x128xf32, #tpu.memory_space<vmem_shared>>) offsets(%dma_start3A_76 : memref<128xi32, #tpu.memory_space<vmem>>) semaphore(%arg14 : memref<!tpu.dma_semaphore, #tpu.memory_space<semaphore_mem>>) {add = true}
      %add3A_80 = arith.constant 1 : i32
      %add3A_81 = arith.addi %add3A_67, %add3A_80 : i32
      %lt3A = arith.constant 40 : i32
      %lt3A_82 = arith.cmpi slt, %add3A_81, %lt3A : i32
      %ge3A = arith.constant 1 : i32
      %ge3A_83 = arith.cmpi sge, %add3A_67, %ge3A : i32
      %and3A = arith.andi %lt3A_82, %ge3A_83 : i1
      %convert_element_type3A = arith.extui %and3A : i1 to i32
      %cond3A = arith.constant 0 : i32
      %cond3A_84 = arith.cmpi ne, %convert_element_type3A, %cond3A : i32
      scf.if %cond3A_84 {
        %dma_wait3A_125 = arith.constant 0 : i32
        %dma_wait3A_126 = tpu.memref_slice %arg8[%add3A_67, %dma_wait3A_125] : memref<40x128xi32, #tpu.memory_space<vmem>> -> memref<1x128xi32, #tpu.memory_space<vmem>>
        %dma_wait3A_127 = tpu.memref_squeeze %dma_wait3A_126 : memref<1x128xi32, #tpu.memory_space<vmem>> -> memref<128xi32, #tpu.memory_space<vmem>>
        %dma_wait3A_128 = arith.constant 0 : i32
        %dma_wait3A_129 = arith.constant 0 : i32
        %dma_wait3A_130 = tpu.memref_slice %arg11[%dma_wait3A_128, %dma_wait3A_129] : memref<10240x128xf32, #tpu.memory_space<vmem_shared>> -> memref<10240x128xf32, #tpu.memory_space<vmem_shared>>
        tpu.wait_indirect_dma semaphore(%arg15 : memref<!tpu.dma_semaphore, #tpu.memory_space<semaphore_mem>>) src(%arg9 : memref<128x128xf32, #tpu.memory_space<vmem>>) dst(%dma_wait3A_130 : memref<10240x128xf32, #tpu.memory_space<vmem_shared>>)
      } else {
      }
      %add3A_85 = arith.constant 1 : i32
      %add3A_86 = arith.addi %add3A_67, %add3A_85 : i32
      %lt3A_87 = arith.constant 40 : i32
      %lt3A_88 = arith.cmpi slt, %add3A_86, %lt3A_87 : i32
      %convert_element_type3A_89 = arith.extui %lt3A_88 : i1 to i32
      %cond3A_90 = arith.constant 0 : i32
      %cond3A_91 = arith.cmpi ne, %convert_element_type3A_89, %cond3A_90 : i32
      scf.if %cond3A_91 {
        %add3A_125 = arith.constant 1 : i32
        %add3A_126 = arith.addi %add3A_67, %add3A_125 : i32
        %dma_start3A_127 = arith.constant 0 : i32
        %dma_start3A_128 = tpu.memref_slice %arg7[%add3A_126, %dma_start3A_127] : memref<40x128xi32, #tpu.memory_space<vmem>> -> memref<1x128xi32, #tpu.memory_space<vmem>>
        %dma_start3A_129 = tpu.memref_squeeze %dma_start3A_128 : memref<1x128xi32, #tpu.memory_space<vmem>> -> memref<128xi32, #tpu.memory_space<vmem>>
        %dma_start3A_130 = arith.constant 0 : i32
        %dma_start3A_131 = arith.constant 0 : i32
        %dma_start3A_132 = tpu.memref_slice %arg2[%dma_start3A_130, %dma_start3A_131] : memref<10240x128xf32, #tpu.memory_space<hbm>> -> memref<10240x128xf32, #tpu.memory_space<hbm>>
        tpu.enqueue_indirect_dma source(%dma_start3A_132 : memref<10240x128xf32, #tpu.memory_space<hbm>>) target(%arg10 : memref<128x128xf32, #tpu.memory_space<vmem>>) offsets(%dma_start3A_129 : memref<128xi32, #tpu.memory_space<vmem>>) semaphore(%arg13 : memref<!tpu.dma_semaphore, #tpu.memory_space<semaphore_mem>>)
      } else {
      }
      %mul3A_92 = arith.constant 2 : i32
      %mul3A_93 = arith.muli %scan3A_63, %mul3A_92 : i32
      %add3A_94 = arith.constant 1 : i32
      %add3A_95 = arith.addi %mul3A_93, %add3A_94 : i32
      %dma_wait3A_96 = arith.constant 0 : i32
      %dma_wait3A_97 = tpu.memref_slice %arg7[%add3A_95, %dma_wait3A_96] : memref<40x128xi32, #tpu.memory_space<vmem>> -> memref<1x128xi32, #tpu.memory_space<vmem>>
      %dma_wait3A_98 = tpu.memref_squeeze %dma_wait3A_97 : memref<1x128xi32, #tpu.memory_space<vmem>> -> memref<128xi32, #tpu.memory_space<vmem>>
      %dma_wait3A_99 = arith.constant 0 : i32
      %dma_wait3A_100 = arith.constant 0 : i32
      %dma_wait3A_101 = tpu.memref_slice %arg2[%dma_wait3A_99, %dma_wait3A_100] : memref<10240x128xf32, #tpu.memory_space<hbm>> -> memref<10240x128xf32, #tpu.memory_space<hbm>>
      tpu.wait_indirect_dma semaphore(%arg13 : memref<!tpu.dma_semaphore, #tpu.memory_space<semaphore_mem>>) src(%dma_wait3A_101 : memref<10240x128xf32, #tpu.memory_space<hbm>>) dst(%arg10 : memref<128x128xf32, #tpu.memory_space<vmem>>)
      %dma_start3A_102 = arith.constant 0 : i32
      %dma_start3A_103 = tpu.memref_slice %arg8[%add3A_95, %dma_start3A_102] : memref<40x128xi32, #tpu.memory_space<vmem>> -> memref<1x128xi32, #tpu.memory_space<vmem>>
      %dma_start3A_104 = tpu.memref_squeeze %dma_start3A_103 : memref<1x128xi32, #tpu.memory_space<vmem>> -> memref<128xi32, #tpu.memory_space<vmem>>
      %dma_start3A_105 = arith.constant 0 : i32
      %dma_start3A_106 = arith.constant 0 : i32
      %dma_start3A_107 = tpu.memref_slice %arg11[%dma_start3A_105, %dma_start3A_106] : memref<10240x128xf32, #tpu.memory_space<vmem_shared>> -> memref<10240x128xf32, #tpu.memory_space<vmem_shared>>
      tpu.enqueue_indirect_dma source(%arg10 : memref<128x128xf32, #tpu.memory_space<vmem>>) target(%dma_start3A_107 : memref<10240x128xf32, #tpu.memory_space<vmem_shared>>) offsets(%dma_start3A_104 : memref<128xi32, #tpu.memory_space<vmem>>) semaphore(%arg15 : memref<!tpu.dma_semaphore, #tpu.memory_space<semaphore_mem>>) {add = true}
      %add3A_108 = arith.constant 1 : i32
      %add3A_109 = arith.addi %add3A_95, %add3A_108 : i32
      %lt3A_110 = arith.constant 40 : i32
      %lt3A_111 = arith.cmpi slt, %add3A_109, %lt3A_110 : i32
      %ge3A_112 = arith.constant 1 : i32
      %ge3A_113 = arith.cmpi sge, %add3A_95, %ge3A_112 : i32
      %and3A_114 = arith.andi %lt3A_111, %ge3A_113 : i1
      %convert_element_type3A_115 = arith.extui %and3A_114 : i1 to i32
      %cond3A_116 = arith.constant 0 : i32
      %cond3A_117 = arith.cmpi ne, %convert_element_type3A_115, %cond3A_116 : i32
      scf.if %cond3A_117 {
        %dma_wait3A_125 = arith.constant 0 : i32
        %dma_wait3A_126 = tpu.memref_slice %arg8[%add3A_95, %dma_wait3A_125] : memref<40x128xi32, #tpu.memory_space<vmem>> -> memref<1x128xi32, #tpu.memory_space<vmem>>
        %dma_wait3A_127 = tpu.memref_squeeze %dma_wait3A_126 : memref<1x128xi32, #tpu.memory_space<vmem>> -> memref<128xi32, #tpu.memory_space<vmem>>
        %dma_wait3A_128 = arith.constant 0 : i32
        %dma_wait3A_129 = arith.constant 0 : i32
        %dma_wait3A_130 = tpu.memref_slice %arg11[%dma_wait3A_128, %dma_wait3A_129] : memref<10240x128xf32, #tpu.memory_space<vmem_shared>> -> memref<10240x128xf32, #tpu.memory_space<vmem_shared>>
        tpu.wait_indirect_dma semaphore(%arg14 : memref<!tpu.dma_semaphore, #tpu.memory_space<semaphore_mem>>) src(%arg10 : memref<128x128xf32, #tpu.memory_space<vmem>>) dst(%dma_wait3A_130 : memref<10240x128xf32, #tpu.memory_space<vmem_shared>>)
      } else {
      }
      %add3A_118 = arith.constant 1 : i32
      %add3A_119 = arith.addi %add3A_95, %add3A_118 : i32
      %lt3A_120 = arith.constant 40 : i32
      %lt3A_121 = arith.cmpi slt, %add3A_119, %lt3A_120 : i32
      %convert_element_type3A_122 = arith.extui %lt3A_121 : i1 to i32
      %cond3A_123 = arith.constant 0 : i32
      %cond3A_124 = arith.cmpi ne, %convert_element_type3A_122, %cond3A_123 : i32
      scf.if %cond3A_124 {
        %add3A_125 = arith.constant 1 : i32
        %add3A_126 = arith.addi %add3A_95, %add3A_125 : i32
        %dma_start3A_127 = arith.constant 0 : i32
        %dma_start3A_128 = tpu.memref_slice %arg7[%add3A_126, %dma_start3A_127] : memref<40x128xi32, #tpu.memory_space<vmem>> -> memref<1x128xi32, #tpu.memory_space<vmem>>
        %dma_start3A_129 = tpu.memref_squeeze %dma_start3A_128 : memref<1x128xi32, #tpu.memory_space<vmem>> -> memref<128xi32, #tpu.memory_space<vmem>>
        %dma_start3A_130 = arith.constant 0 : i32
        %dma_start3A_131 = arith.constant 0 : i32
        %dma_start3A_132 = tpu.memref_slice %arg2[%dma_start3A_130, %dma_start3A_131] : memref<10240x128xf32, #tpu.memory_space<hbm>> -> memref<10240x128xf32, #tpu.memory_space<hbm>>
        tpu.enqueue_indirect_dma source(%dma_start3A_132 : memref<10240x128xf32, #tpu.memory_space<hbm>>) target(%arg9 : memref<128x128xf32, #tpu.memory_space<vmem>>) offsets(%dma_start3A_129 : memref<128xi32, #tpu.memory_space<vmem>>) semaphore(%arg12 : memref<!tpu.dma_semaphore, #tpu.memory_space<semaphore_mem>>)
      } else {
      }
    }
    %scan3A_17 = arith.constant 20 : i32
    %dma_wait3A = arith.constant 0 : i32
    %dma_wait3A_18 = arith.constant 0 : i32
    %dma_wait3A_19 = tpu.memref_slice %arg8[%dma_wait3A, %dma_wait3A_18] : memref<40x128xi32, #tpu.memory_space<vmem>> -> memref<1x128xi32, #tpu.memory_space<vmem>>
    %dma_wait3A_20 = tpu.memref_squeeze %dma_wait3A_19 : memref<1x128xi32, #tpu.memory_space<vmem>> -> memref<128xi32, #tpu.memory_space<vmem>>
    %dma_wait3A_21 = arith.constant 0 : i32
    %dma_wait3A_22 = arith.constant 0 : i32
    %dma_wait3A_23 = tpu.memref_slice %arg11[%dma_wait3A_21, %dma_wait3A_22] : memref<10240x128xf32, #tpu.memory_space<vmem_shared>> -> memref<10240x128xf32, #tpu.memory_space<vmem_shared>>
    tpu.wait_indirect_dma semaphore(%arg14 : memref<!tpu.dma_semaphore, #tpu.memory_space<semaphore_mem>>) src(%arg9 : memref<128x128xf32, #tpu.memory_space<vmem>>) dst(%dma_wait3A_23 : memref<10240x128xf32, #tpu.memory_space<vmem_shared>>)
    %dma_wait3A_24 = arith.constant 0 : i32
    %dma_wait3A_25 = arith.constant 0 : i32
    %dma_wait3A_26 = tpu.memref_slice %arg8[%dma_wait3A_24, %dma_wait3A_25] : memref<40x128xi32, #tpu.memory_space<vmem>> -> memref<1x128xi32, #tpu.memory_space<vmem>>
    %dma_wait3A_27 = tpu.memref_squeeze %dma_wait3A_26 : memref<1x128xi32, #tpu.memory_space<vmem>> -> memref<128xi32, #tpu.memory_space<vmem>>
    %dma_wait3A_28 = arith.constant 0 : i32
    %dma_wait3A_29 = arith.constant 0 : i32
    %dma_wait3A_30 = tpu.memref_slice %arg11[%dma_wait3A_28, %dma_wait3A_29] : memref<10240x128xf32, #tpu.memory_space<vmem_shared>> -> memref<10240x128xf32, #tpu.memory_space<vmem_shared>>
    tpu.wait_indirect_dma semaphore(%arg15 : memref<!tpu.dma_semaphore, #tpu.memory_space<semaphore_mem>>) src(%arg10 : memref<128x128xf32, #tpu.memory_space<vmem>>) dst(%dma_wait3A_30 : memref<10240x128xf32, #tpu.memory_space<vmem_shared>>)
    %mul3A_31 = arith.constant 80 : i32
    %mul3A_32 = arith.muli %add3A, %mul3A_31 : i32
    %add3A_33 = arith.constant 40 : i32
    %add3A_34 = arith.addi %mul3A_32, %add3A_33 : i32
    "tpu.region"() ({
      %run_scoped3A = tpu.sem_alloc : memref<!tpu.dma_semaphore, #tpu.memory_space<semaphore_mem>>
      %dma_start3A_63 = arith.constant 0 : i32
      %dma_start3A_64 = tpu.memref_slice %arg3[%add3A_34, %dma_start3A_63] : memref<2560x128xi32, #tpu.memory_space<hbm>> -> memref<40x128xi32, #tpu.memory_space<hbm>>
      %dma_start3A_65 = arith.constant 0 : i32
      %dma_start3A_66 = tpu.memref_slice %arg3[%add3A_34, %dma_start3A_65] : memref<2560x128xi32, #tpu.memory_space<hbm>> -> memref<40x128xi32, #tpu.memory_space<hbm>>
      tpu.enqueue_dma source(%dma_start3A_66 : memref<40x128xi32, #tpu.memory_space<hbm>>) target(%arg7 : memref<40x128xi32, #tpu.memory_space<vmem>>) target_semaphore(%run_scoped3A : memref<!tpu.dma_semaphore, #tpu.memory_space<semaphore_mem>>)
      %dma_wait3A_67 = arith.constant 0 : i32
      %dma_wait3A_68 = tpu.memref_slice %arg3[%add3A_34, %dma_wait3A_67] : memref<2560x128xi32, #tpu.memory_space<hbm>> -> memref<40x128xi32, #tpu.memory_space<hbm>>
      %dma_wait3A_69 = arith.constant 0 : i32
      %dma_wait3A_70 = tpu.memref_slice %arg3[%add3A_34, %dma_wait3A_69] : memref<2560x128xi32, #tpu.memory_space<hbm>> -> memref<40x128xi32, #tpu.memory_space<hbm>>
      tpu.wait_dma2 semaphore(%run_scoped3A : memref<!tpu.dma_semaphore, #tpu.memory_space<semaphore_mem>>) src(%dma_wait3A_70 : memref<40x128xi32, #tpu.memory_space<hbm>>) dst(%arg7 : memref<40x128xi32, #tpu.memory_space<vmem>>)
      tpu.yield
    }) : () -> ()
    "tpu.region"() ({
      %run_scoped3A = tpu.sem_alloc : memref<!tpu.dma_semaphore, #tpu.memory_space<semaphore_mem>>
      %dma_start3A_63 = arith.constant 0 : i32
      %dma_start3A_64 = tpu.memref_slice %arg4[%add3A_34, %dma_start3A_63] : memref<2560x128xi32, #tpu.memory_space<hbm>> -> memref<40x128xi32, #tpu.memory_space<hbm>>
      %dma_start3A_65 = arith.constant 0 : i32
      %dma_start3A_66 = tpu.memref_slice %arg4[%add3A_34, %dma_start3A_65] : memref<2560x128xi32, #tpu.memory_space<hbm>> -> memref<40x128xi32, #tpu.memory_space<hbm>>
      tpu.enqueue_dma source(%dma_start3A_66 : memref<40x128xi32, #tpu.memory_space<hbm>>) target(%arg8 : memref<40x128xi32, #tpu.memory_space<vmem>>) target_semaphore(%run_scoped3A : memref<!tpu.dma_semaphore, #tpu.memory_space<semaphore_mem>>)
      %dma_wait3A_67 = arith.constant 0 : i32
      %dma_wait3A_68 = tpu.memref_slice %arg4[%add3A_34, %dma_wait3A_67] : memref<2560x128xi32, #tpu.memory_space<hbm>> -> memref<40x128xi32, #tpu.memory_space<hbm>>
      %dma_wait3A_69 = arith.constant 0 : i32
      %dma_wait3A_70 = tpu.memref_slice %arg4[%add3A_34, %dma_wait3A_69] : memref<2560x128xi32, #tpu.memory_space<hbm>> -> memref<40x128xi32, #tpu.memory_space<hbm>>
      tpu.wait_dma2 semaphore(%run_scoped3A : memref<!tpu.dma_semaphore, #tpu.memory_space<semaphore_mem>>) src(%dma_wait3A_70 : memref<40x128xi32, #tpu.memory_space<hbm>>) dst(%arg8 : memref<40x128xi32, #tpu.memory_space<vmem>>)
      tpu.yield
    }) : () -> ()
    %dma_start3A_35 = arith.constant 0 : i32
    %dma_start3A_36 = arith.constant 0 : i32
    %dma_start3A_37 = tpu.memref_slice %arg7[%dma_start3A_35, %dma_start3A_36] : memref<40x128xi32, #tpu.memory_space<vmem>> -> memref<1x128xi32, #tpu.memory_space<vmem>>
    %dma_start3A_38 = tpu.memref_squeeze %dma_start3A_37 : memref<1x128xi32, #tpu.memory_space<vmem>> -> memref<128xi32, #tpu.memory_space<vmem>>
    %dma_start3A_39 = arith.constant 0 : i32
    %dma_start3A_40 = arith.constant 0 : i32
    %dma_start3A_41 = tpu.memref_slice %arg2[%dma_start3A_39, %dma_start3A_40] : memref<10240x128xf32, #tpu.memory_space<hbm>> -> memref<10240x128xf32, #tpu.memory_space<hbm>>
    tpu.enqueue_indirect_dma source(%dma_start3A_41 : memref<10240x128xf32, #tpu.memory_space<hbm>>) target(%arg9 : memref<128x128xf32, #tpu.memory_space<vmem>>) offsets(%dma_start3A_38 : memref<128xi32, #tpu.memory_space<vmem>>) semaphore(%arg12 : memref<!tpu.dma_semaphore, #tpu.memory_space<semaphore_mem>>)
    %scan3A_42 = arith.constant 0 : i32
    %scan3A_43 = arith.constant 0 : i32
    %scan3A_44 = arith.constant 20 : i32
    %scan3A_45 = arith.addi %scan3A_43, %scan3A_44 : i32
    %scan3A_46 = arith.constant 1 : i32
    scf.for %scan3A_63 = %scan3A_43 to %scan3A_45 step %scan3A_46  : i32 {
      %mul3A_64 = arith.constant 2 : i32
      %mul3A_65 = arith.muli %scan3A_63, %mul3A_64 : i32
      %add3A_66 = arith.constant 0 : i32
      %add3A_67 = arith.addi %mul3A_65, %add3A_66 : i32
      %dma_wait3A_68 = arith.constant 0 : i32
      %dma_wait3A_69 = tpu.memref_slice %arg7[%add3A_67, %dma_wait3A_68] : memref<40x128xi32, #tpu.memory_space<vmem>> -> memref<1x128xi32, #tpu.memory_space<vmem>>
      %dma_wait3A_70 = tpu.memref_squeeze %dma_wait3A_69 : memref<1x128xi32, #tpu.memory_space<vmem>> -> memref<128xi32, #tpu.memory_space<vmem>>
      %dma_wait3A_71 = arith.constant 0 : i32
      %dma_wait3A_72 = arith.constant 0 : i32
      %dma_wait3A_73 = tpu.memref_slice %arg2[%dma_wait3A_71, %dma_wait3A_72] : memref<10240x128xf32, #tpu.memory_space<hbm>> -> memref<10240x128xf32, #tpu.memory_space<hbm>>
      tpu.wait_indirect_dma semaphore(%arg12 : memref<!tpu.dma_semaphore, #tpu.memory_space<semaphore_mem>>) src(%dma_wait3A_73 : memref<10240x128xf32, #tpu.memory_space<hbm>>) dst(%arg9 : memref<128x128xf32, #tpu.memory_space<vmem>>)
      %dma_start3A_74 = arith.constant 0 : i32
      %dma_start3A_75 = tpu.memref_slice %arg8[%add3A_67, %dma_start3A_74] : memref<40x128xi32, #tpu.memory_space<vmem>> -> memref<1x128xi32, #tpu.memory_space<vmem>>
      %dma_start3A_76 = tpu.memref_squeeze %dma_start3A_75 : memref<1x128xi32, #tpu.memory_space<vmem>> -> memref<128xi32, #tpu.memory_space<vmem>>
      %dma_start3A_77 = arith.constant 0 : i32
      %dma_start3A_78 = arith.constant 0 : i32
      %dma_start3A_79 = tpu.memref_slice %arg11[%dma_start3A_77, %dma_start3A_78] : memref<10240x128xf32, #tpu.memory_space<vmem_shared>> -> memref<10240x128xf32, #tpu.memory_space<vmem_shared>>
      tpu.enqueue_indirect_dma source(%arg9 : memref<128x128xf32, #tpu.memory_space<vmem>>) target(%dma_start3A_79 : memref<10240x128xf32, #tpu.memory_space<vmem_shared>>) offsets(%dma_start3A_76 : memref<128xi32, #tpu.memory_space<vmem>>) semaphore(%arg14 : memref<!tpu.dma_semaphore, #tpu.memory_space<semaphore_mem>>) {add = true}
      %add3A_80 = arith.constant 1 : i32
      %add3A_81 = arith.addi %add3A_67, %add3A_80 : i32
      %lt3A = arith.constant 40 : i32
      %lt3A_82 = arith.cmpi slt, %add3A_81, %lt3A : i32
      %ge3A = arith.constant 1 : i32
      %ge3A_83 = arith.cmpi sge, %add3A_67, %ge3A : i32
      %and3A = arith.andi %lt3A_82, %ge3A_83 : i1
      %convert_element_type3A = arith.extui %and3A : i1 to i32
      %cond3A = arith.constant 0 : i32
      %cond3A_84 = arith.cmpi ne, %convert_element_type3A, %cond3A : i32
      scf.if %cond3A_84 {
        %dma_wait3A_125 = arith.constant 0 : i32
        %dma_wait3A_126 = tpu.memref_slice %arg8[%add3A_67, %dma_wait3A_125] : memref<40x128xi32, #tpu.memory_space<vmem>> -> memref<1x128xi32, #tpu.memory_space<vmem>>
        %dma_wait3A_127 = tpu.memref_squeeze %dma_wait3A_126 : memref<1x128xi32, #tpu.memory_space<vmem>> -> memref<128xi32, #tpu.memory_space<vmem>>
        %dma_wait3A_128 = arith.constant 0 : i32
        %dma_wait3A_129 = arith.constant 0 : i32
        %dma_wait3A_130 = tpu.memref_slice %arg11[%dma_wait3A_128, %dma_wait3A_129] : memref<10240x128xf32, #tpu.memory_space<vmem_shared>> -> memref<10240x128xf32, #tpu.memory_space<vmem_shared>>
        tpu.wait_indirect_dma semaphore(%arg15 : memref<!tpu.dma_semaphore, #tpu.memory_space<semaphore_mem>>) src(%arg9 : memref<128x128xf32, #tpu.memory_space<vmem>>) dst(%dma_wait3A_130 : memref<10240x128xf32, #tpu.memory_space<vmem_shared>>)
      } else {
      }
      %add3A_85 = arith.constant 1 : i32
      %add3A_86 = arith.addi %add3A_67, %add3A_85 : i32
      %lt3A_87 = arith.constant 40 : i32
      %lt3A_88 = arith.cmpi slt, %add3A_86, %lt3A_87 : i32
      %convert_element_type3A_89 = arith.extui %lt3A_88 : i1 to i32
      %cond3A_90 = arith.constant 0 : i32
      %cond3A_91 = arith.cmpi ne, %convert_element_type3A_89, %cond3A_90 : i32
      scf.if %cond3A_91 {
        %add3A_125 = arith.constant 1 : i32
        %add3A_126 = arith.addi %add3A_67, %add3A_125 : i32
        %dma_start3A_127 = arith.constant 0 : i32
        %dma_start3A_128 = tpu.memref_slice %arg7[%add3A_126, %dma_start3A_127] : memref<40x128xi32, #tpu.memory_space<vmem>> -> memref<1x128xi32, #tpu.memory_space<vmem>>
        %dma_start3A_129 = tpu.memref_squeeze %dma_start3A_128 : memref<1x128xi32, #tpu.memory_space<vmem>> -> memref<128xi32, #tpu.memory_space<vmem>>
        %dma_start3A_130 = arith.constant 0 : i32
        %dma_start3A_131 = arith.constant 0 : i32
        %dma_start3A_132 = tpu.memref_slice %arg2[%dma_start3A_130, %dma_start3A_131] : memref<10240x128xf32, #tpu.memory_space<hbm>> -> memref<10240x128xf32, #tpu.memory_space<hbm>>
        tpu.enqueue_indirect_dma source(%dma_start3A_132 : memref<10240x128xf32, #tpu.memory_space<hbm>>) target(%arg10 : memref<128x128xf32, #tpu.memory_space<vmem>>) offsets(%dma_start3A_129 : memref<128xi32, #tpu.memory_space<vmem>>) semaphore(%arg13 : memref<!tpu.dma_semaphore, #tpu.memory_space<semaphore_mem>>)
      } else {
      }
      %mul3A_92 = arith.constant 2 : i32
      %mul3A_93 = arith.muli %scan3A_63, %mul3A_92 : i32
      %add3A_94 = arith.constant 1 : i32
      %add3A_95 = arith.addi %mul3A_93, %add3A_94 : i32
      %dma_wait3A_96 = arith.constant 0 : i32
      %dma_wait3A_97 = tpu.memref_slice %arg7[%add3A_95, %dma_wait3A_96] : memref<40x128xi32, #tpu.memory_space<vmem>> -> memref<1x128xi32, #tpu.memory_space<vmem>>
      %dma_wait3A_98 = tpu.memref_squeeze %dma_wait3A_97 : memref<1x128xi32, #tpu.memory_space<vmem>> -> memref<128xi32, #tpu.memory_space<vmem>>
      %dma_wait3A_99 = arith.constant 0 : i32
      %dma_wait3A_100 = arith.constant 0 : i32
      %dma_wait3A_101 = tpu.memref_slice %arg2[%dma_wait3A_99, %dma_wait3A_100] : memref<10240x128xf32, #tpu.memory_space<hbm>> -> memref<10240x128xf32, #tpu.memory_space<hbm>>
      tpu.wait_indirect_dma semaphore(%arg13 : memref<!tpu.dma_semaphore, #tpu.memory_space<semaphore_mem>>) src(%dma_wait3A_101 : memref<10240x128xf32, #tpu.memory_space<hbm>>) dst(%arg10 : memref<128x128xf32, #tpu.memory_space<vmem>>)
      %dma_start3A_102 = arith.constant 0 : i32
      %dma_start3A_103 = tpu.memref_slice %arg8[%add3A_95, %dma_start3A_102] : memref<40x128xi32, #tpu.memory_space<vmem>> -> memref<1x128xi32, #tpu.memory_space<vmem>>
      %dma_start3A_104 = tpu.memref_squeeze %dma_start3A_103 : memref<1x128xi32, #tpu.memory_space<vmem>> -> memref<128xi32, #tpu.memory_space<vmem>>
      %dma_start3A_105 = arith.constant 0 : i32
      %dma_start3A_106 = arith.constant 0 : i32
      %dma_start3A_107 = tpu.memref_slice %arg11[%dma_start3A_105, %dma_start3A_106] : memref<10240x128xf32, #tpu.memory_space<vmem_shared>> -> memref<10240x128xf32, #tpu.memory_space<vmem_shared>>
      tpu.enqueue_indirect_dma source(%arg10 : memref<128x128xf32, #tpu.memory_space<vmem>>) target(%dma_start3A_107 : memref<10240x128xf32, #tpu.memory_space<vmem_shared>>) offsets(%dma_start3A_104 : memref<128xi32, #tpu.memory_space<vmem>>) semaphore(%arg15 : memref<!tpu.dma_semaphore, #tpu.memory_space<semaphore_mem>>) {add = true}
      %add3A_108 = arith.constant 1 : i32
      %add3A_109 = arith.addi %add3A_95, %add3A_108 : i32
      %lt3A_110 = arith.constant 40 : i32
      %lt3A_111 = arith.cmpi slt, %add3A_109, %lt3A_110 : i32
      %ge3A_112 = arith.constant 1 : i32
      %ge3A_113 = arith.cmpi sge, %add3A_95, %ge3A_112 : i32
      %and3A_114 = arith.andi %lt3A_111, %ge3A_113 : i1
      %convert_element_type3A_115 = arith.extui %and3A_114 : i1 to i32
      %cond3A_116 = arith.constant 0 : i32
      %cond3A_117 = arith.cmpi ne, %convert_element_type3A_115, %cond3A_116 : i32
      scf.if %cond3A_117 {
        %dma_wait3A_125 = arith.constant 0 : i32
        %dma_wait3A_126 = tpu.memref_slice %arg8[%add3A_95, %dma_wait3A_125] : memref<40x128xi32, #tpu.memory_space<vmem>> -> memref<1x128xi32, #tpu.memory_space<vmem>>
        %dma_wait3A_127 = tpu.memref_squeeze %dma_wait3A_126 : memref<1x128xi32, #tpu.memory_space<vmem>> -> memref<128xi32, #tpu.memory_space<vmem>>
        %dma_wait3A_128 = arith.constant 0 : i32
        %dma_wait3A_129 = arith.constant 0 : i32
        %dma_wait3A_130 = tpu.memref_slice %arg11[%dma_wait3A_128, %dma_wait3A_129] : memref<10240x128xf32, #tpu.memory_space<vmem_shared>> -> memref<10240x128xf32, #tpu.memory_space<vmem_shared>>
        tpu.wait_indirect_dma semaphore(%arg14 : memref<!tpu.dma_semaphore, #tpu.memory_space<semaphore_mem>>) src(%arg10 : memref<128x128xf32, #tpu.memory_space<vmem>>) dst(%dma_wait3A_130 : memref<10240x128xf32, #tpu.memory_space<vmem_shared>>)
      } else {
      }
      %add3A_118 = arith.constant 1 : i32
      %add3A_119 = arith.addi %add3A_95, %add3A_118 : i32
      %lt3A_120 = arith.constant 40 : i32
      %lt3A_121 = arith.cmpi slt, %add3A_119, %lt3A_120 : i32
      %convert_element_type3A_122 = arith.extui %lt3A_121 : i1 to i32
      %cond3A_123 = arith.constant 0 : i32
      %cond3A_124 = arith.cmpi ne, %convert_element_type3A_122, %cond3A_123 : i32
      scf.if %cond3A_124 {
        %add3A_125 = arith.constant 1 : i32
        %add3A_126 = arith.addi %add3A_95, %add3A_125 : i32
        %dma_start3A_127 = arith.constant 0 : i32
        %dma_start3A_128 = tpu.memref_slice %arg7[%add3A_126, %dma_start3A_127] : memref<40x128xi32, #tpu.memory_space<vmem>> -> memref<1x128xi32, #tpu.memory_space<vmem>>
        %dma_start3A_129 = tpu.memref_squeeze %dma_start3A_128 : memref<1x128xi32, #tpu.memory_space<vmem>> -> memref<128xi32, #tpu.memory_space<vmem>>
        %dma_start3A_130 = arith.constant 0 : i32
        %dma_start3A_131 = arith.constant 0 : i32
        %dma_start3A_132 = tpu.memref_slice %arg2[%dma_start3A_130, %dma_start3A_131] : memref<10240x128xf32, #tpu.memory_space<hbm>> -> memref<10240x128xf32, #tpu.memory_space<hbm>>
        tpu.enqueue_indirect_dma source(%dma_start3A_132 : memref<10240x128xf32, #tpu.memory_space<hbm>>) target(%arg9 : memref<128x128xf32, #tpu.memory_space<vmem>>) offsets(%dma_start3A_129 : memref<128xi32, #tpu.memory_space<vmem>>) semaphore(%arg12 : memref<!tpu.dma_semaphore, #tpu.memory_space<semaphore_mem>>)
      } else {
      }
    }
    %scan3A_47 = arith.constant 20 : i32
    %dma_wait3A_48 = arith.constant 0 : i32
    %dma_wait3A_49 = arith.constant 0 : i32
    %dma_wait3A_50 = tpu.memref_slice %arg8[%dma_wait3A_48, %dma_wait3A_49] : memref<40x128xi32, #tpu.memory_space<vmem>> -> memref<1x128xi32, #tpu.memory_space<vmem>>
    %dma_wait3A_51 = tpu.memref_squeeze %dma_wait3A_50 : memref<1x128xi32, #tpu.memory_space<vmem>> -> memref<128xi32, #tpu.memory_space<vmem>>
    %dma_wait3A_52 = arith.constant 0 : i32
    %dma_wait3A_53 = arith.constant 0 : i32
    %dma_wait3A_54 = tpu.memref_slice %arg11[%dma_wait3A_52, %dma_wait3A_53] : memref<10240x128xf32, #tpu.memory_space<vmem_shared>> -> memref<10240x128xf32, #tpu.memory_space<vmem_shared>>
    tpu.wait_indirect_dma semaphore(%arg14 : memref<!tpu.dma_semaphore, #tpu.memory_space<semaphore_mem>>) src(%arg9 : memref<128x128xf32, #tpu.memory_space<vmem>>) dst(%dma_wait3A_54 : memref<10240x128xf32, #tpu.memory_space<vmem_shared>>)
    %dma_wait3A_55 = arith.constant 0 : i32
    %dma_wait3A_56 = arith.constant 0 : i32
    %dma_wait3A_57 = tpu.memref_slice %arg8[%dma_wait3A_55, %dma_wait3A_56] : memref<40x128xi32, #tpu.memory_space<vmem>> -> memref<1x128xi32, #tpu.memory_space<vmem>>
    %dma_wait3A_58 = tpu.memref_squeeze %dma_wait3A_57 : memref<1x128xi32, #tpu.memory_space<vmem>> -> memref<128xi32, #tpu.memory_space<vmem>>
    %dma_wait3A_59 = arith.constant 0 : i32
    %dma_wait3A_60 = arith.constant 0 : i32
    %dma_wait3A_61 = tpu.memref_slice %arg11[%dma_wait3A_59, %dma_wait3A_60] : memref<10240x128xf32, #tpu.memory_space<vmem_shared>> -> memref<10240x128xf32, #tpu.memory_space<vmem_shared>>
    tpu.wait_indirect_dma semaphore(%arg15 : memref<!tpu.dma_semaphore, #tpu.memory_space<semaphore_mem>>) src(%arg10 : memref<128x128xf32, #tpu.memory_space<vmem>>) dst(%dma_wait3A_61 : memref<10240x128xf32, #tpu.memory_space<vmem_shared>>)
    %barrier3A_62 = arith.constant 0 : index
    tpu.barrier barrier_id(%barrier3A_62)
    "tpu.region"() ({
      %run_scoped3A = tpu.sem_alloc : memref<!tpu.dma_semaphore, #tpu.memory_space<semaphore_mem>>
      %dma_start3A_63 = arith.constant 0 : i32
      %dma_start3A_64 = tpu.memref_slice %arg6[%arg0, %mul3A_2, %dma_start3A_63] : memref<2x10240x128xf32, #tpu.memory_space<hbm>> -> memref<1x640x128xf32, #tpu.memory_space<hbm>>
      %dma_start3A_65 = tpu.memref_squeeze %dma_start3A_64 : memref<1x640x128xf32, #tpu.memory_space<hbm>> -> memref<640x128xf32, #tpu.memory_space<hbm>>
      %dma_start3A_66 = arith.constant 0 : i32
      %dma_start3A_67 = tpu.memref_slice %arg11[%mul3A_2, %dma_start3A_66] : memref<10240x128xf32, #tpu.memory_space<vmem_shared>> -> memref<640x128xf32, #tpu.memory_space<vmem_shared>>
      tpu.enqueue_dma source(%dma_start3A_67 : memref<640x128xf32, #tpu.memory_space<vmem_shared>>) target(%dma_start3A_65 : memref<640x128xf32, #tpu.memory_space<hbm>>) target_semaphore(%run_scoped3A : memref<!tpu.dma_semaphore, #tpu.memory_space<semaphore_mem>>)
      %dma_wait3A_68 = arith.constant 0 : i32
      %dma_wait3A_69 = tpu.memref_slice %arg6[%arg0, %mul3A_2, %dma_wait3A_68] : memref<2x10240x128xf32, #tpu.memory_space<hbm>> -> memref<1x640x128xf32, #tpu.memory_space<hbm>>
      %dma_wait3A_70 = tpu.memref_squeeze %dma_wait3A_69 : memref<1x640x128xf32, #tpu.memory_space<hbm>> -> memref<640x128xf32, #tpu.memory_space<hbm>>
      %dma_wait3A_71 = arith.constant 0 : i32
      %dma_wait3A_72 = tpu.memref_slice %arg11[%mul3A_2, %dma_wait3A_71] : memref<10240x128xf32, #tpu.memory_space<vmem_shared>> -> memref<640x128xf32, #tpu.memory_space<vmem_shared>>
      tpu.wait_dma2 semaphore(%run_scoped3A : memref<!tpu.dma_semaphore, #tpu.memory_space<semaphore_mem>>) src(%dma_wait3A_72 : memref<640x128xf32, #tpu.memory_space<vmem_shared>>) dst(%dma_wait3A_70 : memref<640x128xf32, #tpu.memory_space<hbm>>)
      tpu.yield
    }) : () -> ()
    return
  }
}

#map = affine_map<(d0, d1) -> (0, 0)>
#map1 = affine_map<(d0, d1) -> (0, 0, 0)>
module attributes {stable_mosaic.version = 14 : i64} {
  func.func @sc_degree(%arg0: i32, %arg1: i32, %arg2: memref<2560x128xi32, #tpu.memory_space<hbm>>, %arg3: memref<128x128xf32, #tpu.memory_space<hbm>>, %arg4: memref<640x128xf32, #tpu.memory_space<hbm>>, %arg5: memref<2x10240x128xf32, #tpu.memory_space<hbm>>, %arg6: memref<80x128xi32, #tpu.memory_space<vmem>>, %arg7: memref<128x128xf32, #tpu.memory_space<vmem>>, %arg8: memref<10240x128xf32, #tpu.memory_space<vmem_shared>>) attributes {dimension_semantics = [#tpu.dimension_semantics<core_parallel>, #tpu.dimension_semantics<subcore_parallel>], iteration_bounds = array<i64: 2, 16>, scalar_prefetch = 0 : i64, scratch_operands = 3 : i64, tpu.core_type = #tpu.core_type<sc_vector_subcore>, window_params = [{transform_indices = #map}, {transform_indices = #map}, {transform_indices = #map}, {transform_indices = #map1}]} {
    %mul3A = arith.constant 2 : i32
    %mul3A_0 = arith.muli %arg1, %mul3A : i32
    %add3A = arith.addi %mul3A_0, %arg0 : i32
    %mul3A_1 = arith.constant 640 : i32
    %mul3A_2 = arith.muli %arg1, %mul3A_1 : i32
    "tpu.region"() ({
      %run_scoped3A = tpu.sem_alloc : memref<!tpu.dma_semaphore, #tpu.memory_space<semaphore_mem>>
      %dma_start3A = arith.constant 0 : i32
      %dma_start3A_11 = tpu.memref_slice %arg8[%mul3A_2, %dma_start3A] : memref<10240x128xf32, #tpu.memory_space<vmem_shared>> -> memref<640x128xf32, #tpu.memory_space<vmem_shared>>
      tpu.enqueue_dma source(%arg4 : memref<640x128xf32, #tpu.memory_space<hbm>>) target(%dma_start3A_11 : memref<640x128xf32, #tpu.memory_space<vmem_shared>>) target_semaphore(%run_scoped3A : memref<!tpu.dma_semaphore, #tpu.memory_space<semaphore_mem>>)
      %dma_wait3A = arith.constant 0 : i32
      %dma_wait3A_12 = tpu.memref_slice %arg8[%mul3A_2, %dma_wait3A] : memref<10240x128xf32, #tpu.memory_space<vmem_shared>> -> memref<640x128xf32, #tpu.memory_space<vmem_shared>>
      tpu.wait_dma2 semaphore(%run_scoped3A : memref<!tpu.dma_semaphore, #tpu.memory_space<semaphore_mem>>) src(%arg4 : memref<640x128xf32, #tpu.memory_space<hbm>>) dst(%dma_wait3A_12 : memref<640x128xf32, #tpu.memory_space<vmem_shared>>)
      tpu.yield
    }) : () -> ()
    "tpu.region"() ({
      %run_scoped3A = tpu.sem_alloc : memref<!tpu.dma_semaphore, #tpu.memory_space<semaphore_mem>>
      tpu.enqueue_dma source(%arg3 : memref<128x128xf32, #tpu.memory_space<hbm>>) target(%arg7 : memref<128x128xf32, #tpu.memory_space<vmem>>) target_semaphore(%run_scoped3A : memref<!tpu.dma_semaphore, #tpu.memory_space<semaphore_mem>>)
      tpu.wait_dma2 semaphore(%run_scoped3A : memref<!tpu.dma_semaphore, #tpu.memory_space<semaphore_mem>>) src(%arg3 : memref<128x128xf32, #tpu.memory_space<hbm>>) dst(%arg7 : memref<128x128xf32, #tpu.memory_space<vmem>>)
      tpu.yield
    }) : () -> ()
    %mul3A_3 = arith.constant 80 : i32
    %mul3A_4 = arith.muli %add3A, %mul3A_3 : i32
    "tpu.region"() ({
      %run_scoped3A = tpu.sem_alloc : memref<!tpu.dma_semaphore, #tpu.memory_space<semaphore_mem>>
      %dma_start3A = arith.constant 0 : i32
      %dma_start3A_11 = tpu.memref_slice %arg2[%mul3A_4, %dma_start3A] : memref<2560x128xi32, #tpu.memory_space<hbm>> -> memref<80x128xi32, #tpu.memory_space<hbm>>
      %dma_start3A_12 = arith.constant 0 : i32
      %dma_start3A_13 = tpu.memref_slice %arg2[%mul3A_4, %dma_start3A_12] : memref<2560x128xi32, #tpu.memory_space<hbm>> -> memref<80x128xi32, #tpu.memory_space<hbm>>
      tpu.enqueue_dma source(%dma_start3A_13 : memref<80x128xi32, #tpu.memory_space<hbm>>) target(%arg6 : memref<80x128xi32, #tpu.memory_space<vmem>>) target_semaphore(%run_scoped3A : memref<!tpu.dma_semaphore, #tpu.memory_space<semaphore_mem>>)
      %dma_wait3A = arith.constant 0 : i32
      %dma_wait3A_14 = tpu.memref_slice %arg2[%mul3A_4, %dma_wait3A] : memref<2560x128xi32, #tpu.memory_space<hbm>> -> memref<80x128xi32, #tpu.memory_space<hbm>>
      %dma_wait3A_15 = arith.constant 0 : i32
      %dma_wait3A_16 = tpu.memref_slice %arg2[%mul3A_4, %dma_wait3A_15] : memref<2560x128xi32, #tpu.memory_space<hbm>> -> memref<80x128xi32, #tpu.memory_space<hbm>>
      tpu.wait_dma2 semaphore(%run_scoped3A : memref<!tpu.dma_semaphore, #tpu.memory_space<semaphore_mem>>) src(%dma_wait3A_16 : memref<80x128xi32, #tpu.memory_space<hbm>>) dst(%arg6 : memref<80x128xi32, #tpu.memory_space<vmem>>)
      tpu.yield
    }) : () -> ()
    %barrier3A = arith.constant 0 : index
    tpu.barrier barrier_id(%barrier3A)
    %scan3A = arith.constant 0 : i32
    %scan3A_5 = arith.constant 0 : i32
    %scan3A_6 = arith.constant 80 : i32
    %scan3A_7 = arith.addi %scan3A_5, %scan3A_6 : i32
    %scan3A_8 = arith.constant 1 : i32
    scf.for %scan3A_11 = %scan3A_5 to %scan3A_7 step %scan3A_8  : i32 {
      "tpu.region"() ({
        %run_scoped3A = tpu.sem_alloc : memref<!tpu.dma_semaphore, #tpu.memory_space<semaphore_mem>>
        %dma_start3A = arith.constant 0 : i32
        %dma_start3A_12 = tpu.memref_slice %arg6[%scan3A_11, %dma_start3A] : memref<80x128xi32, #tpu.memory_space<vmem>> -> memref<1x128xi32, #tpu.memory_space<vmem>>
        %dma_start3A_13 = tpu.memref_squeeze %dma_start3A_12 : memref<1x128xi32, #tpu.memory_space<vmem>> -> memref<128xi32, #tpu.memory_space<vmem>>
        %dma_start3A_14 = arith.constant 0 : i32
        %dma_start3A_15 = arith.constant 0 : i32
        %dma_start3A_16 = tpu.memref_slice %arg8[%dma_start3A_14, %dma_start3A_15] : memref<10240x128xf32, #tpu.memory_space<vmem_shared>> -> memref<10240x128xf32, #tpu.memory_space<vmem_shared>>
        tpu.enqueue_indirect_dma source(%arg7 : memref<128x128xf32, #tpu.memory_space<vmem>>) target(%dma_start3A_16 : memref<10240x128xf32, #tpu.memory_space<vmem_shared>>) offsets(%dma_start3A_13 : memref<128xi32, #tpu.memory_space<vmem>>) semaphore(%run_scoped3A : memref<!tpu.dma_semaphore, #tpu.memory_space<semaphore_mem>>) {add = true}
        %dma_wait3A = arith.constant 0 : i32
        %dma_wait3A_17 = tpu.memref_slice %arg6[%scan3A_11, %dma_wait3A] : memref<80x128xi32, #tpu.memory_space<vmem>> -> memref<1x128xi32, #tpu.memory_space<vmem>>
        %dma_wait3A_18 = tpu.memref_squeeze %dma_wait3A_17 : memref<1x128xi32, #tpu.memory_space<vmem>> -> memref<128xi32, #tpu.memory_space<vmem>>
        %dma_wait3A_19 = arith.constant 0 : i32
        %dma_wait3A_20 = arith.constant 0 : i32
        %dma_wait3A_21 = tpu.memref_slice %arg8[%dma_wait3A_19, %dma_wait3A_20] : memref<10240x128xf32, #tpu.memory_space<vmem_shared>> -> memref<10240x128xf32, #tpu.memory_space<vmem_shared>>
        tpu.wait_indirect_dma semaphore(%run_scoped3A : memref<!tpu.dma_semaphore, #tpu.memory_space<semaphore_mem>>) src(%arg7 : memref<128x128xf32, #tpu.memory_space<vmem>>) dst(%dma_wait3A_21 : memref<10240x128xf32, #tpu.memory_space<vmem_shared>>)
        tpu.yield
      }) : () -> ()
    }
    %scan3A_9 = arith.constant 80 : i32
    %barrier3A_10 = arith.constant 0 : index
    tpu.barrier barrier_id(%barrier3A_10)
    "tpu.region"() ({
      %run_scoped3A = tpu.sem_alloc : memref<!tpu.dma_semaphore, #tpu.memory_space<semaphore_mem>>
      %dma_start3A = arith.constant 0 : i32
      %dma_start3A_11 = tpu.memref_slice %arg5[%arg0, %mul3A_2, %dma_start3A] : memref<2x10240x128xf32, #tpu.memory_space<hbm>> -> memref<1x640x128xf32, #tpu.memory_space<hbm>>
      %dma_start3A_12 = tpu.memref_squeeze %dma_start3A_11 : memref<1x640x128xf32, #tpu.memory_space<hbm>> -> memref<640x128xf32, #tpu.memory_space<hbm>>
      %dma_start3A_13 = arith.constant 0 : i32
      %dma_start3A_14 = tpu.memref_slice %arg8[%mul3A_2, %dma_start3A_13] : memref<10240x128xf32, #tpu.memory_space<vmem_shared>> -> memref<640x128xf32, #tpu.memory_space<vmem_shared>>
      tpu.enqueue_dma source(%dma_start3A_14 : memref<640x128xf32, #tpu.memory_space<vmem_shared>>) target(%dma_start3A_12 : memref<640x128xf32, #tpu.memory_space<hbm>>) target_semaphore(%run_scoped3A : memref<!tpu.dma_semaphore, #tpu.memory_space<semaphore_mem>>)
      %dma_wait3A = arith.constant 0 : i32
      %dma_wait3A_15 = tpu.memref_slice %arg5[%arg0, %mul3A_2, %dma_wait3A] : memref<2x10240x128xf32, #tpu.memory_space<hbm>> -> memref<1x640x128xf32, #tpu.memory_space<hbm>>
      %dma_wait3A_16 = tpu.memref_squeeze %dma_wait3A_15 : memref<1x640x128xf32, #tpu.memory_space<hbm>> -> memref<640x128xf32, #tpu.memory_space<hbm>>
      %dma_wait3A_17 = arith.constant 0 : i32
      %dma_wait3A_18 = tpu.memref_slice %arg8[%mul3A_2, %dma_wait3A_17] : memref<10240x128xf32, #tpu.memory_space<vmem_shared>> -> memref<640x128xf32, #tpu.memory_space<vmem_shared>>
      tpu.wait_dma2 semaphore(%run_scoped3A : memref<!tpu.dma_semaphore, #tpu.memory_space<semaphore_mem>>) src(%dma_wait3A_18 : memref<640x128xf32, #tpu.memory_space<vmem_shared>>) dst(%dma_wait3A_16 : memref<640x128xf32, #tpu.memory_space<hbm>>)
      tpu.yield
    }) : () -> ()
    return
  }
}

module attributes {stable_mosaic.version = 14 : i64} {
  func.func @_k0_body(%arg0: i32, %arg1: memref<2000x128xf32, #tpu.memory_space<vmem>>, %arg2: memref<128x128xf32, #tpu.memory_space<vmem>>, %arg3: memref<1x128xf32, #tpu.memory_space<vmem>>, %arg4: memref<2000x128xf32, #tpu.memory_space<vmem>>) attributes {dimension_semantics = [#tpu.dimension_semantics<arbitrary>], iteration_bounds = array<i64: 5>, scalar_prefetch = 0 : i64, scratch_operands = 0 : i64, tpu.core_type = #tpu.core_type<tc>, window_params = [{transform_indices = @transform_0, window_bounds = array<i64: 2000, 128>}, {pipeline_mode = #tpu.pipeline_mode<synchronous>, transform_indices = @transform_1, window_bounds = array<i64: 128, 128>}, {pipeline_mode = #tpu.pipeline_mode<synchronous>, transform_indices = @transform_2, window_bounds = array<i64: 1, 128>}, {transform_indices = @transform_3, window_bounds = array<i64: 2000, 128>}]} {
    %get3A = arith.constant 0 : index
    %get3A_0 = arith.constant 0 : index
    %get3A_1 = vector.load %arg1[%get3A, %get3A_0] : memref<2000x128xf32, #tpu.memory_space<vmem>>, vector<2000x128xf32>
    %get3A_2 = arith.constant 0 : index
    %get3A_3 = arith.constant 0 : index
    %get3A_4 = vector.load %arg2[%get3A_2, %get3A_3] : memref<128x128xf32, #tpu.memory_space<vmem>>, vector<128x128xf32>
    %dot_general3A = arith.constant dense<0.000000e+00> : vector<2000x128xf32>
    %dot_general3A_5 = tpu.matmul %get3A_1, %get3A_4, %dot_general3A {dimension_numbers = #tpu.dot_dimension_numbers<[1], [0], [0], [1], [0, 0, 1, 1], [], []>, transpose_lhs_hint = false} : vector<2000x128xf32>, vector<128x128xf32>, vector<2000x128xf32> -> vector<2000x128xf32>
    %get3A_6 = arith.constant 0 : index
    %get3A_7 = arith.constant 0 : index
    %get3A_8 = vector.load %arg3[%get3A_6, %get3A_7] : memref<1x128xf32, #tpu.memory_space<vmem>>, vector<1x128xf32>
    %add3A = vector.broadcast %get3A_8 : vector<1x128xf32> to vector<2000x128xf32>
    %add3A_9 = arith.addf %dot_general3A_5, %add3A : vector<2000x128xf32>
    %reduce_max3A = arith.constant dense<0xFF800000> : vector<2000xf32>
    %reduce_max3A_10 = vector.multi_reduction <maximumf>, %add3A_9, %reduce_max3A [1] : vector<2000x128xf32> to vector<2000xf32>
    %broadcast_in_dim3A = vector.shape_cast %reduce_max3A_10 : vector<2000xf32> to vector<2000x1xf32>
    %ge3A = vector.broadcast %broadcast_in_dim3A : vector<2000x1xf32> to vector<2000x128xf32>
    %ge3A_11 = arith.cmpf oge, %add3A_9, %ge3A : vector<2000x128xf32>
    %jit3A = arith.constant 0xFF800000 : f32
    %broadcast_in_dim3A_12 = vector.broadcast %jit3A : f32 to vector<2000x128xf32>
    %select_n3A = arith.select %ge3A_11, %broadcast_in_dim3A_12, %add3A_9 : vector<2000x128xi1>, vector<2000x128xf32>
    %reduce_max3A_13 = arith.constant dense<0xFF800000> : vector<2000xf32>
    %reduce_max3A_14 = vector.multi_reduction <maximumf>, %select_n3A, %reduce_max3A_13 [1] : vector<2000x128xf32> to vector<2000xf32>
    %broadcast_in_dim3A_15 = vector.shape_cast %reduce_max3A_14 : vector<2000xf32> to vector<2000x1xf32>
    %ge3A_16 = vector.broadcast %broadcast_in_dim3A_15 : vector<2000x1xf32> to vector<2000x128xf32>
    %ge3A_17 = arith.cmpf oge, %select_n3A, %ge3A_16 : vector<2000x128xf32>
    %jit3A_18 = arith.constant 0xFF800000 : f32
    %broadcast_in_dim3A_19 = vector.broadcast %jit3A_18 : f32 to vector<2000x128xf32>
    %select_n3A_20 = arith.select %ge3A_17, %broadcast_in_dim3A_19, %select_n3A : vector<2000x128xi1>, vector<2000x128xf32>
    %reduce_max3A_21 = arith.constant dense<0xFF800000> : vector<2000xf32>
    %reduce_max3A_22 = vector.multi_reduction <maximumf>, %select_n3A_20, %reduce_max3A_21 [1] : vector<2000x128xf32> to vector<2000xf32>
    %broadcast_in_dim3A_23 = vector.shape_cast %reduce_max3A_22 : vector<2000xf32> to vector<2000x1xf32>
    %ge3A_24 = vector.broadcast %broadcast_in_dim3A_23 : vector<2000x1xf32> to vector<2000x128xf32>
    %ge3A_25 = arith.cmpf oge, %select_n3A_20, %ge3A_24 : vector<2000x128xf32>
    %jit3A_26 = arith.constant 0xFF800000 : f32
    %broadcast_in_dim3A_27 = vector.broadcast %jit3A_26 : f32 to vector<2000x128xf32>
    %select_n3A_28 = arith.select %ge3A_25, %broadcast_in_dim3A_27, %select_n3A_20 : vector<2000x128xi1>, vector<2000x128xf32>
    %reduce_max3A_29 = arith.constant dense<0xFF800000> : vector<2000xf32>
    %reduce_max3A_30 = vector.multi_reduction <maximumf>, %select_n3A_28, %reduce_max3A_29 [1] : vector<2000x128xf32> to vector<2000xf32>
    %broadcast_in_dim3A_31 = vector.shape_cast %reduce_max3A_30 : vector<2000xf32> to vector<2000x1xf32>
    %ge3A_32 = vector.broadcast %broadcast_in_dim3A_31 : vector<2000x1xf32> to vector<2000x128xf32>
    %ge3A_33 = arith.cmpf oge, %select_n3A_28, %ge3A_32 : vector<2000x128xf32>
    %jit3A_34 = arith.constant 0xFF800000 : f32
    %broadcast_in_dim3A_35 = vector.broadcast %jit3A_34 : f32 to vector<2000x128xf32>
    %select_n3A_36 = arith.select %ge3A_33, %broadcast_in_dim3A_35, %select_n3A_28 : vector<2000x128xi1>, vector<2000x128xf32>
    %reduce_max3A_37 = arith.constant dense<0xFF800000> : vector<2000xf32>
    %reduce_max3A_38 = vector.multi_reduction <maximumf>, %select_n3A_36, %reduce_max3A_37 [1] : vector<2000x128xf32> to vector<2000xf32>
    %broadcast_in_dim3A_39 = vector.shape_cast %reduce_max3A_38 : vector<2000xf32> to vector<2000x1xf32>
    %ge3A_40 = vector.broadcast %broadcast_in_dim3A_39 : vector<2000x1xf32> to vector<2000x128xf32>
    %ge3A_41 = arith.cmpf oge, %select_n3A_36, %ge3A_40 : vector<2000x128xf32>
    %jit3A_42 = arith.constant 0xFF800000 : f32
    %broadcast_in_dim3A_43 = vector.broadcast %jit3A_42 : f32 to vector<2000x128xf32>
    %select_n3A_44 = arith.select %ge3A_41, %broadcast_in_dim3A_43, %select_n3A_36 : vector<2000x128xi1>, vector<2000x128xf32>
    %reduce_max3A_45 = arith.constant dense<0xFF800000> : vector<2000xf32>
    %reduce_max3A_46 = vector.multi_reduction <maximumf>, %select_n3A_44, %reduce_max3A_45 [1] : vector<2000x128xf32> to vector<2000xf32>
    %broadcast_in_dim3A_47 = vector.shape_cast %reduce_max3A_46 : vector<2000xf32> to vector<2000x1xf32>
    %ge3A_48 = vector.broadcast %broadcast_in_dim3A_47 : vector<2000x1xf32> to vector<2000x128xf32>
    %ge3A_49 = arith.cmpf oge, %select_n3A_44, %ge3A_48 : vector<2000x128xf32>
    %jit3A_50 = arith.constant 0xFF800000 : f32
    %broadcast_in_dim3A_51 = vector.broadcast %jit3A_50 : f32 to vector<2000x128xf32>
    %select_n3A_52 = arith.select %ge3A_49, %broadcast_in_dim3A_51, %select_n3A_44 : vector<2000x128xi1>, vector<2000x128xf32>
    %reduce_max3A_53 = arith.constant dense<0xFF800000> : vector<2000xf32>
    %reduce_max3A_54 = vector.multi_reduction <maximumf>, %select_n3A_52, %reduce_max3A_53 [1] : vector<2000x128xf32> to vector<2000xf32>
    %broadcast_in_dim3A_55 = vector.shape_cast %reduce_max3A_54 : vector<2000xf32> to vector<2000x1xf32>
    %ge3A_56 = vector.broadcast %broadcast_in_dim3A_55 : vector<2000x1xf32> to vector<2000x128xf32>
    %ge3A_57 = arith.cmpf oge, %select_n3A_52, %ge3A_56 : vector<2000x128xf32>
    %jit3A_58 = arith.constant 0xFF800000 : f32
    %broadcast_in_dim3A_59 = vector.broadcast %jit3A_58 : f32 to vector<2000x128xf32>
    %select_n3A_60 = arith.select %ge3A_57, %broadcast_in_dim3A_59, %select_n3A_52 : vector<2000x128xi1>, vector<2000x128xf32>
    %reduce_max3A_61 = arith.constant dense<0xFF800000> : vector<2000xf32>
    %reduce_max3A_62 = vector.multi_reduction <maximumf>, %select_n3A_60, %reduce_max3A_61 [1] : vector<2000x128xf32> to vector<2000xf32>
    %broadcast_in_dim3A_63 = vector.shape_cast %reduce_max3A_62 : vector<2000xf32> to vector<2000x1xf32>
    %ge3A_64 = vector.broadcast %broadcast_in_dim3A_63 : vector<2000x1xf32> to vector<2000x128xf32>
    %ge3A_65 = arith.cmpf oge, %select_n3A_60, %ge3A_64 : vector<2000x128xf32>
    %jit3A_66 = arith.constant 0xFF800000 : f32
    %broadcast_in_dim3A_67 = vector.broadcast %jit3A_66 : f32 to vector<2000x128xf32>
    %select_n3A_68 = arith.select %ge3A_65, %broadcast_in_dim3A_67, %select_n3A_60 : vector<2000x128xi1>, vector<2000x128xf32>
    %reduce_max3A_69 = arith.constant dense<0xFF800000> : vector<2000xf32>
    %reduce_max3A_70 = vector.multi_reduction <maximumf>, %select_n3A_68, %reduce_max3A_69 [1] : vector<2000x128xf32> to vector<2000xf32>
    %broadcast_in_dim3A_71 = vector.shape_cast %reduce_max3A_70 : vector<2000xf32> to vector<2000x1xf32>
    %ge3A_72 = vector.broadcast %broadcast_in_dim3A_71 : vector<2000x1xf32> to vector<2000x128xf32>
    %ge3A_73 = arith.cmpf oge, %select_n3A_68, %ge3A_72 : vector<2000x128xf32>
    %jit3A_74 = arith.constant 0xFF800000 : f32
    %broadcast_in_dim3A_75 = vector.broadcast %jit3A_74 : f32 to vector<2000x128xf32>
    %select_n3A_76 = arith.select %ge3A_73, %broadcast_in_dim3A_75, %select_n3A_68 : vector<2000x128xi1>, vector<2000x128xf32>
    %reduce_max3A_77 = arith.constant dense<0xFF800000> : vector<2000xf32>
    %reduce_max3A_78 = vector.multi_reduction <maximumf>, %select_n3A_76, %reduce_max3A_77 [1] : vector<2000x128xf32> to vector<2000xf32>
    %broadcast_in_dim3A_79 = vector.shape_cast %reduce_max3A_78 : vector<2000xf32> to vector<2000x1xf32>
    %ge3A_80 = vector.broadcast %broadcast_in_dim3A_79 : vector<2000x1xf32> to vector<2000x128xf32>
    %ge3A_81 = arith.cmpf oge, %select_n3A_76, %ge3A_80 : vector<2000x128xf32>
    %jit3A_82 = arith.constant 0xFF800000 : f32
    %broadcast_in_dim3A_83 = vector.broadcast %jit3A_82 : f32 to vector<2000x128xf32>
    %select_n3A_84 = arith.select %ge3A_81, %broadcast_in_dim3A_83, %select_n3A_76 : vector<2000x128xi1>, vector<2000x128xf32>
    %reduce_max3A_85 = arith.constant dense<0xFF800000> : vector<2000xf32>
    %reduce_max3A_86 = vector.multi_reduction <maximumf>, %select_n3A_84, %reduce_max3A_85 [1] : vector<2000x128xf32> to vector<2000xf32>
    %broadcast_in_dim3A_87 = vector.shape_cast %reduce_max3A_86 : vector<2000xf32> to vector<2000x1xf32>
    %ge3A_88 = vector.broadcast %broadcast_in_dim3A_87 : vector<2000x1xf32> to vector<2000x128xf32>
    %ge3A_89 = arith.cmpf oge, %select_n3A_84, %ge3A_88 : vector<2000x128xf32>
    %jit3A_90 = arith.constant 0xFF800000 : f32
    %broadcast_in_dim3A_91 = vector.broadcast %jit3A_90 : f32 to vector<2000x128xf32>
    %select_n3A_92 = arith.select %ge3A_89, %broadcast_in_dim3A_91, %select_n3A_84 : vector<2000x128xi1>, vector<2000x128xf32>
    %reduce_max3A_93 = arith.constant dense<0xFF800000> : vector<2000xf32>
    %reduce_max3A_94 = vector.multi_reduction <maximumf>, %select_n3A_92, %reduce_max3A_93 [1] : vector<2000x128xf32> to vector<2000xf32>
    %broadcast_in_dim3A_95 = vector.shape_cast %reduce_max3A_94 : vector<2000xf32> to vector<2000x1xf32>
    %ge3A_96 = vector.broadcast %broadcast_in_dim3A_95 : vector<2000x1xf32> to vector<2000x128xf32>
    %ge3A_97 = arith.cmpf oge, %select_n3A_92, %ge3A_96 : vector<2000x128xf32>
    %jit3A_98 = arith.constant 0xFF800000 : f32
    %broadcast_in_dim3A_99 = vector.broadcast %jit3A_98 : f32 to vector<2000x128xf32>
    %select_n3A_100 = arith.select %ge3A_97, %broadcast_in_dim3A_99, %select_n3A_92 : vector<2000x128xi1>, vector<2000x128xf32>
    %reduce_max3A_101 = arith.constant dense<0xFF800000> : vector<2000xf32>
    %reduce_max3A_102 = vector.multi_reduction <maximumf>, %select_n3A_100, %reduce_max3A_101 [1] : vector<2000x128xf32> to vector<2000xf32>
    %broadcast_in_dim3A_103 = vector.shape_cast %reduce_max3A_102 : vector<2000xf32> to vector<2000x1xf32>
    %ge3A_104 = vector.broadcast %broadcast_in_dim3A_103 : vector<2000x1xf32> to vector<2000x128xf32>
    %ge3A_105 = arith.cmpf oge, %select_n3A_100, %ge3A_104 : vector<2000x128xf32>
    %jit3A_106 = arith.constant 0xFF800000 : f32
    %broadcast_in_dim3A_107 = vector.broadcast %jit3A_106 : f32 to vector<2000x128xf32>
    %select_n3A_108 = arith.select %ge3A_105, %broadcast_in_dim3A_107, %select_n3A_100 : vector<2000x128xi1>, vector<2000x128xf32>
    %reduce_max3A_109 = arith.constant dense<0xFF800000> : vector<2000xf32>
    %reduce_max3A_110 = vector.multi_reduction <maximumf>, %select_n3A_108, %reduce_max3A_109 [1] : vector<2000x128xf32> to vector<2000xf32>
    %broadcast_in_dim3A_111 = vector.shape_cast %reduce_max3A_110 : vector<2000xf32> to vector<2000x1xf32>
    %ge3A_112 = vector.broadcast %broadcast_in_dim3A_111 : vector<2000x1xf32> to vector<2000x128xf32>
    %ge3A_113 = arith.cmpf oge, %select_n3A_108, %ge3A_112 : vector<2000x128xf32>
    %jit3A_114 = arith.constant 0xFF800000 : f32
    %broadcast_in_dim3A_115 = vector.broadcast %jit3A_114 : f32 to vector<2000x128xf32>
    %select_n3A_116 = arith.select %ge3A_113, %broadcast_in_dim3A_115, %select_n3A_108 : vector<2000x128xi1>, vector<2000x128xf32>
    %reduce_max3A_117 = arith.constant dense<0xFF800000> : vector<2000xf32>
    %reduce_max3A_118 = vector.multi_reduction <maximumf>, %select_n3A_116, %reduce_max3A_117 [1] : vector<2000x128xf32> to vector<2000xf32>
    %broadcast_in_dim3A_119 = vector.shape_cast %reduce_max3A_118 : vector<2000xf32> to vector<2000x1xf32>
    %ge3A_120 = vector.broadcast %broadcast_in_dim3A_119 : vector<2000x1xf32> to vector<2000x128xf32>
    %ge3A_121 = arith.cmpf oge, %select_n3A_116, %ge3A_120 : vector<2000x128xf32>
    %jit3A_122 = arith.constant 0xFF800000 : f32
    %broadcast_in_dim3A_123 = vector.broadcast %jit3A_122 : f32 to vector<2000x128xf32>
    %select_n3A_124 = arith.select %ge3A_121, %broadcast_in_dim3A_123, %select_n3A_116 : vector<2000x128xi1>, vector<2000x128xf32>
    %reduce_max3A_125 = arith.constant dense<0xFF800000> : vector<2000xf32>
    %reduce_max3A_126 = vector.multi_reduction <maximumf>, %select_n3A_124, %reduce_max3A_125 [1] : vector<2000x128xf32> to vector<2000xf32>
    %broadcast_in_dim3A_127 = vector.shape_cast %reduce_max3A_126 : vector<2000xf32> to vector<2000x1xf32>
    %ge3A_128 = vector.broadcast %broadcast_in_dim3A_127 : vector<2000x1xf32> to vector<2000x128xf32>
    %ge3A_129 = arith.cmpf oge, %select_n3A_124, %ge3A_128 : vector<2000x128xf32>
    %jit3A_130 = arith.constant 0xFF800000 : f32
    %broadcast_in_dim3A_131 = vector.broadcast %jit3A_130 : f32 to vector<2000x128xf32>
    %select_n3A_132 = arith.select %ge3A_129, %broadcast_in_dim3A_131, %select_n3A_124 : vector<2000x128xi1>, vector<2000x128xf32>
    %reduce_max3A_133 = arith.constant dense<0xFF800000> : vector<2000xf32>
    %reduce_max3A_134 = vector.multi_reduction <maximumf>, %select_n3A_132, %reduce_max3A_133 [1] : vector<2000x128xf32> to vector<2000xf32>
    %broadcast_in_dim3A_135 = vector.shape_cast %reduce_max3A_134 : vector<2000xf32> to vector<2000x1xf32>
    %ge3A_136 = vector.broadcast %broadcast_in_dim3A_135 : vector<2000x1xf32> to vector<2000x128xf32>
    %ge3A_137 = arith.cmpf oge, %select_n3A_132, %ge3A_136 : vector<2000x128xf32>
    %jit3A_138 = arith.constant 0xFF800000 : f32
    %broadcast_in_dim3A_139 = vector.broadcast %jit3A_138 : f32 to vector<2000x128xf32>
    %select_n3A_140 = arith.select %ge3A_137, %broadcast_in_dim3A_139, %select_n3A_132 : vector<2000x128xi1>, vector<2000x128xf32>
    %reduce_max3A_141 = arith.constant dense<0xFF800000> : vector<2000xf32>
    %reduce_max3A_142 = vector.multi_reduction <maximumf>, %select_n3A_140, %reduce_max3A_141 [1] : vector<2000x128xf32> to vector<2000xf32>
    %broadcast_in_dim3A_143 = vector.shape_cast %reduce_max3A_142 : vector<2000xf32> to vector<2000x1xf32>
    %ge3A_144 = vector.broadcast %broadcast_in_dim3A_143 : vector<2000x1xf32> to vector<2000x128xf32>
    %ge3A_145 = arith.cmpf oge, %select_n3A_140, %ge3A_144 : vector<2000x128xf32>
    %jit3A_146 = arith.constant 0xFF800000 : f32
    %broadcast_in_dim3A_147 = vector.broadcast %jit3A_146 : f32 to vector<2000x128xf32>
    %select_n3A_148 = arith.select %ge3A_145, %broadcast_in_dim3A_147, %select_n3A_140 : vector<2000x128xi1>, vector<2000x128xf32>
    %reduce_max3A_149 = arith.constant dense<0xFF800000> : vector<2000xf32>
    %reduce_max3A_150 = vector.multi_reduction <maximumf>, %select_n3A_148, %reduce_max3A_149 [1] : vector<2000x128xf32> to vector<2000xf32>
    %broadcast_in_dim3A_151 = vector.shape_cast %reduce_max3A_150 : vector<2000xf32> to vector<2000x1xf32>
    %ge3A_152 = vector.broadcast %broadcast_in_dim3A_151 : vector<2000x1xf32> to vector<2000x128xf32>
    %ge3A_153 = arith.cmpf oge, %select_n3A_148, %ge3A_152 : vector<2000x128xf32>
    %jit3A_154 = arith.constant 0xFF800000 : f32
    %broadcast_in_dim3A_155 = vector.broadcast %jit3A_154 : f32 to vector<2000x128xf32>
    %select_n3A_156 = arith.select %ge3A_153, %broadcast_in_dim3A_155, %select_n3A_148 : vector<2000x128xi1>, vector<2000x128xf32>
    %reduce_max3A_157 = arith.constant dense<0xFF800000> : vector<2000xf32>
    %reduce_max3A_158 = vector.multi_reduction <maximumf>, %select_n3A_156, %reduce_max3A_157 [1] : vector<2000x128xf32> to vector<2000xf32>
    %broadcast_in_dim3A_159 = vector.shape_cast %reduce_max3A_158 : vector<2000xf32> to vector<2000x1xf32>
    %ge3A_160 = vector.broadcast %broadcast_in_dim3A_159 : vector<2000x1xf32> to vector<2000x128xf32>
    %ge3A_161 = arith.cmpf oge, %select_n3A_156, %ge3A_160 : vector<2000x128xf32>
    %jit3A_162 = arith.constant 0xFF800000 : f32
    %broadcast_in_dim3A_163 = vector.broadcast %jit3A_162 : f32 to vector<2000x128xf32>
    %select_n3A_164 = arith.select %ge3A_161, %broadcast_in_dim3A_163, %select_n3A_156 : vector<2000x128xi1>, vector<2000x128xf32>
    %reduce_max3A_165 = arith.constant dense<0xFF800000> : vector<2000xf32>
    %reduce_max3A_166 = vector.multi_reduction <maximumf>, %select_n3A_164, %reduce_max3A_165 [1] : vector<2000x128xf32> to vector<2000xf32>
    %broadcast_in_dim3A_167 = vector.shape_cast %reduce_max3A_166 : vector<2000xf32> to vector<2000x1xf32>
    %ge3A_168 = vector.broadcast %broadcast_in_dim3A_167 : vector<2000x1xf32> to vector<2000x128xf32>
    %ge3A_169 = arith.cmpf oge, %select_n3A_164, %ge3A_168 : vector<2000x128xf32>
    %jit3A_170 = arith.constant 0xFF800000 : f32
    %broadcast_in_dim3A_171 = vector.broadcast %jit3A_170 : f32 to vector<2000x128xf32>
    %select_n3A_172 = arith.select %ge3A_169, %broadcast_in_dim3A_171, %select_n3A_164 : vector<2000x128xi1>, vector<2000x128xf32>
    %reduce_max3A_173 = arith.constant dense<0xFF800000> : vector<2000xf32>
    %reduce_max3A_174 = vector.multi_reduction <maximumf>, %select_n3A_172, %reduce_max3A_173 [1] : vector<2000x128xf32> to vector<2000xf32>
    %broadcast_in_dim3A_175 = vector.shape_cast %reduce_max3A_174 : vector<2000xf32> to vector<2000x1xf32>
    %ge3A_176 = vector.broadcast %broadcast_in_dim3A_175 : vector<2000x1xf32> to vector<2000x128xf32>
    %ge3A_177 = arith.cmpf oge, %select_n3A_172, %ge3A_176 : vector<2000x128xf32>
    %jit3A_178 = arith.constant 0xFF800000 : f32
    %broadcast_in_dim3A_179 = vector.broadcast %jit3A_178 : f32 to vector<2000x128xf32>
    %select_n3A_180 = arith.select %ge3A_177, %broadcast_in_dim3A_179, %select_n3A_172 : vector<2000x128xi1>, vector<2000x128xf32>
    %reduce_max3A_181 = arith.constant dense<0xFF800000> : vector<2000xf32>
    %reduce_max3A_182 = vector.multi_reduction <maximumf>, %select_n3A_180, %reduce_max3A_181 [1] : vector<2000x128xf32> to vector<2000xf32>
    %broadcast_in_dim3A_183 = vector.shape_cast %reduce_max3A_182 : vector<2000xf32> to vector<2000x1xf32>
    %ge3A_184 = vector.broadcast %broadcast_in_dim3A_183 : vector<2000x1xf32> to vector<2000x128xf32>
    %ge3A_185 = arith.cmpf oge, %select_n3A_180, %ge3A_184 : vector<2000x128xf32>
    %jit3A_186 = arith.constant 0xFF800000 : f32
    %broadcast_in_dim3A_187 = vector.broadcast %jit3A_186 : f32 to vector<2000x128xf32>
    %select_n3A_188 = arith.select %ge3A_185, %broadcast_in_dim3A_187, %select_n3A_180 : vector<2000x128xi1>, vector<2000x128xf32>
    %reduce_max3A_189 = arith.constant dense<0xFF800000> : vector<2000xf32>
    %reduce_max3A_190 = vector.multi_reduction <maximumf>, %select_n3A_188, %reduce_max3A_189 [1] : vector<2000x128xf32> to vector<2000xf32>
    %broadcast_in_dim3A_191 = vector.shape_cast %reduce_max3A_190 : vector<2000xf32> to vector<2000x1xf32>
    %ge3A_192 = vector.broadcast %broadcast_in_dim3A_191 : vector<2000x1xf32> to vector<2000x128xf32>
    %ge3A_193 = arith.cmpf oge, %select_n3A_188, %ge3A_192 : vector<2000x128xf32>
    %jit3A_194 = arith.constant 0xFF800000 : f32
    %broadcast_in_dim3A_195 = vector.broadcast %jit3A_194 : f32 to vector<2000x128xf32>
    %select_n3A_196 = arith.select %ge3A_193, %broadcast_in_dim3A_195, %select_n3A_188 : vector<2000x128xi1>, vector<2000x128xf32>
    %reduce_max3A_197 = arith.constant dense<0xFF800000> : vector<2000xf32>
    %reduce_max3A_198 = vector.multi_reduction <maximumf>, %select_n3A_196, %reduce_max3A_197 [1] : vector<2000x128xf32> to vector<2000xf32>
    %broadcast_in_dim3A_199 = vector.shape_cast %reduce_max3A_198 : vector<2000xf32> to vector<2000x1xf32>
    %ge3A_200 = vector.broadcast %broadcast_in_dim3A_199 : vector<2000x1xf32> to vector<2000x128xf32>
    %ge3A_201 = arith.cmpf oge, %select_n3A_196, %ge3A_200 : vector<2000x128xf32>
    %jit3A_202 = arith.constant 0xFF800000 : f32
    %broadcast_in_dim3A_203 = vector.broadcast %jit3A_202 : f32 to vector<2000x128xf32>
    %select_n3A_204 = arith.select %ge3A_201, %broadcast_in_dim3A_203, %select_n3A_196 : vector<2000x128xi1>, vector<2000x128xf32>
    %reduce_max3A_205 = arith.constant dense<0xFF800000> : vector<2000xf32>
    %reduce_max3A_206 = vector.multi_reduction <maximumf>, %select_n3A_204, %reduce_max3A_205 [1] : vector<2000x128xf32> to vector<2000xf32>
    %broadcast_in_dim3A_207 = vector.shape_cast %reduce_max3A_206 : vector<2000xf32> to vector<2000x1xf32>
    %ge3A_208 = vector.broadcast %broadcast_in_dim3A_207 : vector<2000x1xf32> to vector<2000x128xf32>
    %ge3A_209 = arith.cmpf oge, %select_n3A_204, %ge3A_208 : vector<2000x128xf32>
    %jit3A_210 = arith.constant 0xFF800000 : f32
    %broadcast_in_dim3A_211 = vector.broadcast %jit3A_210 : f32 to vector<2000x128xf32>
    %select_n3A_212 = arith.select %ge3A_209, %broadcast_in_dim3A_211, %select_n3A_204 : vector<2000x128xi1>, vector<2000x128xf32>
    %reduce_max3A_213 = arith.constant dense<0xFF800000> : vector<2000xf32>
    %reduce_max3A_214 = vector.multi_reduction <maximumf>, %select_n3A_212, %reduce_max3A_213 [1] : vector<2000x128xf32> to vector<2000xf32>
    %broadcast_in_dim3A_215 = vector.shape_cast %reduce_max3A_214 : vector<2000xf32> to vector<2000x1xf32>
    %ge3A_216 = vector.broadcast %broadcast_in_dim3A_215 : vector<2000x1xf32> to vector<2000x128xf32>
    %ge3A_217 = arith.cmpf oge, %select_n3A_212, %ge3A_216 : vector<2000x128xf32>
    %jit3A_218 = arith.constant 0xFF800000 : f32
    %broadcast_in_dim3A_219 = vector.broadcast %jit3A_218 : f32 to vector<2000x128xf32>
    %select_n3A_220 = arith.select %ge3A_217, %broadcast_in_dim3A_219, %select_n3A_212 : vector<2000x128xi1>, vector<2000x128xf32>
    %reduce_max3A_221 = arith.constant dense<0xFF800000> : vector<2000xf32>
    %reduce_max3A_222 = vector.multi_reduction <maximumf>, %select_n3A_220, %reduce_max3A_221 [1] : vector<2000x128xf32> to vector<2000xf32>
    %broadcast_in_dim3A_223 = vector.shape_cast %reduce_max3A_222 : vector<2000xf32> to vector<2000x1xf32>
    %ge3A_224 = vector.broadcast %broadcast_in_dim3A_223 : vector<2000x1xf32> to vector<2000x128xf32>
    %ge3A_225 = arith.cmpf oge, %select_n3A_220, %ge3A_224 : vector<2000x128xf32>
    %jit3A_226 = arith.constant 0xFF800000 : f32
    %broadcast_in_dim3A_227 = vector.broadcast %jit3A_226 : f32 to vector<2000x128xf32>
    %select_n3A_228 = arith.select %ge3A_225, %broadcast_in_dim3A_227, %select_n3A_220 : vector<2000x128xi1>, vector<2000x128xf32>
    %reduce_max3A_229 = arith.constant dense<0xFF800000> : vector<2000xf32>
    %reduce_max3A_230 = vector.multi_reduction <maximumf>, %select_n3A_228, %reduce_max3A_229 [1] : vector<2000x128xf32> to vector<2000xf32>
    %broadcast_in_dim3A_231 = vector.shape_cast %reduce_max3A_230 : vector<2000xf32> to vector<2000x1xf32>
    %ge3A_232 = vector.broadcast %broadcast_in_dim3A_231 : vector<2000x1xf32> to vector<2000x128xf32>
    %ge3A_233 = arith.cmpf oge, %select_n3A_228, %ge3A_232 : vector<2000x128xf32>
    %jit3A_234 = arith.constant 0xFF800000 : f32
    %broadcast_in_dim3A_235 = vector.broadcast %jit3A_234 : f32 to vector<2000x128xf32>
    %select_n3A_236 = arith.select %ge3A_233, %broadcast_in_dim3A_235, %select_n3A_228 : vector<2000x128xi1>, vector<2000x128xf32>
    %reduce_max3A_237 = arith.constant dense<0xFF800000> : vector<2000xf32>
    %reduce_max3A_238 = vector.multi_reduction <maximumf>, %select_n3A_236, %reduce_max3A_237 [1] : vector<2000x128xf32> to vector<2000xf32>
    %broadcast_in_dim3A_239 = vector.shape_cast %reduce_max3A_238 : vector<2000xf32> to vector<2000x1xf32>
    %ge3A_240 = vector.broadcast %broadcast_in_dim3A_239 : vector<2000x1xf32> to vector<2000x128xf32>
    %ge3A_241 = arith.cmpf oge, %select_n3A_236, %ge3A_240 : vector<2000x128xf32>
    %jit3A_242 = arith.constant 0xFF800000 : f32
    %broadcast_in_dim3A_243 = vector.broadcast %jit3A_242 : f32 to vector<2000x128xf32>
    %select_n3A_244 = arith.select %ge3A_241, %broadcast_in_dim3A_243, %select_n3A_236 : vector<2000x128xi1>, vector<2000x128xf32>
    %reduce_max3A_245 = arith.constant dense<0xFF800000> : vector<2000xf32>
    %reduce_max3A_246 = vector.multi_reduction <maximumf>, %select_n3A_244, %reduce_max3A_245 [1] : vector<2000x128xf32> to vector<2000xf32>
    %broadcast_in_dim3A_247 = vector.shape_cast %reduce_max3A_246 : vector<2000xf32> to vector<2000x1xf32>
    %ge3A_248 = vector.broadcast %broadcast_in_dim3A_247 : vector<2000x1xf32> to vector<2000x128xf32>
    %ge3A_249 = arith.cmpf oge, %select_n3A_244, %ge3A_248 : vector<2000x128xf32>
    %jit3A_250 = arith.constant 0xFF800000 : f32
    %broadcast_in_dim3A_251 = vector.broadcast %jit3A_250 : f32 to vector<2000x128xf32>
    %select_n3A_252 = arith.select %ge3A_249, %broadcast_in_dim3A_251, %select_n3A_244 : vector<2000x128xi1>, vector<2000x128xf32>
    %reduce_max3A_253 = arith.constant dense<0xFF800000> : vector<2000xf32>
    %reduce_max3A_254 = vector.multi_reduction <maximumf>, %select_n3A_252, %reduce_max3A_253 [1] : vector<2000x128xf32> to vector<2000xf32>
    %broadcast_in_dim3A_255 = vector.shape_cast %reduce_max3A_254 : vector<2000xf32> to vector<2000x1xf32>
    %ge3A_256 = vector.broadcast %broadcast_in_dim3A_255 : vector<2000x1xf32> to vector<2000x128xf32>
    %ge3A_257 = arith.cmpf oge, %add3A_9, %ge3A_256 : vector<2000x128xf32>
    %jit3A_258 = arith.constant 0.000000e+00 : f32
    %broadcast_in_dim3A_259 = vector.broadcast %jit3A_258 : f32 to vector<2000x128xf32>
    %select_n3A_260 = arith.select %ge3A_257, %add3A_9, %broadcast_in_dim3A_259 : vector<2000x128xi1>, vector<2000x128xf32>
    %swap3A = arith.constant 0 : index
    %swap3A_261 = arith.constant 0 : index
    %swap3A_262 = vector.load %arg4[%swap3A, %swap3A_261] : memref<2000x128xf32, #tpu.memory_space<vmem>>, vector<2000x128xf32>
    tpu.vector_store %arg4[%swap3A, %swap3A_261], %select_n3A_260 {strides = array<i32>} : memref<2000x128xf32, #tpu.memory_space<vmem>>, vector<2000x128xf32>,
    return
  }
  func.func @transform_0(%arg0: i32) -> (i32, i32) {
    %c0_i32 = arith.constant 0 : i32
    %c0_i32_0 = arith.constant 0 : i32
    return %arg0, %c0_i32 : i32, i32
  }
  func.func @transform_1(%arg0: i32) -> (i32, i32) {
    %c0_i32 = arith.constant 0 : i32
    %c0_i32_0 = arith.constant 0 : i32
    %c0_i32_1 = arith.constant 0 : i32
    return %c0_i32, %c0_i32_0 : i32, i32
  }
  func.func @transform_2(%arg0: i32) -> (i32, i32) {
    %c0_i32 = arith.constant 0 : i32
    %c0_i32_0 = arith.constant 0 : i32
    %c0_i32_1 = arith.constant 0 : i32
    return %c0_i32, %c0_i32_0 : i32, i32
  }
  func.func @transform_3(%arg0: i32) -> (i32, i32) {
    %c0_i32 = arith.constant 0 : i32
    %c0_i32_0 = arith.constant 0 : i32
    return %arg0, %c0_i32 : i32, i32
  }
}

module attributes {stable_mosaic.version = 14 : i64} {
  func.func @_k1_body(%arg0: i32, %arg1: memref<2000x128xf32, #tpu.memory_space<vmem>>, %arg2: memref<1x2000x128xf32, #tpu.memory_space<vmem>>, %arg3: memref<1x2000x128xf32, #tpu.memory_space<vmem>>, %arg4: memref<1x2000x128xf32, #tpu.memory_space<vmem>>, %arg5: memref<1x2000x128xf32, #tpu.memory_space<vmem>>, %arg6: memref<128x128xf32, #tpu.memory_space<vmem>>, %arg7: memref<128x128xf32, #tpu.memory_space<vmem>>, %arg8: memref<1x128xf32, #tpu.memory_space<vmem>>, %arg9: memref<2000x128xf32, #tpu.memory_space<vmem>>) attributes {dimension_semantics = [#tpu.dimension_semantics<arbitrary>], iteration_bounds = array<i64: 5>, scalar_prefetch = 0 : i64, scratch_operands = 0 : i64, tpu.core_type = #tpu.core_type<tc>, window_params = [{transform_indices = @transform_0, window_bounds = array<i64: 2000, 128>}, {transform_indices = @transform_1, window_bounds = array<i64: 1, 2000, 128>}, {transform_indices = @transform_2, window_bounds = array<i64: 1, 2000, 128>}, {transform_indices = @transform_3, window_bounds = array<i64: 1, 2000, 128>}, {transform_indices = @transform_4, window_bounds = array<i64: 1, 2000, 128>}, {pipeline_mode = #tpu.pipeline_mode<synchronous>, transform_indices = @transform_5, window_bounds = array<i64: 128, 128>}, {pipeline_mode = #tpu.pipeline_mode<synchronous>, transform_indices = @transform_6, window_bounds = array<i64: 128, 128>}, {pipeline_mode = #tpu.pipeline_mode<synchronous>, transform_indices = @transform_7, window_bounds = array<i64: 1, 128>}, {transform_indices = @transform_8, window_bounds = array<i64: 2000, 128>}]} {
    %get3A = arith.constant 0 : index
    %get3A_0 = arith.constant 0 : index
    %get3A_1 = arith.constant 0 : index
    %get3A_2 = vector.load %arg4[%get3A, %get3A_0, %get3A_1] : memref<1x2000x128xf32, #tpu.memory_space<vmem>>, vector<1x2000x128xf32>
    %slice3A = vector.extract_strided_slice %get3A_2 {offsets = [0, 0, 0], sizes = [1, 2000, 1], strides = [1, 1, 1]} : vector<1x2000x128xf32> to vector<1x2000x1xf32>
    %squeeze3A = vector.shape_cast %slice3A : vector<1x2000x1xf32> to vector<2000x1xf32>
    %get3A_3 = arith.constant 0 : index
    %get3A_4 = arith.constant 0 : index
    %get3A_5 = arith.constant 0 : index
    %get3A_6 = vector.load %arg5[%get3A_3, %get3A_4, %get3A_5] : memref<1x2000x128xf32, #tpu.memory_space<vmem>>, vector<1x2000x128xf32>
    %slice3A_7 = vector.extract_strided_slice %get3A_6 {offsets = [0, 0, 0], sizes = [1, 2000, 1], strides = [1, 1, 1]} : vector<1x2000x128xf32> to vector<1x2000x1xf32>
    %squeeze3A_8 = vector.shape_cast %slice3A_7 : vector<1x2000x1xf32> to vector<2000x1xf32>
    %add3A = arith.addf %squeeze3A, %squeeze3A_8 : vector<2000x1xf32>
    %get3A_9 = arith.constant 0 : index
    %get3A_10 = arith.constant 0 : index
    %get3A_11 = arith.constant 0 : index
    %get3A_12 = vector.load %arg2[%get3A_9, %get3A_10, %get3A_11] : memref<1x2000x128xf32, #tpu.memory_space<vmem>>, vector<1x2000x128xf32>
    %squeeze3A_13 = vector.shape_cast %get3A_12 : vector<1x2000x128xf32> to vector<2000x128xf32>
    %get3A_14 = arith.constant 0 : index
    %get3A_15 = arith.constant 0 : index
    %get3A_16 = arith.constant 0 : index
    %get3A_17 = vector.load %arg3[%get3A_14, %get3A_15, %get3A_16] : memref<1x2000x128xf32, #tpu.memory_space<vmem>>, vector<1x2000x128xf32>
    %squeeze3A_18 = vector.shape_cast %get3A_17 : vector<1x2000x128xf32> to vector<2000x128xf32>
    %add3A_19 = arith.addf %squeeze3A_13, %squeeze3A_18 : vector<2000x128xf32>
    %max3A = arith.constant 1.000000e+00 : f32
    %max3A_20 = vector.broadcast %max3A : f32 to vector<2000x1xf32>
    %max3A_21 = arith.maximumf %add3A, %max3A_20 : vector<2000x1xf32>
    %div3A = vector.broadcast %max3A_21 : vector<2000x1xf32> to vector<2000x128xf32>
    %div3A_22 = arith.divf %add3A_19, %div3A : vector<2000x128xf32>
    %get3A_23 = arith.constant 0 : index
    %get3A_24 = arith.constant 0 : index
    %get3A_25 = vector.load %arg1[%get3A_23, %get3A_24] : memref<2000x128xf32, #tpu.memory_space<vmem>>, vector<2000x128xf32>
    %get3A_26 = arith.constant 0 : index
    %get3A_27 = arith.constant 0 : index
    %get3A_28 = vector.load %arg6[%get3A_26, %get3A_27] : memref<128x128xf32, #tpu.memory_space<vmem>>, vector<128x128xf32>
    %dot_general3A = arith.constant dense<0.000000e+00> : vector<2000x128xf32>
    %dot_general3A_29 = tpu.matmul %get3A_25, %get3A_28, %dot_general3A {dimension_numbers = #tpu.dot_dimension_numbers<[1], [0], [0], [1], [0, 0, 1, 1], [], []>, transpose_lhs_hint = false} : vector<2000x128xf32>, vector<128x128xf32>, vector<2000x128xf32> -> vector<2000x128xf32>
    %get3A_30 = arith.constant 0 : index
    %get3A_31 = arith.constant 0 : index
    %get3A_32 = vector.load %arg7[%get3A_30, %get3A_31] : memref<128x128xf32, #tpu.memory_space<vmem>>, vector<128x128xf32>
    %dot_general3A_33 = arith.constant dense<0.000000e+00> : vector<2000x128xf32>
    %dot_general3A_34 = tpu.matmul %div3A_22, %get3A_32, %dot_general3A_33 {dimension_numbers = #tpu.dot_dimension_numbers<[1], [0], [0], [1], [0, 0, 1, 1], [], []>, transpose_lhs_hint = false} : vector<2000x128xf32>, vector<128x128xf32>, vector<2000x128xf32> -> vector<2000x128xf32>
    %add3A_35 = arith.addf %dot_general3A_29, %dot_general3A_34 : vector<2000x128xf32>
    %get3A_36 = arith.constant 0 : index
    %get3A_37 = arith.constant 0 : index
    %get3A_38 = vector.load %arg8[%get3A_36, %get3A_37] : memref<1x128xf32, #tpu.memory_space<vmem>>, vector<1x128xf32>
    %add3A_39 = vector.broadcast %get3A_38 : vector<1x128xf32> to vector<2000x128xf32>
    %add3A_40 = arith.addf %add3A_35, %add3A_39 : vector<2000x128xf32>
    %reduce_max3A = arith.constant dense<0xFF800000> : vector<2000xf32>
    %reduce_max3A_41 = vector.multi_reduction <maximumf>, %add3A_40, %reduce_max3A [1] : vector<2000x128xf32> to vector<2000xf32>
    %broadcast_in_dim3A = vector.shape_cast %reduce_max3A_41 : vector<2000xf32> to vector<2000x1xf32>
    %ge3A = vector.broadcast %broadcast_in_dim3A : vector<2000x1xf32> to vector<2000x128xf32>
    %ge3A_42 = arith.cmpf oge, %add3A_40, %ge3A : vector<2000x128xf32>
    %jit3A = arith.constant 0xFF800000 : f32
    %broadcast_in_dim3A_43 = vector.broadcast %jit3A : f32 to vector<2000x128xf32>
    %select_n3A = arith.select %ge3A_42, %broadcast_in_dim3A_43, %add3A_40 : vector<2000x128xi1>, vector<2000x128xf32>
    %reduce_max3A_44 = arith.constant dense<0xFF800000> : vector<2000xf32>
    %reduce_max3A_45 = vector.multi_reduction <maximumf>, %select_n3A, %reduce_max3A_44 [1] : vector<2000x128xf32> to vector<2000xf32>
    %broadcast_in_dim3A_46 = vector.shape_cast %reduce_max3A_45 : vector<2000xf32> to vector<2000x1xf32>
    %ge3A_47 = vector.broadcast %broadcast_in_dim3A_46 : vector<2000x1xf32> to vector<2000x128xf32>
    %ge3A_48 = arith.cmpf oge, %select_n3A, %ge3A_47 : vector<2000x128xf32>
    %jit3A_49 = arith.constant 0xFF800000 : f32
    %broadcast_in_dim3A_50 = vector.broadcast %jit3A_49 : f32 to vector<2000x128xf32>
    %select_n3A_51 = arith.select %ge3A_48, %broadcast_in_dim3A_50, %select_n3A : vector<2000x128xi1>, vector<2000x128xf32>
    %reduce_max3A_52 = arith.constant dense<0xFF800000> : vector<2000xf32>
    %reduce_max3A_53 = vector.multi_reduction <maximumf>, %select_n3A_51, %reduce_max3A_52 [1] : vector<2000x128xf32> to vector<2000xf32>
    %broadcast_in_dim3A_54 = vector.shape_cast %reduce_max3A_53 : vector<2000xf32> to vector<2000x1xf32>
    %ge3A_55 = vector.broadcast %broadcast_in_dim3A_54 : vector<2000x1xf32> to vector<2000x128xf32>
    %ge3A_56 = arith.cmpf oge, %select_n3A_51, %ge3A_55 : vector<2000x128xf32>
    %jit3A_57 = arith.constant 0xFF800000 : f32
    %broadcast_in_dim3A_58 = vector.broadcast %jit3A_57 : f32 to vector<2000x128xf32>
    %select_n3A_59 = arith.select %ge3A_56, %broadcast_in_dim3A_58, %select_n3A_51 : vector<2000x128xi1>, vector<2000x128xf32>
    %reduce_max3A_60 = arith.constant dense<0xFF800000> : vector<2000xf32>
    %reduce_max3A_61 = vector.multi_reduction <maximumf>, %select_n3A_59, %reduce_max3A_60 [1] : vector<2000x128xf32> to vector<2000xf32>
    %broadcast_in_dim3A_62 = vector.shape_cast %reduce_max3A_61 : vector<2000xf32> to vector<2000x1xf32>
    %ge3A_63 = vector.broadcast %broadcast_in_dim3A_62 : vector<2000x1xf32> to vector<2000x128xf32>
    %ge3A_64 = arith.cmpf oge, %select_n3A_59, %ge3A_63 : vector<2000x128xf32>
    %jit3A_65 = arith.constant 0xFF800000 : f32
    %broadcast_in_dim3A_66 = vector.broadcast %jit3A_65 : f32 to vector<2000x128xf32>
    %select_n3A_67 = arith.select %ge3A_64, %broadcast_in_dim3A_66, %select_n3A_59 : vector<2000x128xi1>, vector<2000x128xf32>
    %reduce_max3A_68 = arith.constant dense<0xFF800000> : vector<2000xf32>
    %reduce_max3A_69 = vector.multi_reduction <maximumf>, %select_n3A_67, %reduce_max3A_68 [1] : vector<2000x128xf32> to vector<2000xf32>
    %broadcast_in_dim3A_70 = vector.shape_cast %reduce_max3A_69 : vector<2000xf32> to vector<2000x1xf32>
    %ge3A_71 = vector.broadcast %broadcast_in_dim3A_70 : vector<2000x1xf32> to vector<2000x128xf32>
    %ge3A_72 = arith.cmpf oge, %select_n3A_67, %ge3A_71 : vector<2000x128xf32>
    %jit3A_73 = arith.constant 0xFF800000 : f32
    %broadcast_in_dim3A_74 = vector.broadcast %jit3A_73 : f32 to vector<2000x128xf32>
    %select_n3A_75 = arith.select %ge3A_72, %broadcast_in_dim3A_74, %select_n3A_67 : vector<2000x128xi1>, vector<2000x128xf32>
    %reduce_max3A_76 = arith.constant dense<0xFF800000> : vector<2000xf32>
    %reduce_max3A_77 = vector.multi_reduction <maximumf>, %select_n3A_75, %reduce_max3A_76 [1] : vector<2000x128xf32> to vector<2000xf32>
    %broadcast_in_dim3A_78 = vector.shape_cast %reduce_max3A_77 : vector<2000xf32> to vector<2000x1xf32>
    %ge3A_79 = vector.broadcast %broadcast_in_dim3A_78 : vector<2000x1xf32> to vector<2000x128xf32>
    %ge3A_80 = arith.cmpf oge, %select_n3A_75, %ge3A_79 : vector<2000x128xf32>
    %jit3A_81 = arith.constant 0xFF800000 : f32
    %broadcast_in_dim3A_82 = vector.broadcast %jit3A_81 : f32 to vector<2000x128xf32>
    %select_n3A_83 = arith.select %ge3A_80, %broadcast_in_dim3A_82, %select_n3A_75 : vector<2000x128xi1>, vector<2000x128xf32>
    %reduce_max3A_84 = arith.constant dense<0xFF800000> : vector<2000xf32>
    %reduce_max3A_85 = vector.multi_reduction <maximumf>, %select_n3A_83, %reduce_max3A_84 [1] : vector<2000x128xf32> to vector<2000xf32>
    %broadcast_in_dim3A_86 = vector.shape_cast %reduce_max3A_85 : vector<2000xf32> to vector<2000x1xf32>
    %ge3A_87 = vector.broadcast %broadcast_in_dim3A_86 : vector<2000x1xf32> to vector<2000x128xf32>
    %ge3A_88 = arith.cmpf oge, %select_n3A_83, %ge3A_87 : vector<2000x128xf32>
    %jit3A_89 = arith.constant 0xFF800000 : f32
    %broadcast_in_dim3A_90 = vector.broadcast %jit3A_89 : f32 to vector<2000x128xf32>
    %select_n3A_91 = arith.select %ge3A_88, %broadcast_in_dim3A_90, %select_n3A_83 : vector<2000x128xi1>, vector<2000x128xf32>
    %reduce_max3A_92 = arith.constant dense<0xFF800000> : vector<2000xf32>
    %reduce_max3A_93 = vector.multi_reduction <maximumf>, %select_n3A_91, %reduce_max3A_92 [1] : vector<2000x128xf32> to vector<2000xf32>
    %broadcast_in_dim3A_94 = vector.shape_cast %reduce_max3A_93 : vector<2000xf32> to vector<2000x1xf32>
    %ge3A_95 = vector.broadcast %broadcast_in_dim3A_94 : vector<2000x1xf32> to vector<2000x128xf32>
    %ge3A_96 = arith.cmpf oge, %select_n3A_91, %ge3A_95 : vector<2000x128xf32>
    %jit3A_97 = arith.constant 0xFF800000 : f32
    %broadcast_in_dim3A_98 = vector.broadcast %jit3A_97 : f32 to vector<2000x128xf32>
    %select_n3A_99 = arith.select %ge3A_96, %broadcast_in_dim3A_98, %select_n3A_91 : vector<2000x128xi1>, vector<2000x128xf32>
    %reduce_max3A_100 = arith.constant dense<0xFF800000> : vector<2000xf32>
    %reduce_max3A_101 = vector.multi_reduction <maximumf>, %select_n3A_99, %reduce_max3A_100 [1] : vector<2000x128xf32> to vector<2000xf32>
    %broadcast_in_dim3A_102 = vector.shape_cast %reduce_max3A_101 : vector<2000xf32> to vector<2000x1xf32>
    %ge3A_103 = vector.broadcast %broadcast_in_dim3A_102 : vector<2000x1xf32> to vector<2000x128xf32>
    %ge3A_104 = arith.cmpf oge, %select_n3A_99, %ge3A_103 : vector<2000x128xf32>
    %jit3A_105 = arith.constant 0xFF800000 : f32
    %broadcast_in_dim3A_106 = vector.broadcast %jit3A_105 : f32 to vector<2000x128xf32>
    %select_n3A_107 = arith.select %ge3A_104, %broadcast_in_dim3A_106, %select_n3A_99 : vector<2000x128xi1>, vector<2000x128xf32>
    %reduce_max3A_108 = arith.constant dense<0xFF800000> : vector<2000xf32>
    %reduce_max3A_109 = vector.multi_reduction <maximumf>, %select_n3A_107, %reduce_max3A_108 [1] : vector<2000x128xf32> to vector<2000xf32>
    %broadcast_in_dim3A_110 = vector.shape_cast %reduce_max3A_109 : vector<2000xf32> to vector<2000x1xf32>
    %ge3A_111 = vector.broadcast %broadcast_in_dim3A_110 : vector<2000x1xf32> to vector<2000x128xf32>
    %ge3A_112 = arith.cmpf oge, %select_n3A_107, %ge3A_111 : vector<2000x128xf32>
    %jit3A_113 = arith.constant 0xFF800000 : f32
    %broadcast_in_dim3A_114 = vector.broadcast %jit3A_113 : f32 to vector<2000x128xf32>
    %select_n3A_115 = arith.select %ge3A_112, %broadcast_in_dim3A_114, %select_n3A_107 : vector<2000x128xi1>, vector<2000x128xf32>
    %reduce_max3A_116 = arith.constant dense<0xFF800000> : vector<2000xf32>
    %reduce_max3A_117 = vector.multi_reduction <maximumf>, %select_n3A_115, %reduce_max3A_116 [1] : vector<2000x128xf32> to vector<2000xf32>
    %broadcast_in_dim3A_118 = vector.shape_cast %reduce_max3A_117 : vector<2000xf32> to vector<2000x1xf32>
    %ge3A_119 = vector.broadcast %broadcast_in_dim3A_118 : vector<2000x1xf32> to vector<2000x128xf32>
    %ge3A_120 = arith.cmpf oge, %select_n3A_115, %ge3A_119 : vector<2000x128xf32>
    %jit3A_121 = arith.constant 0xFF800000 : f32
    %broadcast_in_dim3A_122 = vector.broadcast %jit3A_121 : f32 to vector<2000x128xf32>
    %select_n3A_123 = arith.select %ge3A_120, %broadcast_in_dim3A_122, %select_n3A_115 : vector<2000x128xi1>, vector<2000x128xf32>
    %reduce_max3A_124 = arith.constant dense<0xFF800000> : vector<2000xf32>
    %reduce_max3A_125 = vector.multi_reduction <maximumf>, %select_n3A_123, %reduce_max3A_124 [1] : vector<2000x128xf32> to vector<2000xf32>
    %broadcast_in_dim3A_126 = vector.shape_cast %reduce_max3A_125 : vector<2000xf32> to vector<2000x1xf32>
    %ge3A_127 = vector.broadcast %broadcast_in_dim3A_126 : vector<2000x1xf32> to vector<2000x128xf32>
    %ge3A_128 = arith.cmpf oge, %select_n3A_123, %ge3A_127 : vector<2000x128xf32>
    %jit3A_129 = arith.constant 0xFF800000 : f32
    %broadcast_in_dim3A_130 = vector.broadcast %jit3A_129 : f32 to vector<2000x128xf32>
    %select_n3A_131 = arith.select %ge3A_128, %broadcast_in_dim3A_130, %select_n3A_123 : vector<2000x128xi1>, vector<2000x128xf32>
    %reduce_max3A_132 = arith.constant dense<0xFF800000> : vector<2000xf32>
    %reduce_max3A_133 = vector.multi_reduction <maximumf>, %select_n3A_131, %reduce_max3A_132 [1] : vector<2000x128xf32> to vector<2000xf32>
    %broadcast_in_dim3A_134 = vector.shape_cast %reduce_max3A_133 : vector<2000xf32> to vector<2000x1xf32>
    %ge3A_135 = vector.broadcast %broadcast_in_dim3A_134 : vector<2000x1xf32> to vector<2000x128xf32>
    %ge3A_136 = arith.cmpf oge, %select_n3A_131, %ge3A_135 : vector<2000x128xf32>
    %jit3A_137 = arith.constant 0xFF800000 : f32
    %broadcast_in_dim3A_138 = vector.broadcast %jit3A_137 : f32 to vector<2000x128xf32>
    %select_n3A_139 = arith.select %ge3A_136, %broadcast_in_dim3A_138, %select_n3A_131 : vector<2000x128xi1>, vector<2000x128xf32>
    %reduce_max3A_140 = arith.constant dense<0xFF800000> : vector<2000xf32>
    %reduce_max3A_141 = vector.multi_reduction <maximumf>, %select_n3A_139, %reduce_max3A_140 [1] : vector<2000x128xf32> to vector<2000xf32>
    %broadcast_in_dim3A_142 = vector.shape_cast %reduce_max3A_141 : vector<2000xf32> to vector<2000x1xf32>
    %ge3A_143 = vector.broadcast %broadcast_in_dim3A_142 : vector<2000x1xf32> to vector<2000x128xf32>
    %ge3A_144 = arith.cmpf oge, %select_n3A_139, %ge3A_143 : vector<2000x128xf32>
    %jit3A_145 = arith.constant 0xFF800000 : f32
    %broadcast_in_dim3A_146 = vector.broadcast %jit3A_145 : f32 to vector<2000x128xf32>
    %select_n3A_147 = arith.select %ge3A_144, %broadcast_in_dim3A_146, %select_n3A_139 : vector<2000x128xi1>, vector<2000x128xf32>
    %reduce_max3A_148 = arith.constant dense<0xFF800000> : vector<2000xf32>
    %reduce_max3A_149 = vector.multi_reduction <maximumf>, %select_n3A_147, %reduce_max3A_148 [1] : vector<2000x128xf32> to vector<2000xf32>
    %broadcast_in_dim3A_150 = vector.shape_cast %reduce_max3A_149 : vector<2000xf32> to vector<2000x1xf32>
    %ge3A_151 = vector.broadcast %broadcast_in_dim3A_150 : vector<2000x1xf32> to vector<2000x128xf32>
    %ge3A_152 = arith.cmpf oge, %select_n3A_147, %ge3A_151 : vector<2000x128xf32>
    %jit3A_153 = arith.constant 0xFF800000 : f32
    %broadcast_in_dim3A_154 = vector.broadcast %jit3A_153 : f32 to vector<2000x128xf32>
    %select_n3A_155 = arith.select %ge3A_152, %broadcast_in_dim3A_154, %select_n3A_147 : vector<2000x128xi1>, vector<2000x128xf32>
    %reduce_max3A_156 = arith.constant dense<0xFF800000> : vector<2000xf32>
    %reduce_max3A_157 = vector.multi_reduction <maximumf>, %select_n3A_155, %reduce_max3A_156 [1] : vector<2000x128xf32> to vector<2000xf32>
    %broadcast_in_dim3A_158 = vector.shape_cast %reduce_max3A_157 : vector<2000xf32> to vector<2000x1xf32>
    %ge3A_159 = vector.broadcast %broadcast_in_dim3A_158 : vector<2000x1xf32> to vector<2000x128xf32>
    %ge3A_160 = arith.cmpf oge, %select_n3A_155, %ge3A_159 : vector<2000x128xf32>
    %jit3A_161 = arith.constant 0xFF800000 : f32
    %broadcast_in_dim3A_162 = vector.broadcast %jit3A_161 : f32 to vector<2000x128xf32>
    %select_n3A_163 = arith.select %ge3A_160, %broadcast_in_dim3A_162, %select_n3A_155 : vector<2000x128xi1>, vector<2000x128xf32>
    %reduce_max3A_164 = arith.constant dense<0xFF800000> : vector<2000xf32>
    %reduce_max3A_165 = vector.multi_reduction <maximumf>, %select_n3A_163, %reduce_max3A_164 [1] : vector<2000x128xf32> to vector<2000xf32>
    %broadcast_in_dim3A_166 = vector.shape_cast %reduce_max3A_165 : vector<2000xf32> to vector<2000x1xf32>
    %ge3A_167 = vector.broadcast %broadcast_in_dim3A_166 : vector<2000x1xf32> to vector<2000x128xf32>
    %ge3A_168 = arith.cmpf oge, %select_n3A_163, %ge3A_167 : vector<2000x128xf32>
    %jit3A_169 = arith.constant 0xFF800000 : f32
    %broadcast_in_dim3A_170 = vector.broadcast %jit3A_169 : f32 to vector<2000x128xf32>
    %select_n3A_171 = arith.select %ge3A_168, %broadcast_in_dim3A_170, %select_n3A_163 : vector<2000x128xi1>, vector<2000x128xf32>
    %reduce_max3A_172 = arith.constant dense<0xFF800000> : vector<2000xf32>
    %reduce_max3A_173 = vector.multi_reduction <maximumf>, %select_n3A_171, %reduce_max3A_172 [1] : vector<2000x128xf32> to vector<2000xf32>
    %broadcast_in_dim3A_174 = vector.shape_cast %reduce_max3A_173 : vector<2000xf32> to vector<2000x1xf32>
    %ge3A_175 = vector.broadcast %broadcast_in_dim3A_174 : vector<2000x1xf32> to vector<2000x128xf32>
    %ge3A_176 = arith.cmpf oge, %select_n3A_171, %ge3A_175 : vector<2000x128xf32>
    %jit3A_177 = arith.constant 0xFF800000 : f32
    %broadcast_in_dim3A_178 = vector.broadcast %jit3A_177 : f32 to vector<2000x128xf32>
    %select_n3A_179 = arith.select %ge3A_176, %broadcast_in_dim3A_178, %select_n3A_171 : vector<2000x128xi1>, vector<2000x128xf32>
    %reduce_max3A_180 = arith.constant dense<0xFF800000> : vector<2000xf32>
    %reduce_max3A_181 = vector.multi_reduction <maximumf>, %select_n3A_179, %reduce_max3A_180 [1] : vector<2000x128xf32> to vector<2000xf32>
    %broadcast_in_dim3A_182 = vector.shape_cast %reduce_max3A_181 : vector<2000xf32> to vector<2000x1xf32>
    %ge3A_183 = vector.broadcast %broadcast_in_dim3A_182 : vector<2000x1xf32> to vector<2000x128xf32>
    %ge3A_184 = arith.cmpf oge, %select_n3A_179, %ge3A_183 : vector<2000x128xf32>
    %jit3A_185 = arith.constant 0xFF800000 : f32
    %broadcast_in_dim3A_186 = vector.broadcast %jit3A_185 : f32 to vector<2000x128xf32>
    %select_n3A_187 = arith.select %ge3A_184, %broadcast_in_dim3A_186, %select_n3A_179 : vector<2000x128xi1>, vector<2000x128xf32>
    %reduce_max3A_188 = arith.constant dense<0xFF800000> : vector<2000xf32>
    %reduce_max3A_189 = vector.multi_reduction <maximumf>, %select_n3A_187, %reduce_max3A_188 [1] : vector<2000x128xf32> to vector<2000xf32>
    %broadcast_in_dim3A_190 = vector.shape_cast %reduce_max3A_189 : vector<2000xf32> to vector<2000x1xf32>
    %ge3A_191 = vector.broadcast %broadcast_in_dim3A_190 : vector<2000x1xf32> to vector<2000x128xf32>
    %ge3A_192 = arith.cmpf oge, %select_n3A_187, %ge3A_191 : vector<2000x128xf32>
    %jit3A_193 = arith.constant 0xFF800000 : f32
    %broadcast_in_dim3A_194 = vector.broadcast %jit3A_193 : f32 to vector<2000x128xf32>
    %select_n3A_195 = arith.select %ge3A_192, %broadcast_in_dim3A_194, %select_n3A_187 : vector<2000x128xi1>, vector<2000x128xf32>
    %reduce_max3A_196 = arith.constant dense<0xFF800000> : vector<2000xf32>
    %reduce_max3A_197 = vector.multi_reduction <maximumf>, %select_n3A_195, %reduce_max3A_196 [1] : vector<2000x128xf32> to vector<2000xf32>
    %broadcast_in_dim3A_198 = vector.shape_cast %reduce_max3A_197 : vector<2000xf32> to vector<2000x1xf32>
    %ge3A_199 = vector.broadcast %broadcast_in_dim3A_198 : vector<2000x1xf32> to vector<2000x128xf32>
    %ge3A_200 = arith.cmpf oge, %select_n3A_195, %ge3A_199 : vector<2000x128xf32>
    %jit3A_201 = arith.constant 0xFF800000 : f32
    %broadcast_in_dim3A_202 = vector.broadcast %jit3A_201 : f32 to vector<2000x128xf32>
    %select_n3A_203 = arith.select %ge3A_200, %broadcast_in_dim3A_202, %select_n3A_195 : vector<2000x128xi1>, vector<2000x128xf32>
    %reduce_max3A_204 = arith.constant dense<0xFF800000> : vector<2000xf32>
    %reduce_max3A_205 = vector.multi_reduction <maximumf>, %select_n3A_203, %reduce_max3A_204 [1] : vector<2000x128xf32> to vector<2000xf32>
    %broadcast_in_dim3A_206 = vector.shape_cast %reduce_max3A_205 : vector<2000xf32> to vector<2000x1xf32>
    %ge3A_207 = vector.broadcast %broadcast_in_dim3A_206 : vector<2000x1xf32> to vector<2000x128xf32>
    %ge3A_208 = arith.cmpf oge, %select_n3A_203, %ge3A_207 : vector<2000x128xf32>
    %jit3A_209 = arith.constant 0xFF800000 : f32
    %broadcast_in_dim3A_210 = vector.broadcast %jit3A_209 : f32 to vector<2000x128xf32>
    %select_n3A_211 = arith.select %ge3A_208, %broadcast_in_dim3A_210, %select_n3A_203 : vector<2000x128xi1>, vector<2000x128xf32>
    %reduce_max3A_212 = arith.constant dense<0xFF800000> : vector<2000xf32>
    %reduce_max3A_213 = vector.multi_reduction <maximumf>, %select_n3A_211, %reduce_max3A_212 [1] : vector<2000x128xf32> to vector<2000xf32>
    %broadcast_in_dim3A_214 = vector.shape_cast %reduce_max3A_213 : vector<2000xf32> to vector<2000x1xf32>
    %ge3A_215 = vector.broadcast %broadcast_in_dim3A_214 : vector<2000x1xf32> to vector<2000x128xf32>
    %ge3A_216 = arith.cmpf oge, %select_n3A_211, %ge3A_215 : vector<2000x128xf32>
    %jit3A_217 = arith.constant 0xFF800000 : f32
    %broadcast_in_dim3A_218 = vector.broadcast %jit3A_217 : f32 to vector<2000x128xf32>
    %select_n3A_219 = arith.select %ge3A_216, %broadcast_in_dim3A_218, %select_n3A_211 : vector<2000x128xi1>, vector<2000x128xf32>
    %reduce_max3A_220 = arith.constant dense<0xFF800000> : vector<2000xf32>
    %reduce_max3A_221 = vector.multi_reduction <maximumf>, %select_n3A_219, %reduce_max3A_220 [1] : vector<2000x128xf32> to vector<2000xf32>
    %broadcast_in_dim3A_222 = vector.shape_cast %reduce_max3A_221 : vector<2000xf32> to vector<2000x1xf32>
    %ge3A_223 = vector.broadcast %broadcast_in_dim3A_222 : vector<2000x1xf32> to vector<2000x128xf32>
    %ge3A_224 = arith.cmpf oge, %select_n3A_219, %ge3A_223 : vector<2000x128xf32>
    %jit3A_225 = arith.constant 0xFF800000 : f32
    %broadcast_in_dim3A_226 = vector.broadcast %jit3A_225 : f32 to vector<2000x128xf32>
    %select_n3A_227 = arith.select %ge3A_224, %broadcast_in_dim3A_226, %select_n3A_219 : vector<2000x128xi1>, vector<2000x128xf32>
    %reduce_max3A_228 = arith.constant dense<0xFF800000> : vector<2000xf32>
    %reduce_max3A_229 = vector.multi_reduction <maximumf>, %select_n3A_227, %reduce_max3A_228 [1] : vector<2000x128xf32> to vector<2000xf32>
    %broadcast_in_dim3A_230 = vector.shape_cast %reduce_max3A_229 : vector<2000xf32> to vector<2000x1xf32>
    %ge3A_231 = vector.broadcast %broadcast_in_dim3A_230 : vector<2000x1xf32> to vector<2000x128xf32>
    %ge3A_232 = arith.cmpf oge, %select_n3A_227, %ge3A_231 : vector<2000x128xf32>
    %jit3A_233 = arith.constant 0xFF800000 : f32
    %broadcast_in_dim3A_234 = vector.broadcast %jit3A_233 : f32 to vector<2000x128xf32>
    %select_n3A_235 = arith.select %ge3A_232, %broadcast_in_dim3A_234, %select_n3A_227 : vector<2000x128xi1>, vector<2000x128xf32>
    %reduce_max3A_236 = arith.constant dense<0xFF800000> : vector<2000xf32>
    %reduce_max3A_237 = vector.multi_reduction <maximumf>, %select_n3A_235, %reduce_max3A_236 [1] : vector<2000x128xf32> to vector<2000xf32>
    %broadcast_in_dim3A_238 = vector.shape_cast %reduce_max3A_237 : vector<2000xf32> to vector<2000x1xf32>
    %ge3A_239 = vector.broadcast %broadcast_in_dim3A_238 : vector<2000x1xf32> to vector<2000x128xf32>
    %ge3A_240 = arith.cmpf oge, %select_n3A_235, %ge3A_239 : vector<2000x128xf32>
    %jit3A_241 = arith.constant 0xFF800000 : f32
    %broadcast_in_dim3A_242 = vector.broadcast %jit3A_241 : f32 to vector<2000x128xf32>
    %select_n3A_243 = arith.select %ge3A_240, %broadcast_in_dim3A_242, %select_n3A_235 : vector<2000x128xi1>, vector<2000x128xf32>
    %reduce_max3A_244 = arith.constant dense<0xFF800000> : vector<2000xf32>
    %reduce_max3A_245 = vector.multi_reduction <maximumf>, %select_n3A_243, %reduce_max3A_244 [1] : vector<2000x128xf32> to vector<2000xf32>
    %broadcast_in_dim3A_246 = vector.shape_cast %reduce_max3A_245 : vector<2000xf32> to vector<2000x1xf32>
    %ge3A_247 = vector.broadcast %broadcast_in_dim3A_246 : vector<2000x1xf32> to vector<2000x128xf32>
    %ge3A_248 = arith.cmpf oge, %select_n3A_243, %ge3A_247 : vector<2000x128xf32>
    %jit3A_249 = arith.constant 0xFF800000 : f32
    %broadcast_in_dim3A_250 = vector.broadcast %jit3A_249 : f32 to vector<2000x128xf32>
    %select_n3A_251 = arith.select %ge3A_248, %broadcast_in_dim3A_250, %select_n3A_243 : vector<2000x128xi1>, vector<2000x128xf32>
    %reduce_max3A_252 = arith.constant dense<0xFF800000> : vector<2000xf32>
    %reduce_max3A_253 = vector.multi_reduction <maximumf>, %select_n3A_251, %reduce_max3A_252 [1] : vector<2000x128xf32> to vector<2000xf32>
    %broadcast_in_dim3A_254 = vector.shape_cast %reduce_max3A_253 : vector<2000xf32> to vector<2000x1xf32>
    %ge3A_255 = vector.broadcast %broadcast_in_dim3A_254 : vector<2000x1xf32> to vector<2000x128xf32>
    %ge3A_256 = arith.cmpf oge, %select_n3A_251, %ge3A_255 : vector<2000x128xf32>
    %jit3A_257 = arith.constant 0xFF800000 : f32
    %broadcast_in_dim3A_258 = vector.broadcast %jit3A_257 : f32 to vector<2000x128xf32>
    %select_n3A_259 = arith.select %ge3A_256, %broadcast_in_dim3A_258, %select_n3A_251 : vector<2000x128xi1>, vector<2000x128xf32>
    %reduce_max3A_260 = arith.constant dense<0xFF800000> : vector<2000xf32>
    %reduce_max3A_261 = vector.multi_reduction <maximumf>, %select_n3A_259, %reduce_max3A_260 [1] : vector<2000x128xf32> to vector<2000xf32>
    %broadcast_in_dim3A_262 = vector.shape_cast %reduce_max3A_261 : vector<2000xf32> to vector<2000x1xf32>
    %ge3A_263 = vector.broadcast %broadcast_in_dim3A_262 : vector<2000x1xf32> to vector<2000x128xf32>
    %ge3A_264 = arith.cmpf oge, %select_n3A_259, %ge3A_263 : vector<2000x128xf32>
    %jit3A_265 = arith.constant 0xFF800000 : f32
    %broadcast_in_dim3A_266 = vector.broadcast %jit3A_265 : f32 to vector<2000x128xf32>
    %select_n3A_267 = arith.select %ge3A_264, %broadcast_in_dim3A_266, %select_n3A_259 : vector<2000x128xi1>, vector<2000x128xf32>
    %reduce_max3A_268 = arith.constant dense<0xFF800000> : vector<2000xf32>
    %reduce_max3A_269 = vector.multi_reduction <maximumf>, %select_n3A_267, %reduce_max3A_268 [1] : vector<2000x128xf32> to vector<2000xf32>
    %broadcast_in_dim3A_270 = vector.shape_cast %reduce_max3A_269 : vector<2000xf32> to vector<2000x1xf32>
    %ge3A_271 = vector.broadcast %broadcast_in_dim3A_270 : vector<2000x1xf32> to vector<2000x128xf32>
    %ge3A_272 = arith.cmpf oge, %select_n3A_267, %ge3A_271 : vector<2000x128xf32>
    %jit3A_273 = arith.constant 0xFF800000 : f32
    %broadcast_in_dim3A_274 = vector.broadcast %jit3A_273 : f32 to vector<2000x128xf32>
    %select_n3A_275 = arith.select %ge3A_272, %broadcast_in_dim3A_274, %select_n3A_267 : vector<2000x128xi1>, vector<2000x128xf32>
    %reduce_max3A_276 = arith.constant dense<0xFF800000> : vector<2000xf32>
    %reduce_max3A_277 = vector.multi_reduction <maximumf>, %select_n3A_275, %reduce_max3A_276 [1] : vector<2000x128xf32> to vector<2000xf32>
    %broadcast_in_dim3A_278 = vector.shape_cast %reduce_max3A_277 : vector<2000xf32> to vector<2000x1xf32>
    %ge3A_279 = vector.broadcast %broadcast_in_dim3A_278 : vector<2000x1xf32> to vector<2000x128xf32>
    %ge3A_280 = arith.cmpf oge, %select_n3A_275, %ge3A_279 : vector<2000x128xf32>
    %jit3A_281 = arith.constant 0xFF800000 : f32
    %broadcast_in_dim3A_282 = vector.broadcast %jit3A_281 : f32 to vector<2000x128xf32>
    %select_n3A_283 = arith.select %ge3A_280, %broadcast_in_dim3A_282, %select_n3A_275 : vector<2000x128xi1>, vector<2000x128xf32>
    %reduce_max3A_284 = arith.constant dense<0xFF800000> : vector<2000xf32>
    %reduce_max3A_285 = vector.multi_reduction <maximumf>, %select_n3A_283, %reduce_max3A_284 [1] : vector<2000x128xf32> to vector<2000xf32>
    %broadcast_in_dim3A_286 = vector.shape_cast %reduce_max3A_285 : vector<2000xf32> to vector<2000x1xf32>
    %ge3A_287 = vector.broadcast %broadcast_in_dim3A_286 : vector<2000x1xf32> to vector<2000x128xf32>
    %ge3A_288 = arith.cmpf oge, %add3A_40, %ge3A_287 : vector<2000x128xf32>
    %jit3A_289 = arith.constant 0.000000e+00 : f32
    %broadcast_in_dim3A_290 = vector.broadcast %jit3A_289 : f32 to vector<2000x128xf32>
    %select_n3A_291 = arith.select %ge3A_288, %add3A_40, %broadcast_in_dim3A_290 : vector<2000x128xi1>, vector<2000x128xf32>
    %swap3A = arith.constant 0 : index
    %swap3A_292 = arith.constant 0 : index
    %swap3A_293 = vector.load %arg9[%swap3A, %swap3A_292] : memref<2000x128xf32, #tpu.memory_space<vmem>>, vector<2000x128xf32>
    tpu.vector_store %arg9[%swap3A, %swap3A_292], %select_n3A_291 {strides = array<i32>} : memref<2000x128xf32, #tpu.memory_space<vmem>>, vector<2000x128xf32>,
    return
  }
  func.func @transform_0(%arg0: i32) -> (i32, i32) {
    %c0_i32 = arith.constant 0 : i32
    %c0_i32_0 = arith.constant 0 : i32
    return %arg0, %c0_i32 : i32, i32
  }
  func.func @transform_1(%arg0: i32) -> (i32, i32, i32) {
    %c0_i32 = arith.constant 0 : i32
    %c0_i32_0 = arith.constant 0 : i32
    %c0_i32_1 = arith.constant 0 : i32
    return %c0_i32, %arg0, %c0_i32_0 : i32, i32, i32
  }
  func.func @transform_2(%arg0: i32) -> (i32, i32, i32) {
    %c1_i32 = arith.constant 1 : i32
    %c0_i32 = arith.constant 0 : i32
    %c0_i32_0 = arith.constant 0 : i32
    return %c1_i32, %arg0, %c0_i32 : i32, i32, i32
  }
  func.func @transform_3(%arg0: i32) -> (i32, i32, i32) {
    %c0_i32 = arith.constant 0 : i32
    %c0_i32_0 = arith.constant 0 : i32
    %c0_i32_1 = arith.constant 0 : i32
    return %c0_i32, %arg0, %c0_i32_0 : i32, i32, i32
  }
  func.func @transform_4(%arg0: i32) -> (i32, i32, i32) {
    %c1_i32 = arith.constant 1 : i32
    %c0_i32 = arith.constant 0 : i32
    %c0_i32_0 = arith.constant 0 : i32
    return %c1_i32, %arg0, %c0_i32 : i32, i32, i32
  }
  func.func @transform_5(%arg0: i32) -> (i32, i32) {
    %c0_i32 = arith.constant 0 : i32
    %c0_i32_0 = arith.constant 0 : i32
    %c0_i32_1 = arith.constant 0 : i32
    return %c0_i32, %c0_i32_0 : i32, i32
  }
  func.func @transform_6(%arg0: i32) -> (i32, i32) {
    %c0_i32 = arith.constant 0 : i32
    %c0_i32_0 = arith.constant 0 : i32
    %c0_i32_1 = arith.constant 0 : i32
    return %c0_i32, %c0_i32_0 : i32, i32
  }
  func.func @transform_7(%arg0: i32) -> (i32, i32) {
    %c0_i32 = arith.constant 0 : i32
    %c0_i32_0 = arith.constant 0 : i32
    %c0_i32_1 = arith.constant 0 : i32
    return %c0_i32, %c0_i32_0 : i32, i32
  }
  func.func @transform_8(%arg0: i32) -> (i32, i32) {
    %c0_i32 = arith.constant 0 : i32
    %c0_i32_0 = arith.constant 0 : i32
    return %arg0, %c0_i32 : i32, i32
  }
}

module attributes {stable_mosaic.version = 14 : i64} {
  func.func @_k2_body(%arg0: i32, %arg1: memref<2000x128xf32, #tpu.memory_space<vmem>>, %arg2: memref<1x2000x128xf32, #tpu.memory_space<vmem>>, %arg3: memref<1x2000x128xf32, #tpu.memory_space<vmem>>, %arg4: memref<1x2000x128xf32, #tpu.memory_space<vmem>>, %arg5: memref<1x2000x128xf32, #tpu.memory_space<vmem>>, %arg6: memref<128x128xf32, #tpu.memory_space<vmem>>, %arg7: memref<128x128xf32, #tpu.memory_space<vmem>>, %arg8: memref<1x128xf32, #tpu.memory_space<vmem>>, %arg9: memref<128x128xf32, #tpu.memory_space<vmem>>, %arg10: memref<1x128xf32, #tpu.memory_space<vmem>>, %arg11: memref<2000x128xf32, #tpu.memory_space<vmem>>) attributes {dimension_semantics = [#tpu.dimension_semantics<arbitrary>], iteration_bounds = array<i64: 5>, scalar_prefetch = 0 : i64, scratch_operands = 0 : i64, tpu.core_type = #tpu.core_type<tc>, window_params = [{transform_indices = @transform_0, window_bounds = array<i64: 2000, 128>}, {transform_indices = @transform_1, window_bounds = array<i64: 1, 2000, 128>}, {transform_indices = @transform_2, window_bounds = array<i64: 1, 2000, 128>}, {transform_indices = @transform_3, window_bounds = array<i64: 1, 2000, 128>}, {transform_indices = @transform_4, window_bounds = array<i64: 1, 2000, 128>}, {pipeline_mode = #tpu.pipeline_mode<synchronous>, transform_indices = @transform_5, window_bounds = array<i64: 128, 128>}, {pipeline_mode = #tpu.pipeline_mode<synchronous>, transform_indices = @transform_6, window_bounds = array<i64: 128, 128>}, {pipeline_mode = #tpu.pipeline_mode<synchronous>, transform_indices = @transform_7, window_bounds = array<i64: 1, 128>}, {pipeline_mode = #tpu.pipeline_mode<synchronous>, transform_indices = @transform_8, window_bounds = array<i64: 128, 128>}, {pipeline_mode = #tpu.pipeline_mode<synchronous>, transform_indices = @transform_9, window_bounds = array<i64: 1, 128>}, {transform_indices = @transform_10, window_bounds = array<i64: 2000, 128>}]} {
    %get3A = arith.constant 0 : index
    %get3A_0 = arith.constant 0 : index
    %get3A_1 = arith.constant 0 : index
    %get3A_2 = vector.load %arg4[%get3A, %get3A_0, %get3A_1] : memref<1x2000x128xf32, #tpu.memory_space<vmem>>, vector<1x2000x128xf32>
    %slice3A = vector.extract_strided_slice %get3A_2 {offsets = [0, 0, 0], sizes = [1, 2000, 1], strides = [1, 1, 1]} : vector<1x2000x128xf32> to vector<1x2000x1xf32>
    %squeeze3A = vector.shape_cast %slice3A : vector<1x2000x1xf32> to vector<2000x1xf32>
    %get3A_3 = arith.constant 0 : index
    %get3A_4 = arith.constant 0 : index
    %get3A_5 = arith.constant 0 : index
    %get3A_6 = vector.load %arg5[%get3A_3, %get3A_4, %get3A_5] : memref<1x2000x128xf32, #tpu.memory_space<vmem>>, vector<1x2000x128xf32>
    %slice3A_7 = vector.extract_strided_slice %get3A_6 {offsets = [0, 0, 0], sizes = [1, 2000, 1], strides = [1, 1, 1]} : vector<1x2000x128xf32> to vector<1x2000x1xf32>
    %squeeze3A_8 = vector.shape_cast %slice3A_7 : vector<1x2000x1xf32> to vector<2000x1xf32>
    %add3A = arith.addf %squeeze3A, %squeeze3A_8 : vector<2000x1xf32>
    %get3A_9 = arith.constant 0 : index
    %get3A_10 = arith.constant 0 : index
    %get3A_11 = arith.constant 0 : index
    %get3A_12 = vector.load %arg2[%get3A_9, %get3A_10, %get3A_11] : memref<1x2000x128xf32, #tpu.memory_space<vmem>>, vector<1x2000x128xf32>
    %squeeze3A_13 = vector.shape_cast %get3A_12 : vector<1x2000x128xf32> to vector<2000x128xf32>
    %get3A_14 = arith.constant 0 : index
    %get3A_15 = arith.constant 0 : index
    %get3A_16 = arith.constant 0 : index
    %get3A_17 = vector.load %arg3[%get3A_14, %get3A_15, %get3A_16] : memref<1x2000x128xf32, #tpu.memory_space<vmem>>, vector<1x2000x128xf32>
    %squeeze3A_18 = vector.shape_cast %get3A_17 : vector<1x2000x128xf32> to vector<2000x128xf32>
    %add3A_19 = arith.addf %squeeze3A_13, %squeeze3A_18 : vector<2000x128xf32>
    %max3A = arith.constant 1.000000e+00 : f32
    %max3A_20 = vector.broadcast %max3A : f32 to vector<2000x1xf32>
    %max3A_21 = arith.maximumf %add3A, %max3A_20 : vector<2000x1xf32>
    %div3A = vector.broadcast %max3A_21 : vector<2000x1xf32> to vector<2000x128xf32>
    %div3A_22 = arith.divf %add3A_19, %div3A : vector<2000x128xf32>
    %get3A_23 = arith.constant 0 : index
    %get3A_24 = arith.constant 0 : index
    %get3A_25 = vector.load %arg1[%get3A_23, %get3A_24] : memref<2000x128xf32, #tpu.memory_space<vmem>>, vector<2000x128xf32>
    %get3A_26 = arith.constant 0 : index
    %get3A_27 = arith.constant 0 : index
    %get3A_28 = vector.load %arg6[%get3A_26, %get3A_27] : memref<128x128xf32, #tpu.memory_space<vmem>>, vector<128x128xf32>
    %dot_general3A = arith.constant dense<0.000000e+00> : vector<2000x128xf32>
    %dot_general3A_29 = tpu.matmul %get3A_25, %get3A_28, %dot_general3A {dimension_numbers = #tpu.dot_dimension_numbers<[1], [0], [0], [1], [0, 0, 1, 1], [], []>, transpose_lhs_hint = false} : vector<2000x128xf32>, vector<128x128xf32>, vector<2000x128xf32> -> vector<2000x128xf32>
    %get3A_30 = arith.constant 0 : index
    %get3A_31 = arith.constant 0 : index
    %get3A_32 = vector.load %arg7[%get3A_30, %get3A_31] : memref<128x128xf32, #tpu.memory_space<vmem>>, vector<128x128xf32>
    %dot_general3A_33 = arith.constant dense<0.000000e+00> : vector<2000x128xf32>
    %dot_general3A_34 = tpu.matmul %div3A_22, %get3A_32, %dot_general3A_33 {dimension_numbers = #tpu.dot_dimension_numbers<[1], [0], [0], [1], [0, 0, 1, 1], [], []>, transpose_lhs_hint = false} : vector<2000x128xf32>, vector<128x128xf32>, vector<2000x128xf32> -> vector<2000x128xf32>
    %add3A_35 = arith.addf %dot_general3A_29, %dot_general3A_34 : vector<2000x128xf32>
    %get3A_36 = arith.constant 0 : index
    %get3A_37 = arith.constant 0 : index
    %get3A_38 = vector.load %arg8[%get3A_36, %get3A_37] : memref<1x128xf32, #tpu.memory_space<vmem>>, vector<1x128xf32>
    %add3A_39 = vector.broadcast %get3A_38 : vector<1x128xf32> to vector<2000x128xf32>
    %add3A_40 = arith.addf %add3A_35, %add3A_39 : vector<2000x128xf32>
    %get3A_41 = arith.constant 0 : index
    %get3A_42 = arith.constant 0 : index
    %get3A_43 = vector.load %arg9[%get3A_41, %get3A_42] : memref<128x128xf32, #tpu.memory_space<vmem>>, vector<128x128xf32>
    %dot_general3A_44 = arith.constant dense<0.000000e+00> : vector<2000x128xf32>
    %dot_general3A_45 = tpu.matmul %add3A_40, %get3A_43, %dot_general3A_44 {dimension_numbers = #tpu.dot_dimension_numbers<[1], [0], [0], [1], [0, 0, 1, 1], [], []>, transpose_lhs_hint = false} : vector<2000x128xf32>, vector<128x128xf32>, vector<2000x128xf32> -> vector<2000x128xf32>
    %get3A_46 = arith.constant 0 : index
    %get3A_47 = arith.constant 0 : index
    %get3A_48 = vector.load %arg10[%get3A_46, %get3A_47] : memref<1x128xf32, #tpu.memory_space<vmem>>, vector<1x128xf32>
    %add3A_49 = vector.broadcast %get3A_48 : vector<1x128xf32> to vector<2000x128xf32>
    %add3A_50 = arith.addf %dot_general3A_45, %add3A_49 : vector<2000x128xf32>
    %swap3A = arith.constant 0 : index
    %swap3A_51 = arith.constant 0 : index
    %swap3A_52 = vector.load %arg11[%swap3A, %swap3A_51] : memref<2000x128xf32, #tpu.memory_space<vmem>>, vector<2000x128xf32>
    tpu.vector_store %arg11[%swap3A, %swap3A_51], %add3A_50 {strides = array<i32>} : memref<2000x128xf32, #tpu.memory_space<vmem>>, vector<2000x128xf32>,
    return
  }
  func.func @transform_0(%arg0: i32) -> (i32, i32) {
    %c0_i32 = arith.constant 0 : i32
    %c0_i32_0 = arith.constant 0 : i32
    return %arg0, %c0_i32 : i32, i32
  }
  func.func @transform_1(%arg0: i32) -> (i32, i32, i32) {
    %c0_i32 = arith.constant 0 : i32
    %c0_i32_0 = arith.constant 0 : i32
    %c0_i32_1 = arith.constant 0 : i32
    return %c0_i32, %arg0, %c0_i32_0 : i32, i32, i32
  }
  func.func @transform_2(%arg0: i32) -> (i32, i32, i32) {
    %c1_i32 = arith.constant 1 : i32
    %c0_i32 = arith.constant 0 : i32
    %c0_i32_0 = arith.constant 0 : i32
    return %c1_i32, %arg0, %c0_i32 : i32, i32, i32
  }
  func.func @transform_3(%arg0: i32) -> (i32, i32, i32) {
    %c0_i32 = arith.constant 0 : i32
    %c0_i32_0 = arith.constant 0 : i32
    %c0_i32_1 = arith.constant 0 : i32
    return %c0_i32, %arg0, %c0_i32_0 : i32, i32, i32
  }
  func.func @transform_4(%arg0: i32) -> (i32, i32, i32) {
    %c1_i32 = arith.constant 1 : i32
    %c0_i32 = arith.constant 0 : i32
    %c0_i32_0 = arith.constant 0 : i32
    return %c1_i32, %arg0, %c0_i32 : i32, i32, i32
  }
  func.func @transform_5(%arg0: i32) -> (i32, i32) {
    %c0_i32 = arith.constant 0 : i32
    %c0_i32_0 = arith.constant 0 : i32
    %c0_i32_1 = arith.constant 0 : i32
    return %c0_i32, %c0_i32_0 : i32, i32
  }
  func.func @transform_6(%arg0: i32) -> (i32, i32) {
    %c0_i32 = arith.constant 0 : i32
    %c0_i32_0 = arith.constant 0 : i32
    %c0_i32_1 = arith.constant 0 : i32
    return %c0_i32, %c0_i32_0 : i32, i32
  }
  func.func @transform_7(%arg0: i32) -> (i32, i32) {
    %c0_i32 = arith.constant 0 : i32
    %c0_i32_0 = arith.constant 0 : i32
    %c0_i32_1 = arith.constant 0 : i32
    return %c0_i32, %c0_i32_0 : i32, i32
  }
  func.func @transform_8(%arg0: i32) -> (i32, i32) {
    %c0_i32 = arith.constant 0 : i32
    %c0_i32_0 = arith.constant 0 : i32
    %c0_i32_1 = arith.constant 0 : i32
    return %c0_i32, %c0_i32_0 : i32, i32
  }
  func.func @transform_9(%arg0: i32) -> (i32, i32) {
    %c0_i32 = arith.constant 0 : i32
    %c0_i32_0 = arith.constant 0 : i32
    %c0_i32_1 = arith.constant 0 : i32
    return %c0_i32, %c0_i32_0 : i32, i32
  }
  func.func @transform_10(%arg0: i32) -> (i32, i32) {
    %c0_i32 = arith.constant 0 : i32
    %c0_i32_0 = arith.constant 0 : i32
    return %arg0, %c0_i32 : i32, i32
  }
}

</mosaic_0001>

<sc_bundles>
// kernel: kernel.10.cloned.1.call-start
scs
__scs_entry_jumppad:
0x0: {  	(pc) =	sbr.rel $0x88, $3  }
0x1: {  	(tag) =	ssettag $0x0;
	lr =	simm.s32 $0x1  }
0x2: {  	[smem:$0x3F98] =	sst lr;
	_ =	strace $0xD0000000  }
0x3: {  	_ = 	snop  }
0x4: {  	_ = 	snop  }
0x5: {  	_ = 	snop  }
0x6: {  	_ = 	snop  }
0x7: {  	_ = 	snop  }
__scs_overlays_trampoline_lowered:
0x8: {  	[smem:$0x3FA7] =	sst s0  }
0x9: {  	[smem:$0x3FA8] =	sst s1  }
0xa: {  	[smem:$0x3FA9] =	sst s2  }
0xb: {  	[smem:$0x3FAA] =	sst s3  }
0xc: {  	[smem:$0x3FAB] =	sst s4  }
0xd: {  	[smem:$0x3FAC] =	sst s5  }
0xe: {  	[smem:$0x3FAD] =	sst s6  }
0xf: {  	[smem:$0x3FAE] =	sst s7  }
0x10: {  	[smem:$0x3FAF] =	sst s8  }
0x11: {  	[smem:$0x3FB0] =	sst s9;
	s0 =	simm.s32 @!p0 $0x0  }
0x12: {  	s1 =	sld [smem:$0x3F96];
	s0 =	simm.s32 @p0 $0x1  }
0x13: {  	[smem:$0x3FB1] =	sst s0;
	s0 =	simm.s32 @!p1 $0x0  }
0x14: {  	s2 =	sld [smem:$0x3F95];
	s0 =	simm.s32 @p1 $0x1  }
0x15: {  	[smem:$0x3FB2] =	sst s0;
	s0 =	simm.s32 @!p2 $0x0  }
0x16: {  	s3 =	sld [smem:$0x3FDB];
	s0 =	simm.s32 @p2 $0x1  }
0x17: {  	s4 =	simm.s32 $0x1BF5;
	[smem:$0x3FB4] =	sst s0  }
0x18: {  	s0 =	sld [smem:$0x3F97];
	_ =	swait.ge [sflag:s4], $0x0  }
0x19: {  	s7 =	sld [smem:$0x3F98]  }
0x1a: {  	s8 =	sadd.s32 $0xFFFFE003, lr  }
0x1b: {  	s9 =	sadd.s32 $0xFFFFFEF7, lr;
	s5 =	simm.s32 $0xFFFFFFFF;
	p2 =	slt.u32 s8, $0xFFFFF086  }
0x1c: {  	p1 =	slt.u32 s9, $0xF7A;
	s5 =	simm.s32 @!p2 $0x0  }
0x1d: {  	s5 =	simm.s32 @p1 $0x1;
	p0 =	seq.s32 s7, s2  }
0x1e: {  	s7 =	smul.u32 @!p0 $0xF7A, s2;
	p2 =	seq.s32 @!p0 s5, $0x0  }
0x1f: {  	s9 =	smul.u32 $0xF7A, s1;
	s8 =	simm.s32 @!p0 $0x1BF5;
	p2 =	por !p2, p0  }
0x20: {  	[sflag:s8] =	ssyncset.s32 @!p0 $0xFFFFF086;
	s6 =	sadd.s32 @!p0 s3, s7;
	s7 =	simm.s32 @!p0 $0x108  }
0x21: {  	s3 =	sadd.s32 s3, s9;
	s6 =	sadd.s32 @!p0 $0x88, s6;
	s7 =	simm.s32 @p2 $0x1082  }
0x22: {  	[simem:s7], [sflag:s8] =	dma.local @!p0 [hbm:s6], $0xF7A  }
0x23: {  	s9 =	sor.u32 $0xD0000000, s2;
	s6 =	simm.s32 $0x108;
	_ =	swait.ge @!p0 [sflag:s8], $0x0  }
0x24: {  	s3 =	sadd.s32 $0x88, s3;
	s6 =	simm.s32 @!p1 $0x1082;
	[sflag:s4] =	ssyncset.s32 $0xFFFFF086  }
0x25: {  	[simem:s6], [sflag:s4] =	dma.local [hbm:s3], $0xF7A  }
0x26: {  	[smem:$0x3F98] =	sst s1;
	(tag) =	ssettag s2;
	_ =	strace s9  }
0x27: {  	s1 =	sld [smem:$0x3FA8]  }
0x28: {  	s2 =	sld [smem:$0x3FA9]  }
0x29: {  	s4 =	sld [smem:$0x3FAB]  }
0x2a: {  	p0 =	seq.s32 s5, $0x0;
	s5 =	sld [smem:$0x3FAC]  }
0x2b: {  	s6 =	sld [smem:$0x3FAD]  }
0x2c: {  	s7 =	sld [smem:$0x3FAE]  }
0x2d: {  	s3 =	simm.s32 $0x108;
	s8 =	sld [smem:$0x3FAF]  }
0x2e: {  	s3 =	simm.s32 @!p0 $0x1082;
	s9 =	sld [smem:$0x3FB0]  }
0x2f: {  	lr =	sadd.s32 s0, s3;
	s0 =	sld [smem:$0x3FA7]  }
0x30: {  	s3 =	sld [smem:$0x3FAA]  }
0x31: {  	[smem:$0x3FB3] =	sst s10  }
0x32: {  	s10 =	sld [smem:$0x3FB1];
	_ =	sdelay $0x3  }
0x33: {  	p0 =	seq.s32 s10, $0x1;
	s10 =	sld [smem:$0x3FB3];
	_ =	sdelay $0x3  }
0x34: {  	[smem:$0x3FB3] =	sst s10  }
0x35: {  	s10 =	sld [smem:$0x3FB2];
	_ =	sdelay $0x3  }
0x36: {  	p1 =	seq.s32 s10, $0x1;
	s10 =	sld [smem:$0x3FB3];
	_ =	sdelay $0x3  }
0x37: {  	[smem:$0x3FB3] =	sst s10  }
0x38: {  	s10 =	sld [smem:$0x3FB4]  }
0x39: {  	_ = 	snop;
	(pc) =	sbr.ind lr, $3  }
0x3a: {  	_ = 	snop  }
0x3b: {  	_ = 	snop  }
0x3c: {  	p2 =	seq.s32 s10, $0x1;
	s10 =	sld [smem:$0x3FB3]  }
0x3d: {  	_ =	shalt  }
0x3e: {  	_ =	shalt  }
0x3f: {  	_ =	shalt  }
0x40: {  	_ =	shalt  }
0x41: {  	_ =	shalt  }
0x42: {  	_ =	shalt  }
0x43: {  	_ =	shalt  }
0x44: {  	_ =	shalt  }
0x45: {  	_ =	shalt  }
0x46: {  	_ =	shalt  }
0x47: {  	_ =	shalt  }
0x48: {  	_ =	shalt  }
0x49: {  	_ =	shalt  }
0x4a: {  	_ =	shalt  }
0x4b: {  	_ =	shalt  }
0x4c: {  	_ =	shalt  }
0x4d: {  	_ =	shalt  }
0x4e: {  	_ =	shalt  }
0x4f: {  	_ =	shalt  }
0x50: {  	_ =	shalt  }
0x51: {  	_ =	shalt  }
0x52: {  	_ =	shalt  }
0x53: {  	_ =	shalt  }
0x54: {  	_ =	shalt  }
0x55: {  	_ =	shalt  }
0x56: {  	_ =	shalt  }
0x57: {  	_ =	shalt  }
0x58: {  	_ =	shalt  }
0x59: {  	_ =	shalt  }
0x5a: {  	_ =	shalt  }
0x5b: {  	_ =	shalt  }
0x5c: {  	_ =	shalt  }
0x5d: {  	_ =	shalt  }
0x5e: {  	_ =	shalt  }
0x5f: {  	_ =	shalt  }
0x60: {  	_ =	shalt  }
0x61: {  	_ =	shalt  }
0x62: {  	_ =	shalt  }
0x63: {  	_ =	shalt  }
0x64: {  	_ =	shalt  }
0x65: {  	_ =	shalt  }
0x66: {  	_ =	shalt  }
0x67: {  	_ =	shalt  }
0x68: {  	_ =	shalt  }
0x69: {  	_ =	shalt  }
0x6a: {  	_ =	shalt  }
0x6b: {  	_ =	shalt  }
0x6c: {  	_ =	shalt  }
0x6d: {  	_ =	shalt  }
0x6e: {  	_ =	shalt  }
0x6f: {  	_ =	shalt  }
0x70: {  	_ =	shalt  }
0x71: {  	_ =	shalt  }
0x72: {  	_ =	shalt  }
0x73: {  	_ =	shalt  }
0x74: {  	_ =	shalt  }
0x75: {  	_ =	shalt  }
0x76: {  	_ =	shalt  }
0x77: {  	_ =	shalt  }
0x78: {  	_ =	shalt  }
0x79: {  	_ =	shalt  }
0x7a: {  	_ =	shalt  }
0x7b: {  	_ =	shalt  }
0x7c: {  	_ =	shalt  }
0x7d: {  	_ =	shalt  }
0x7e: {  	_ =	shalt  }
0x7f: {  	_ =	shalt  }
0x80: {  	_ =	shalt  }
0x81: {  	_ =	shalt  }
0x82: {  	_ =	shalt  }
0x83: {  	_ =	shalt  }
0x84: {  	_ =	shalt  }
0x85: {  	_ =	shalt  }
0x86: {  	_ =	shalt  }
0x87: {  	_ =	shalt  }
.Lfunc_end0:
.L_simem_size_0:
called_computation_lowered:
.L_overlay_start_0:
0x88: {  	s2 =	sld [smem:$0x3FD9]  }
0x89: {  	s3 =	sld [smem:$0x3FFE];
	_ =	sdelay $0x1  }
0x8a: {  	s1 =	srdreg.scid  }
0x8b: {  	s0 =	sand.u32 $0x1, s1  }
0x8c: {  	s17 =	sshll.u32 s0, $0xA;
	s2 =	sadd.s32 s3, s2  }
0x8d: {  	s2 =	sadd.s32 s2, s17  }
0x8e: {  	[smem:$0x3FBF] =	sst s2  }
0x8f: {  	_ = 	snop  }
0x90: {  	s18 =	sld [smem:$0x3FD0];
	(tm) =	ssettm $0x1  }
0x91: {  	s19 =	sld [smem:$0x3FFB];
	_ =	sdelay $0x3  }
0x92: {  	_ =	strace s19  }
0x93: {  	s2 =	sld [smem:$0x3FFC];
	_ =	sdelay $0x3  }
0x94: {  	_ =	strace s2  }
0x95: {  	s2 =	sld [smem:$0x3FFD];
	_ =	sdelay $0x3  }
0x96: {  	_ =	strace s2  }
0x97: {  	_ =	strace $0x8FFFFFFF  }
0x98: {  	s20 =	sld [smem:$0x3FDB];
	_ =	sdelay $0x1  }
0x99: {  	s4 =	simm.s32 $_scs_section_size  }
0x9a: {  	s5 =	simm.s32 $_size__tile_overlayer_lowered;
	s6 =	simm.s32 $_tile_overlayer_lowered  }
0x9b: {  	s7 =	simm.s32 $0x1BFF;
	s21 =	sshll.u32 s6, $0x1;
	s4 =	sadd.s32 s4, s20  }
0x9c: {  	s22 =	simm.s32 $0x0;
	s5 =	sshll.u32 s5, $0x1;
	s6 =	sadd.s32 s21, s4  }
0x9d: {  	[timem:s22], [sflag:s7] =	dma.local [hbm:s6], s5  }
0x9e: {  	_ =	swait.ge [sflag:s7], s5  }
0x9f: {  	s5 =	ssub.s32 $0x0, s5;
	[sflag:s7] =	ssyncset.done $0x0  }
0xa0: {  	[sflag:s7] =	ssyncadd.s32 s5;
	_ =	sdelay $0x1  }
0xa1: {  	s23 =	simm.s32 $0x1B8B  }
0xa2: {  	_ =	swait.ge [sflag:s23], $0x1  }
0xa3: {  	[sflag:s23] =	ssyncset.done $0x0  }
0xa4: {  	[sflag:s23] =	ssyncadd.s32 $0xFFFFFFFF  }
0xa5: {  	s5 =	sld [smem:$0x0]  }
0xa6: {  	s6 =	sand.u32 $0xFFFFFFFE, s1  }
0xa7: {  	p0 =	sne.s32 s1, s6  }
0xa8: {  	s6 =	sshll.u32 @p0 s6, $0xE  }
0xa9: {  	s6 =	sadd.s32 @p0 $0x11B8D, s6;
	s7 =	sshll.u32 @p0 s5, $0x11  }
0xaa: {  	s6 =	sor.u32 @p0 s7, s6  }
0xab: {  	[sflag:s6] =	ssyncadd.remote.s32 @p0 $0x1;
	_ =	sdelay $0x1  }
0xac: {  	s6 =	simm.s32 @p0 $0x1B8D  }
0xad: {  	_ =	swait.eq @p0 [sflag:s6], $0x1  }
0xae: {  	[sflag:s6] =	ssyncadd.s32 @p0 $0xFFFFFFFF  }
0xaf: {  	s7 =	sshll.u32 @!p0 s1, $0xE  }
0xb0: {  	s7 =	sor.u32 @!p0 $0x4000, s7;
	s6 =	simm.s32 @!p0 $0x1B8D  }
0xb1: {  	s5 =	sshll.u32 @!p0 s5, $0x11;
	s7 =	sadd.s32 @!p0 $0x11B8D, s7;
	_ =	swait.eq @!p0 [sflag:s6], $0x1  }
0xb2: {  	s5 =	sor.u32 @!p0 s5, s7;
	[sflag:s6] =	ssyncadd.s32 @!p0 $0xFFFFFFFF  }
0xb3: {  	s25 =	simm.s32 $0x1B8E;
	s24 =	sld [smem:$0x3FFE];
	[sflag:s5] =	ssyncadd.remote.s32 @!p0 $0x1  }
0xb4: {  	s26 =	simm.s32 $execute0_lowered;
	[smem:$0x3FD2] =	sst s25  }
0xb5: {  	s6 =	sshll.u32 s26, $0x1;
	_ =	strace $0x80000049;
	[dreg:$0x1] =	wrdreg $0xFFFFFFFF  }
0xb6: {  	s28 =	simm.s32 $_size_execute0_lowered;
	s4 =	sadd.s32 s4, s6;
	[dreg:$0x0] =	wrdreg $0x0  }
0xb7: {  	s6 =	sshll.u32 s28, $0x1;
	[dreg:$0x2] =	wrdreg s4  }
0xb8: {  	[dreg:$0x3] =	wrdreg s6  }
0xb9: {  	[dreg:$0x4] =	wrdreg $0xC0  }
0xba: {  	_ =	task [dreg:s22], $0x5FFFF  }
0xbb: {  	[dreg:$0x1] =	wrdreg $0xFFFFFFFF  }
0xbc: {  	[dreg:$0x0] =	wrdreg $0x60  }
0xbd: {  	[dreg:$0x2] =	wrdreg s18  }
0xbe: {  	[dreg:$0x3] =	wrdreg s24  }
0xbf: {  	[dreg:$0x4] =	wrdreg $0x68000  }
0xc0: {  	[dreg:$0x5] =	wrdreg $0x9  }
0xc1: {  	_ =	task.clear_ibuf [dreg:s22], $0x6FFFF;
	_ =	strace $0x90000049  }
0xc2: {  	s29 =	simm.s32 $0x9;
	_ =	strace $0x8000004B  }
0xc3: {  	_ =	swait.ge [sflag:s29], $0x1  }
0xc4: {  	[sflag:s29] =	ssyncadd.s32 $0xFFFFFFFF  }
0xc5: {  	_ =	strace $0x9000004B  }
0xc6: {  	_ =	sfence  }
0xc7: {  	s30 =	sld [smem:$0x0];
	_ =	sdelay $0x2  }
0xc8: {  	s31 =	sshll.u32 s1, $0xD;
	s1 =	sshrl.u32 s1, $0x2  }
0xc9: {  	s4 =	sand.u32 $0x4000, s31;
	s1 =	sadd.s32 s1, s30  }
0xca: {  	s0 =	sor.u32 s4, s0;
	s1 =	sshll.u32 s1, $0x11  }
0xcb: {  	s0 =	sor.u32 s1, s0  }
0xcc: {  	s0 =	sadd.s32 $0x8F2B, s0  }
0xcd: {  	[sflag:s0] =	ssyncadd.remote.s32 $0x1  }
0xce: {  	_ =	sfence.sel $0xFFFF  }
0xcf: {  	[dreg:$0x0] =	wrdreg $0xFFFFFFFF;
	(pc) =	sbr.abs _section_cstart, $3  }
0xd0: {  	[dreg:$0x1] =	wrdreg $0xFFFFFFFF  }
0xd1: {  	_ =	task.clear_ibuf [dreg:s22], $0x2FFFF;
	_ =	strace $0x9FFFFFFF  }
0xd2: {  	(tm) =	ssettm $0x7FFFFFFF  }
0xd3: {  	_ =	shalt  }
tec
execute0_lowered:
.L_overlay_start_1:
0x0: {  	(tag) =	ssettag $0x1  }
0x1: {  	s7 =	rddreg [dreg:$0x0]  }
0x2: {  	s6 =	rddreg [dreg:$0x1]  }
0x3: {  	s1 =	rddreg [dreg:$0x2]  }
0x4: {  	s2 =	srdreg.scid;
	s0 =	rddreg [dreg:$0x3];
	s3 =	simm.s32 $0x0  }
0x5: {  	s12 =	simm.s32 $0x2800;
	s13 =	simm.s32 $0x80;
	s8 =	sand.u32 $0x1, s2  }
0x6: {  	s14 =	simm.s32 $0x0;
	s2 =	stileid.u32;
	s9 =	smul.u32 $0x140000, s8  }
0x7: {  	[smem:$0x7FF] =	sst s3;
	s4 =	sadd.s32 $0x87E00, s6;
	s10 =	smul.u32 $0x14000, s2  }
0x8: {  	s5 =	sadd.s32 $0x35600, s6;
	_ =	strace $0x8000004A;
	s28 =	smul.u32 $0x50000, s2  }
0x9: {  	s11 =	sshll.u32 s2, $0x1;
	s29 =	ssub.s32 $0x2, s8;
	s31 =	sshll.u32 s2, $0x6  }
0xa: {  	s8 =	sor.u32 s8, s11;
	s30 =	sshrl.u32 s29, $0x1;
	s9 =	sadd.s32 s10, s9  }
0xb: {  	s10 =	sshrl.u32 s28, $0x2;
	s8 =	smul.u32 $0x500, s8;
	s9 =	sshrl.u32 s9, $0x3  }
0xc: {  	s11 =	ssub.s32 s29, s30;
	s10 =	sadd.s32 s10, s1;
	s9 =	sadd.s32 s9, s6  }
0xd: {  	s6 =	sor.u32 $0x1C01, s31;
	s7 =	sadd.s32 s7, s8;
	s10 =	sshrl.u32 s10, $0x3  }
0xe: {  	s8 =	sadd.s32 $0x88600, s9;
	s9 =	smax.u32 s11, $0x1;
	s11 =	simm.s32 $0x1  }
.LBB2_1:
0xf: {  	[spmem:s10], [sflag:s6] =	dma.local [hbm:s5], $0x2800  }
0x10: {  	_ =	swait.ge [sflag:s11], $0x2800  }
0x11: {  	[sflag:s11] =	ssyncset.done $0x0  }
0x12: {  	[sflag:s11] =	ssyncadd.s32 $0xFFFFD800  }
0x13: {  	[tilespmem:s12], [sflag:$0x1] =	stream.linear.gather [hbm4b:s4+s3], $0x4000, $0x38;
	[tilespmem:$0x1A800] =	vst v63  }
0x14: {  	_ =	swait.ge [sflag:s11], $0x4000  }
0x15: {  	[sflag:s11] =	ssyncset.done $0x0  }
0x16: {  	[sflag:s11] =	ssyncadd.s32 $0xFFFFC000  }
0x17: {  	[tilespmem:s3], [sflag:$0x1] =	stream.linear.gather [hbm4b:s7+s3], $0x2800, $0x38;
	[tilespmem:$0x1A800] =	vst v63  }
0x18: {  	_ =	swait.ge [sflag:s11], $0x2800  }
0x19: {  	[sflag:s11] =	ssyncset.done $0x0  }
0x1a: {  	[sflag:s11] =	ssyncadd.s32 $0xFFFFD800  }
0x1b: {  	s15 =	simm.s32 $0x0;
	[bflag:$0x0] =	sbarrier.arrive $0xFFFF  }
0x1c: {  	[spmem:s1] =	stream.indirect.scatter.add.f32 [tilespmem:s12], [sflag:$0x1], $0x80, s15, s13, $0xb8;
	[tilespmem:$0x1A800] =	vst v63  }
0x1d: {  	_ =	swait.ge [sflag:s11], $0x4000  }
0x1e: {  	s15 =	simm.s32 $0x200;
	[sflag:s11] =	ssyncset.done $0x0  }
.LBB2_2:
0x1f: {  	s16 =	sshra.s32 s15, $0x2;
	[sflag:s11] =	ssyncadd.s32 $0xFFFFC000;
	p0 =	sne.s32 s15, $0x9E00  }
0x20: {  	[spmem:s1] =	stream.indirect.scatter.add.f32 [tilespmem:s12], [sflag:$0x1], $0x80, s16, s13, $0xb8;
	[tilespmem:$0x1A800] =	vst v63  }
.Ltmp0:
0x21: {  	_ = 	snop;
	(pc) =	sbr.rel @p0 .LBB2_2-.Ltmp0, $4  }
0x22: {  	_ = 	snop  }
0x23: {  	s15 =	sadd.s32 $0x200, s15  }
0x24: {  	_ =	swait.ge [sflag:s11], $0x4000  }
0x25: {  	[sflag:s11] =	ssyncset.done $0x0  }
0x26: {  	s14 =	sadd.s32 $0x1, s14  }
0x27: {  	[sflag:s11] =	ssyncadd.s32 $0xFFFFC000;
	p0 =	sne.s32 s14, s9  }
.Ltmp1:
0x28: {  	[bflag:$0x0] =	sbarrier.arrive $0xFFFF;
	(pc) =	sbr.rel @p0 .LBB2_1-.Ltmp1, $4  }
0x29: {  	[hbm:s8], [sflag:s6] =	dma.local [spmem:s10], $0x2800  }
0x2a: {  	_ =	swait.ge [sflag:s11], $0x2800  }
0x2b: {  	[sflag:s11] =	ssyncset.done $0x0  }
0x2c: {  	[sflag:s11] =	ssyncadd.s32 $0xFFFFD800  }
0x2d: {  	_ =	sfence.sel $0x180000  }
0x2e: {  	[bflag:$0x0] =	sbarrier.arrive $0xFFFF  }
0x2f: {  	p0 =	sne.s32 s2, $0x0;
	_ =	strace $0x9000004A  }
0x30: {  	s0 =	sadd.s32 @!p0 $0x100000, s0;
	[bflag:$0x2] =	sbarrier.arrive $0xFFFF  }
0x31: {  	[sflag:s0] =	ssyncadd.tile.s32 @!p0 $0x1;
	_ =	shalt  }
.Lfunc_end2:
_tile_overlayer_lowered:
.L_overlay_start_2:
0x32: {  	(tag) =	ssettag $0x2  }
0x33: {  	s0 =	rddreg [dreg:$0x0];
	s2 =	stileid.u32  }
0x34: {  	s1 =	rddreg [dreg:$0x1];
	p0 =	sne.s32 s2, $0x0  }
0x35: {  	s3 =	rddreg [dreg:$0x2];
	[bflag:$0x3] =	sbarrier.arrive $0xFFFF;
	s2 =	simm.s32 @!p0 $0x1C01  }
0x36: {  	[timem:s3], [sflag:s2] =	dma.local @!p0 [hbm:s0], s1  }
0x37: {  	s0 =	simm.s32 @!p0 $0x1  }
0x38: {  	_ =	swait.ge @!p0 [sflag:s0], s1  }
0x39: {  	s1 =	ssub.s32 @!p0 $0x0, s1;
	[sflag:s0] =	ssyncset.done @!p0 $0x0  }
0x3a: {  	[sflag:s0] =	ssyncadd.s32 @!p0 s1  }
0x3b: {  	[bflag:$0x3] =	sbarrier.arrive $0xFFFF  }
0x3c: {  	_ =	shalt  }

// kernel: kernel.13.cloned.1.call-start
scs
__scs_entry_jumppad:
0x0: {  	(pc) =	sbr.rel $0x88, $3  }
0x1: {  	(tag) =	ssettag $0x0;
	lr =	simm.s32 $0x1  }
0x2: {  	[smem:$0x3F98] =	sst lr;
	_ =	strace $0xD0000000  }
0x3: {  	_ = 	snop  }
0x4: {  	_ = 	snop  }
0x5: {  	_ = 	snop  }
0x6: {  	_ = 	snop  }
0x7: {  	_ = 	snop  }
__scs_overlays_trampoline_lowered:
0x8: {  	[smem:$0x3FA7] =	sst s0  }
0x9: {  	[smem:$0x3FA8] =	sst s1  }
0xa: {  	[smem:$0x3FA9] =	sst s2  }
0xb: {  	[smem:$0x3FAA] =	sst s3  }
0xc: {  	[smem:$0x3FAB] =	sst s4  }
0xd: {  	[smem:$0x3FAC] =	sst s5  }
0xe: {  	[smem:$0x3FAD] =	sst s6  }
0xf: {  	[smem:$0x3FAE] =	sst s7  }
0x10: {  	[smem:$0x3FAF] =	sst s8  }
0x11: {  	[smem:$0x3FB0] =	sst s9;
	s0 =	simm.s32 @!p0 $0x0  }
0x12: {  	s1 =	sld [smem:$0x3F96];
	s0 =	simm.s32 @p0 $0x1  }
0x13: {  	[smem:$0x3FB1] =	sst s0;
	s0 =	simm.s32 @!p1 $0x0  }
0x14: {  	s2 =	sld [smem:$0x3F95];
	s0 =	simm.s32 @p1 $0x1  }
0x15: {  	[smem:$0x3FB2] =	sst s0;
	s0 =	simm.s32 @!p2 $0x0  }
0x16: {  	s3 =	sld [smem:$0x3FDB];
	s0 =	simm.s32 @p2 $0x1  }
0x17: {  	s4 =	simm.s32 $0x1BF5;
	[smem:$0x3FB4] =	sst s0  }
0x18: {  	s0 =	sld [smem:$0x3F97];
	_ =	swait.ge [sflag:s4], $0x0  }
0x19: {  	s7 =	sld [smem:$0x3F98]  }
0x1a: {  	s8 =	sadd.s32 $0xFFFFE003, lr  }
0x1b: {  	s9 =	sadd.s32 $0xFFFFFEF7, lr;
	s5 =	simm.s32 $0xFFFFFFFF;
	p2 =	slt.u32 s8, $0xFFFFF086  }
0x1c: {  	p1 =	slt.u32 s9, $0xF7A;
	s5 =	simm.s32 @!p2 $0x0  }
0x1d: {  	s5 =	simm.s32 @p1 $0x1;
	p0 =	seq.s32 s7, s2  }
0x1e: {  	s7 =	smul.u32 @!p0 $0xF7A, s2;
	p2 =	seq.s32 @!p0 s5, $0x0  }
0x1f: {  	s9 =	smul.u32 $0xF7A, s1;
	s8 =	simm.s32 @!p0 $0x1BF5;
	p2 =	por !p2, p0  }
0x20: {  	[sflag:s8] =	ssyncset.s32 @!p0 $0xFFFFF086;
	s6 =	sadd.s32 @!p0 s3, s7;
	s7 =	simm.s32 @!p0 $0x108  }
0x21: {  	s3 =	sadd.s32 s3, s9;
	s6 =	sadd.s32 @!p0 $0x88, s6;
	s7 =	simm.s32 @p2 $0x1082  }
0x22: {  	[simem:s7], [sflag:s8] =	dma.local @!p0 [hbm:s6], $0xF7A  }
0x23: {  	s9 =	sor.u32 $0xD0000000, s2;
	s6 =	simm.s32 $0x108;
	_ =	swait.ge @!p0 [sflag:s8], $0x0  }
0x24: {  	s3 =	sadd.s32 $0x88, s3;
	s6 =	simm.s32 @!p1 $0x1082;
	[sflag:s4] =	ssyncset.s32 $0xFFFFF086  }
0x25: {  	[simem:s6], [sflag:s4] =	dma.local [hbm:s3], $0xF7A  }
0x26: {  	[smem:$0x3F98] =	sst s1;
	(tag) =	ssettag s2;
	_ =	strace s9  }
0x27: {  	s1 =	sld [smem:$0x3FA8]  }
0x28: {  	s2 =	sld [smem:$0x3FA9]  }
0x29: {  	s4 =	sld [smem:$0x3FAB]  }
0x2a: {  	p0 =	seq.s32 s5, $0x0;
	s5 =	sld [smem:$0x3FAC]  }
0x2b: {  	s6 =	sld [smem:$0x3FAD]  }
0x2c: {  	s7 =	sld [smem:$0x3FAE]  }
0x2d: {  	s3 =	simm.s32 $0x108;
	s8 =	sld [smem:$0x3FAF]  }
0x2e: {  	s3 =	simm.s32 @!p0 $0x1082;
	s9 =	sld [smem:$0x3FB0]  }
0x2f: {  	lr =	sadd.s32 s0, s3;
	s0 =	sld [smem:$0x3FA7]  }
0x30: {  	s3 =	sld [smem:$0x3FAA]  }
0x31: {  	[smem:$0x3FB3] =	sst s10  }
0x32: {  	s10 =	sld [smem:$0x3FB1];
	_ =	sdelay $0x3  }
0x33: {  	p0 =	seq.s32 s10, $0x1;
	s10 =	sld [smem:$0x3FB3];
	_ =	sdelay $0x3  }
0x34: {  	[smem:$0x3FB3] =	sst s10  }
0x35: {  	s10 =	sld [smem:$0x3FB2];
	_ =	sdelay $0x3  }
0x36: {  	p1 =	seq.s32 s10, $0x1;
	s10 =	sld [smem:$0x3FB3];
	_ =	sdelay $0x3  }
0x37: {  	[smem:$0x3FB3] =	sst s10  }
0x38: {  	s10 =	sld [smem:$0x3FB4]  }
0x39: {  	_ = 	snop;
	(pc) =	sbr.ind lr, $3  }
0x3a: {  	_ = 	snop  }
0x3b: {  	_ = 	snop  }
0x3c: {  	p2 =	seq.s32 s10, $0x1;
	s10 =	sld [smem:$0x3FB3]  }
0x3d: {  	_ =	shalt  }
0x3e: {  	_ =	shalt  }
0x3f: {  	_ =	shalt  }
0x40: {  	_ =	shalt  }
0x41: {  	_ =	shalt  }
0x42: {  	_ =	shalt  }
0x43: {  	_ =	shalt  }
0x44: {  	_ =	shalt  }
0x45: {  	_ =	shalt  }
0x46: {  	_ =	shalt  }
0x47: {  	_ =	shalt  }
0x48: {  	_ =	shalt  }
0x49: {  	_ =	shalt  }
0x4a: {  	_ =	shalt  }
0x4b: {  	_ =	shalt  }
0x4c: {  	_ =	shalt  }
0x4d: {  	_ =	shalt  }
0x4e: {  	_ =	shalt  }
0x4f: {  	_ =	shalt  }
0x50: {  	_ =	shalt  }
0x51: {  	_ =	shalt  }
0x52: {  	_ =	shalt  }
0x53: {  	_ =	shalt  }
0x54: {  	_ =	shalt  }
0x55: {  	_ =	shalt  }
0x56: {  	_ =	shalt  }
0x57: {  	_ =	shalt  }
0x58: {  	_ =	shalt  }
0x59: {  	_ =	shalt  }
0x5a: {  	_ =	shalt  }
0x5b: {  	_ =	shalt  }
0x5c: {  	_ =	shalt  }
0x5d: {  	_ =	shalt  }
0x5e: {  	_ =	shalt  }
0x5f: {  	_ =	shalt  }
0x60: {  	_ =	shalt  }
0x61: {  	_ =	shalt  }
0x62: {  	_ =	shalt  }
0x63: {  	_ =	shalt  }
0x64: {  	_ =	shalt  }
0x65: {  	_ =	shalt  }
0x66: {  	_ =	shalt  }
0x67: {  	_ =	shalt  }
0x68: {  	_ =	shalt  }
0x69: {  	_ =	shalt  }
0x6a: {  	_ =	shalt  }
0x6b: {  	_ =	shalt  }
0x6c: {  	_ =	shalt  }
0x6d: {  	_ =	shalt  }
0x6e: {  	_ =	shalt  }
0x6f: {  	_ =	shalt  }
0x70: {  	_ =	shalt  }
0x71: {  	_ =	shalt  }
0x72: {  	_ =	shalt  }
0x73: {  	_ =	shalt  }
0x74: {  	_ =	shalt  }
0x75: {  	_ =	shalt  }
0x76: {  	_ =	shalt  }
0x77: {  	_ =	shalt  }
0x78: {  	_ =	shalt  }
0x79: {  	_ =	shalt  }
0x7a: {  	_ =	shalt  }
0x7b: {  	_ =	shalt  }
0x7c: {  	_ =	shalt  }
0x7d: {  	_ =	shalt  }
0x7e: {  	_ =	shalt  }
0x7f: {  	_ =	shalt  }
0x80: {  	_ =	shalt  }
0x81: {  	_ =	shalt  }
0x82: {  	_ =	shalt  }
0x83: {  	_ =	shalt  }
0x84: {  	_ =	shalt  }
0x85: {  	_ =	shalt  }
0x86: {  	_ =	shalt  }
0x87: {  	_ =	shalt  }
.Lfunc_end0:
.L_simem_size_0:
called_computation.1_lowered:
.L_overlay_start_0:
0x88: {  	s2 =	sld [smem:$0x3FD9]  }
0x89: {  	s3 =	sld [smem:$0x3FFE];
	_ =	sdelay $0x1  }
0x8a: {  	s1 =	srdreg.scid  }
0x8b: {  	s0 =	sand.u32 $0x1, s1  }
0x8c: {  	s17 =	sshll.u32 s0, $0xA;
	s2 =	sadd.s32 s3, s2  }
0x8d: {  	s2 =	sadd.s32 s2, s17  }
0x8e: {  	[smem:$0x3FBF] =	sst s2  }
0x8f: {  	_ = 	snop  }
0x90: {  	s2 =	sld [smem:$0x3FD0];
	(tm) =	ssettm $0x1  }
0x91: {  	s18 =	sld [smem:$0x3FFB];
	_ =	sdelay $0x3  }
0x92: {  	_ =	strace s18  }
0x93: {  	s3 =	sld [smem:$0x3FFC];
	_ =	sdelay $0x3  }
0x94: {  	_ =	strace s3  }
0x95: {  	s3 =	sld [smem:$0x3FFD];
	_ =	sdelay $0x3  }
0x96: {  	_ =	strace s3  }
0x97: {  	_ =	strace $0x8FFFFFFF  }
0x98: {  	s19 =	sld [smem:$0x3FDB];
	_ =	sdelay $0x1  }
0x99: {  	s4 =	simm.s32 $_scs_section_size  }
0x9a: {  	s5 =	simm.s32 $_size__tile_overlayer_lowered;
	s6 =	simm.s32 $_tile_overlayer_lowered  }
0x9b: {  	s22 =	simm.s32 $0x1BFF;
	s21 =	sshll.u32 s6, $0x1;
	s3 =	sadd.s32 s4, s19  }
0x9c: {  	s7 =	simm.s32 $0x0;
	s20 =	sshll.u32 s5, $0x1;
	s5 =	sadd.s32 s21, s3  }
0x9d: {  	[timem:s7], [sflag:s22] =	dma.local [hbm:s5], s20  }
0x9e: {  	_ =	swait.ge [sflag:s22], s20  }
0x9f: {  	s4 =	ssub.s32 $0x0, s20;
	[sflag:s22] =	ssyncset.done $0x0  }
0xa0: {  	[sflag:s22] =	ssyncadd.s32 s4;
	_ =	sdelay $0x1  }
0xa1: {  	s23 =	simm.s32 $0x1B8B  }
0xa2: {  	_ =	swait.ge [sflag:s23], $0x1  }
0xa3: {  	[sflag:s23] =	ssyncset.done $0x0  }
0xa4: {  	s25 =	simm.s32 $0x1B8E;
	s24 =	sld [smem:$0x3FFE];
	[sflag:s23] =	ssyncadd.s32 $0xFFFFFFFF  }
0xa5: {  	s26 =	simm.s32 $execute0_lowered;
	[smem:$0x3FD2] =	sst s25  }
0xa6: {  	s5 =	sshll.u32 s26, $0x1;
	_ =	strace $0x80000046;
	[dreg:$0x1] =	wrdreg $0xFFFFFFFF  }
0xa7: {  	s28 =	simm.s32 $_size_execute0_lowered;
	s3 =	sadd.s32 s3, s5;
	[dreg:$0x0] =	wrdreg $0x0  }
0xa8: {  	s5 =	sshll.u32 s28, $0x1;
	[dreg:$0x2] =	wrdreg s3  }
0xa9: {  	[dreg:$0x3] =	wrdreg s5  }
0xaa: {  	[dreg:$0x4] =	wrdreg $0xC0  }
0xab: {  	_ =	task [dreg:s7], $0x5FFFF  }
0xac: {  	[dreg:$0x1] =	wrdreg $0xFFFFFFFF  }
0xad: {  	[dreg:$0x0] =	wrdreg $0x60  }
0xae: {  	[dreg:$0x2] =	wrdreg s24  }
0xaf: {  	[dreg:$0x3] =	wrdreg s2  }
0xb0: {  	[dreg:$0x4] =	wrdreg $0xA8000  }
0xb1: {  	[dreg:$0x5] =	wrdreg $0xA  }
0xb2: {  	_ =	task.clear_ibuf [dreg:s7], $0x6FFFF;
	_ =	strace $0x90000046  }
0xb3: {  	s29 =	simm.s32 $0xA;
	_ =	strace $0x80000048  }
0xb4: {  	_ =	swait.ge [sflag:s29], $0x1  }
0xb5: {  	[sflag:s29] =	ssyncadd.s32 $0xFFFFFFFF  }
0xb6: {  	_ =	strace $0x90000048  }
0xb7: {  	_ =	sfence  }
0xb8: {  	s30 =	sld [smem:$0x0];
	_ =	sdelay $0x2  }
0xb9: {  	s31 =	sshll.u32 s1, $0xD;
	s1 =	sshrl.u32 s1, $0x2  }
0xba: {  	s3 =	sand.u32 $0x4000, s31;
	s1 =	sadd.s32 s1, s30  }
0xbb: {  	s0 =	sor.u32 s3, s0;
	s1 =	sshll.u32 s1, $0x11  }
0xbc: {  	s0 =	sor.u32 s1, s0  }
0xbd: {  	s0 =	sadd.s32 $0x8F2B, s0  }
0xbe: {  	[sflag:s0] =	ssyncadd.remote.s32 $0x1  }
0xbf: {  	_ =	sfence.sel $0xFFFF  }
0xc0: {  	[dreg:$0x0] =	wrdreg $0xFFFFFFFF;
	(pc) =	sbr.abs _section_cstart, $3  }
0xc1: {  	[dreg:$0x1] =	wrdreg $0xFFFFFFFF  }
0xc2: {  	_ =	task.clear_ibuf [dreg:s7], $0x2FFFF;
	_ =	strace $0x9FFFFFFF  }
0xc3: {  	(tm) =	ssettm $0x7FFFFFFF  }
tec
execute0_lowered:
.L_overlay_start_1:
0x0: {  	(tag) =	ssettag $0x1  }
0x1: {  	s6 =	rddreg [dreg:$0x0]  }
0x2: {  	s10 =	rddreg [dreg:$0x1]  }
0x3: {  	s1 =	rddreg [dreg:$0x2];
	s2 =	srdreg.scid  }
0x4: {  	s0 =	rddreg [dreg:$0x3];
	s3 =	simm.s32 $0x0;
	s16 =	simm.s32 $0x80  }
0x5: {  	s17 =	simm.s32 $0x2800;
	s18 =	simm.s32 $0x1;
	s19 =	simm.s32 $0x6800  }
0x6: {  	s20 =	simm.s32 $0x2;
	s21 =	simm.s32 $0x1480;
	s22 =	simm.s32 $0x3  }
0x7: {  	s23 =	simm.s32 $0x100;
	s7 =	sand.u32 $0x1, s2;
	s2 =	stileid.u32  }
0x8: {  	s24 =	simm.s32 $0x4;
	[smem:$0x7FF] =	sst s3;
	s5 =	smul.u32 $0x140000, s7  }
0x9: {  	s4 =	sadd.s32 $0xD600, s6;
	s9 =	sadd.s32 $0x3600, s6;
	s8 =	smul.u32 $0x14000, s2  }
0xa: {  	_ =	strace $0x80000047;
	s11 =	sshll.u32 s2, $0x1;
	s12 =	ssub.s32 $0x2, s7  }
0xb: {  	s25 =	smul.u32 $0x50000, s2;
	s31 =	sshll.u32 s2, $0x6;
	s7 =	sor.u32 s7, s11  }
0xc: {  	s26 =	sshrl.u32 s12, $0x1;
	s8 =	sadd.s32 s8, s5;
	s5 =	sadd.s32 $0x35600, s6  }
0xd: {  	s28 =	smul.u32 $0x2800, s7;
	s12 =	ssub.s32 s12, s26;
	s29 =	sshrl.u32 s25, $0x2  }
0xe: {  	s30 =	smul.u32 $0x500, s7;
	s25 =	simm.s32 $0x0;
	s8 =	sshrl.u32 s8, $0x3  }
.Ltmp0:
0xf: {  	s14 =	sadd.s32 s29, s1;
	s12 =	smax.u32 s12, $0x1;
	(pc) =	sbr.rel .LBB2_1-.Ltmp0, $4  }
0x10: {  	s13 =	sadd.s32 s8, s6;
	s8 =	sshrl.u32 s28, $0x3;
	s6 =	sor.u32 $0x1C05, s31  }
0x11: {  	s7 =	sadd.s32 s9, s30;
	s15 =	sadd.s32 $0x280, s8;
	s8 =	sadd.s32 s10, s30  }
0x12: {  	s11 =	sadd.s32 $0x37E00, s13;
	s13 =	sshrl.u32 s14, $0x3;
	s14 =	simm.s32 $0x5  }
0x13: {  	s9 =	sadd.s32 s9, s15;
	s10 =	sadd.s32 s10, s15;
	s15 =	simm.s32 $0x1400  }
.LBB2_7:
0x14: {  	_ =	swait.ge [sflag:s24], $0x4000  }
0x15: {  	s25 =	sadd.s32 $0x1, s25;
	[sflag:s24] =	ssyncset.done $0x0  }
0x16: {  	p0 =	sne.s32 s25, s12;
	[sflag:s24] =	ssyncadd.s32 $0xFFFFC000  }
.Ltmp1:
0x17: {  	[bflag:$0x0] =	sbarrier.arrive $0xFFFF;
	(pc) =	sbr.rel @!p0 .LBB2_8-.Ltmp1, $4  }
0x18: {  	[hbm:s11], [sflag:s6] =	dma.local [spmem:s13], $0x2800  }
0x19: {  	_ =	swait.ge [sflag:s14], $0x2800  }
0x1a: {  	[sflag:s14] =	ssyncset.done $0x0  }
0x1b: {  	[sflag:s14] =	ssyncadd.s32 $0xFFFFD800  }
.LBB2_1:
0x1c: {  	[spmem:s13], [sflag:s6] =	dma.local [hbm:s5], $0x2800  }
0x1d: {  	_ =	swait.ge [sflag:s14], $0x2800  }
0x1e: {  	[sflag:s14] =	ssyncset.done $0x0  }
0x1f: {  	[sflag:s14] =	ssyncadd.s32 $0xFFFFD800  }
0x20: {  	[bflag:$0x0] =	sbarrier.arrive $0xFFFF  }
0x21: {  	[tilespmem:s3], [sflag:$0x5] =	stream.linear.gather [hbm4b:s7+s3], $0x1400, $0x38;
	[tilespmem:$0x1E800] =	vst v63  }
0x22: {  	_ =	swait.ge [sflag:s14], $0x1400  }
0x23: {  	[sflag:s14] =	ssyncset.done $0x0  }
0x24: {  	[sflag:s14] =	ssyncadd.s32 $0xFFFFEC00  }
0x25: {  	[tilespmem:s15], [sflag:$0x5] =	stream.linear.gather [hbm4b:s8+s3], $0x1400, $0x38;
	[tilespmem:$0x1E800] =	vst v63  }
0x26: {  	_ =	swait.ge [sflag:s14], $0x1400  }
0x27: {  	[sflag:s14] =	ssyncset.done $0x0  }
0x28: {  	[sflag:s14] =	ssyncadd.s32 $0xFFFFEC00  }
0x29: {  	[tilespmem:s17], [sflag:$0x1] =	stream.indirect.gather [hbm4b:s4+s16], $0x80, s3, s16, $0xb8;
	[tilespmem:$0x1E800] =	vst v63  }
0x2a: {  	_ =	swait.ge [sflag:s18], $0x4000  }
0x2b: {  	[sflag:s18] =	ssyncset.done $0x0  }
0x2c: {  	[sflag:s18] =	ssyncadd.s32 $0xFFFFC000  }
0x2d: {  	[spmem:s1] =	stream.indirect.scatter.add.f32 [tilespmem:s17], [sflag:$0x3], $0x80, s15, s16, $0xb8;
	[tilespmem:$0x1E800] =	vst v63  }
0x2e: {  	_ = 	snop  }
0x2f: {  	[tilespmem:s19], [sflag:$0x2] =	stream.indirect.gather [hbm4b:s4+s16], $0x80, s16, s16, $0xb8;
	[tilespmem:$0x1E800] =	vst v63  }
0x30: {  	_ =	swait.ge [sflag:s20], $0x4000  }
0x31: {  	[sflag:s20] =	ssyncset.done $0x0  }
0x32: {  	[sflag:s20] =	ssyncadd.s32 $0xFFFFC000  }
0x33: {  	[spmem:s1] =	stream.indirect.scatter.add.f32 [tilespmem:s19], [sflag:$0x4], $0x80, s21, s16, $0xb8;
	[tilespmem:$0x1E800] =	vst v63  }
0x34: {  	_ =	swait.ge [sflag:s22], $0x4000  }
0x35: {  	[sflag:s22] =	ssyncset.done $0x0  }
0x36: {  	s26 =	simm.s32 $0xFFFFB800;
	[sflag:s22] =	ssyncadd.s32 $0xFFFFC000  }
0x37: {  	[tilespmem:s17], [sflag:$0x1] =	stream.indirect.gather [hbm4b:s4+s16], $0x80, s23, s16, $0xb8;
	[tilespmem:$0x1E800] =	vst v63  }
.LBB2_2:
0x38: {  	_ =	swait.ge [sflag:s18], $0x4000  }
0x39: {  	s28 =	sshra.s32 s26, $0x2;
	[sflag:s18] =	ssyncset.done $0x0  }
0x3a: {  	s29 =	sadd.s32 $0x2700, s28;
	[sflag:s18] =	ssyncadd.s32 $0xFFFFC000  }
0x3b: {  	[spmem:s1] =	stream.indirect.scatter.add.f32 [tilespmem:s17], [sflag:$0x3], $0x80, s29, s16, $0xb8;
	[tilespmem:$0x1E800] =	vst v63  }
0x3c: {  	_ =	swait.ge [sflag:s24], $0x4000  }
0x3d: {  	[sflag:s24] =	ssyncset.done $0x0  }
0x3e: {  	s30 =	sadd.s32 $0x1380, s28;
	[sflag:s24] =	ssyncadd.s32 $0xFFFFC000  }
0x3f: {  	[tilespmem:s19], [sflag:$0x2] =	stream.indirect.gather [hbm4b:s4+s16], $0x80, s30, s16, $0xb8;
	[tilespmem:$0x1E800] =	vst v63  }
0x40: {  	_ =	swait.ge [sflag:s20], $0x4000  }
0x41: {  	p0 =	seq.s32 s26, $0x0;
	[sflag:s20] =	ssyncset.done $0x0  }
.Ltmp2:
0x42: {  	s31 =	sadd.s32 $0x2780, s28;
	[sflag:s20] =	ssyncadd.s32 $0xFFFFC000;
	(pc) =	sbr.rel @p0 .LBB2_4-.Ltmp2, $4  }
0x43: {  	[spmem:s1] =	stream.indirect.scatter.add.f32 [tilespmem:s19], [sflag:$0x4], $0x80, s31, s16, $0xb8;
	[tilespmem:$0x1E800] =	vst v63  }
0x44: {  	_ =	swait.ge [sflag:s22], $0x4000  }
0x45: {  	[sflag:s22] =	ssyncset.done $0x0  }
0x46: {  	[sflag:s22] =	ssyncadd.s32 $0xFFFFC000  }
.Ltmp3:
0x47: {  	(pc) =	sbr.rel .LBB2_2-.Ltmp3, $3  }
0x48: {  	_ =	sdelay $0x1  }
0x49: {  	s28 =	sadd.s32 $0x1400, s28;
	s26 =	sadd.s32 $0x400, s26  }
0x4a: {  	[tilespmem:s17], [sflag:$0x1] =	stream.indirect.gather [hbm4b:s4+s16], $0x80, s28, s16, $0xb8;
	[tilespmem:$0x1E800] =	vst v63  }
.LBB2_4:
0x4b: {  	_ =	swait.ge [sflag:s24], $0x4000  }
0x4c: {  	[sflag:s24] =	ssyncset.done $0x0  }
0x4d: {  	[sflag:s24] =	ssyncadd.s32 $0xFFFFC000  }
0x4e: {  	[tilespmem:s3], [sflag:$0x5] =	stream.linear.gather [hbm4b:s9+s3], $0x1400, $0x38;
	[tilespmem:$0x1E800] =	vst v63  }
0x4f: {  	_ =	swait.ge [sflag:s14], $0x1400  }
0x50: {  	[sflag:s14] =	ssyncset.done $0x0  }
0x51: {  	[sflag:s14] =	ssyncadd.s32 $0xFFFFEC00  }
0x52: {  	[tilespmem:s15], [sflag:$0x5] =	stream.linear.gather [hbm4b:s10+s3], $0x1400, $0x38;
	[tilespmem:$0x1E800] =	vst v63  }
0x53: {  	_ =	swait.ge [sflag:s14], $0x1400  }
0x54: {  	[sflag:s14] =	ssyncset.done $0x0  }
0x55: {  	[sflag:s14] =	ssyncadd.s32 $0xFFFFEC00  }
0x56: {  	[tilespmem:s17], [sflag:$0x1] =	stream.indirect.gather [hbm4b:s4+s16], $0x80, s3, s16, $0xb8;
	[tilespmem:$0x1E800] =	vst v63  }
0x57: {  	_ =	swait.ge [sflag:s18], $0x4000  }
0x58: {  	[sflag:s18] =	ssyncset.done $0x0  }
0x59: {  	[sflag:s18] =	ssyncadd.s32 $0xFFFFC000  }
0x5a: {  	[spmem:s1] =	stream.indirect.scatter.add.f32 [tilespmem:s17], [sflag:$0x3], $0x80, s15, s16, $0xb8;
	[tilespmem:$0x1E800] =	vst v63  }
0x5b: {  	_ = 	snop  }
0x5c: {  	[tilespmem:s19], [sflag:$0x2] =	stream.indirect.gather [hbm4b:s4+s16], $0x80, s16, s16, $0xb8;
	[tilespmem:$0x1E800] =	vst v63  }
0x5d: {  	_ =	swait.ge [sflag:s20], $0x4000  }
0x5e: {  	[sflag:s20] =	ssyncset.done $0x0  }
0x5f: {  	[sflag:s20] =	ssyncadd.s32 $0xFFFFC000  }
0x60: {  	[spmem:s1] =	stream.indirect.scatter.add.f32 [tilespmem:s19], [sflag:$0x4], $0x80, s21, s16, $0xb8;
	[tilespmem:$0x1E800] =	vst v63  }
0x61: {  	_ =	swait.ge [sflag:s22], $0x4000  }
0x62: {  	[sflag:s22] =	ssyncset.done $0x0  }
0x63: {  	s26 =	simm.s32 $0xFFFFB800;
	[sflag:s22] =	ssyncadd.s32 $0xFFFFC000  }
0x64: {  	[tilespmem:s17], [sflag:$0x1] =	stream.indirect.gather [hbm4b:s4+s16], $0x80, s23, s16, $0xb8;
	[tilespmem:$0x1E800] =	vst v63  }
.LBB2_5:
0x65: {  	_ =	swait.ge [sflag:s18], $0x4000  }
0x66: {  	s28 =	sshra.s32 s26, $0x2;
	[sflag:s18] =	ssyncset.done $0x0  }
0x67: {  	s29 =	sadd.s32 $0x2700, s28;
	[sflag:s18] =	ssyncadd.s32 $0xFFFFC000  }
0x68: {  	[spmem:s1] =	stream.indirect.scatter.add.f32 [tilespmem:s17], [sflag:$0x3], $0x80, s29, s16, $0xb8;
	[tilespmem:$0x1E800] =	vst v63  }
0x69: {  	_ =	swait.ge [sflag:s24], $0x4000  }
0x6a: {  	[sflag:s24] =	ssyncset.done $0x0  }
0x6b: {  	s30 =	sadd.s32 $0x1380, s28;
	[sflag:s24] =	ssyncadd.s32 $0xFFFFC000  }
0x6c: {  	[tilespmem:s19], [sflag:$0x2] =	stream.indirect.gather [hbm4b:s4+s16], $0x80, s30, s16, $0xb8;
	[tilespmem:$0x1E800] =	vst v63  }
0x6d: {  	_ =	swait.ge [sflag:s20], $0x4000  }
0x6e: {  	p0 =	seq.s32 s26, $0x0;
	[sflag:s20] =	ssyncset.done $0x0  }
.Ltmp4:
0x6f: {  	s31 =	sadd.s32 $0x2780, s28;
	[sflag:s20] =	ssyncadd.s32 $0xFFFFC000;
	(pc) =	sbr.rel @p0 .LBB2_7-.Ltmp4, $4  }
0x70: {  	[spmem:s1] =	stream.indirect.scatter.add.f32 [tilespmem:s19], [sflag:$0x4], $0x80, s31, s16, $0xb8;
	[tilespmem:$0x1E800] =	vst v63  }
0x71: {  	_ =	swait.ge [sflag:s22], $0x4000  }
0x72: {  	[sflag:s22] =	ssyncset.done $0x0  }
0x73: {  	[sflag:s22] =	ssyncadd.s32 $0xFFFFC000  }
.Ltmp5:
0x74: {  	(pc) =	sbr.rel .LBB2_5-.Ltmp5, $3  }
0x75: {  	_ =	sdelay $0x1  }
0x76: {  	s28 =	sadd.s32 $0x1400, s28;
	s26 =	sadd.s32 $0x400, s26  }
0x77: {  	[tilespmem:s17], [sflag:$0x1] =	stream.indirect.gather [hbm4b:s4+s16], $0x80, s28, s16, $0xb8;
	[tilespmem:$0x1E800] =	vst v63  }
.LBB2_8:
0x78: {  	_ =	sfence.sel $0x180000  }
0x79: {  	[bflag:$0x0] =	sbarrier.arrive $0xFFFF  }
0x7a: {  	p0 =	sne.s32 s2, $0x0;
	_ =	strace $0x90000047  }
0x7b: {  	s0 =	sadd.s32 @!p0 $0x100000, s0;
	[bflag:$0x2] =	sbarrier.arrive $0xFFFF  }
0x7c: {  	[sflag:s0] =	ssyncadd.tile.s32 @!p0 $0x1;
	_ =	shalt  }
.Lfunc_end2:
_tile_overlayer_lowered:
.L_overlay_start_2:
0x7d: {  	(tag) =	ssettag $0x2  }
0x7e: {  	s0 =	rddreg [dreg:$0x0];
	s2 =	stileid.u32  }
0x7f: {  	s1 =	rddreg [dreg:$0x1];
	p0 =	sne.s32 s2, $0x0  }
0x80: {  	s3 =	rddreg [dreg:$0x2];
	[bflag:$0x3] =	sbarrier.arrive $0xFFFF;
	s2 =	simm.s32 @!p0 $0x1C05  }
0x81: {  	[timem:s3], [sflag:s2] =	dma.local @!p0 [hbm:s0], s1  }
0x82: {  	s0 =	simm.s32 @!p0 $0x5  }
0x83: {  	_ =	swait.ge @!p0 [sflag:s0], s1  }
0x84: {  	s1 =	ssub.s32 @!p0 $0x0, s1;
	[sflag:s0] =	ssyncset.done @!p0 $0x0  }
0x85: {  	[sflag:s0] =	ssyncadd.s32 @!p0 s1  }
0x86: {  	[bflag:$0x3] =	sbarrier.arrive $0xFFFF  }
0x87: {  	_ =	shalt  }

// kernel: kernel.16.cloned.1.call-start
scs
__scs_entry_jumppad:
0x0: {  	(pc) =	sbr.rel $0x88, $3  }
0x1: {  	(tag) =	ssettag $0x0;
	lr =	simm.s32 $0x1  }
0x2: {  	[smem:$0x3F98] =	sst lr;
	_ =	strace $0xD0000000  }
0x3: {  	_ = 	snop  }
0x4: {  	_ = 	snop  }
0x5: {  	_ = 	snop  }
0x6: {  	_ = 	snop  }
0x7: {  	_ = 	snop  }
__scs_overlays_trampoline_lowered:
0x8: {  	[smem:$0x3FA7] =	sst s0  }
0x9: {  	[smem:$0x3FA8] =	sst s1  }
0xa: {  	[smem:$0x3FA9] =	sst s2  }
0xb: {  	[smem:$0x3FAA] =	sst s3  }
0xc: {  	[smem:$0x3FAB] =	sst s4  }
0xd: {  	[smem:$0x3FAC] =	sst s5  }
0xe: {  	[smem:$0x3FAD] =	sst s6  }
0xf: {  	[smem:$0x3FAE] =	sst s7  }
0x10: {  	[smem:$0x3FAF] =	sst s8  }
0x11: {  	[smem:$0x3FB0] =	sst s9;
	s0 =	simm.s32 @!p0 $0x0  }
0x12: {  	s1 =	sld [smem:$0x3F96];
	s0 =	simm.s32 @p0 $0x1  }
0x13: {  	[smem:$0x3FB1] =	sst s0;
	s0 =	simm.s32 @!p1 $0x0  }
0x14: {  	s2 =	sld [smem:$0x3F95];
	s0 =	simm.s32 @p1 $0x1  }
0x15: {  	[smem:$0x3FB2] =	sst s0;
	s0 =	simm.s32 @!p2 $0x0  }
0x16: {  	s3 =	sld [smem:$0x3FDB];
	s0 =	simm.s32 @p2 $0x1  }
0x17: {  	s4 =	simm.s32 $0x1BF5;
	[smem:$0x3FB4] =	sst s0  }
0x18: {  	s0 =	sld [smem:$0x3F97];
	_ =	swait.ge [sflag:s4], $0x0  }
0x19: {  	s7 =	sld [smem:$0x3F98]  }
0x1a: {  	s8 =	sadd.s32 $0xFFFFE003, lr  }
0x1b: {  	s9 =	sadd.s32 $0xFFFFFEF7, lr;
	s5 =	simm.s32 $0xFFFFFFFF;
	p2 =	slt.u32 s8, $0xFFFFF086  }
0x1c: {  	p1 =	slt.u32 s9, $0xF7A;
	s5 =	simm.s32 @!p2 $0x0  }
0x1d: {  	s5 =	simm.s32 @p1 $0x1;
	p0 =	seq.s32 s7, s2  }
0x1e: {  	s7 =	smul.u32 @!p0 $0xF7A, s2;
	p2 =	seq.s32 @!p0 s5, $0x0  }
0x1f: {  	s9 =	smul.u32 $0xF7A, s1;
	s8 =	simm.s32 @!p0 $0x1BF5;
	p2 =	por !p2, p0  }
0x20: {  	[sflag:s8] =	ssyncset.s32 @!p0 $0xFFFFF086;
	s6 =	sadd.s32 @!p0 s3, s7;
	s7 =	simm.s32 @!p0 $0x108  }
0x21: {  	s3 =	sadd.s32 s3, s9;
	s6 =	sadd.s32 @!p0 $0x88, s6;
	s7 =	simm.s32 @p2 $0x1082  }
0x22: {  	[simem:s7], [sflag:s8] =	dma.local @!p0 [hbm:s6], $0xF7A  }
0x23: {  	s9 =	sor.u32 $0xD0000000, s2;
	s6 =	simm.s32 $0x108;
	_ =	swait.ge @!p0 [sflag:s8], $0x0  }
0x24: {  	s3 =	sadd.s32 $0x88, s3;
	s6 =	simm.s32 @!p1 $0x1082;
	[sflag:s4] =	ssyncset.s32 $0xFFFFF086  }
0x25: {  	[simem:s6], [sflag:s4] =	dma.local [hbm:s3], $0xF7A  }
0x26: {  	[smem:$0x3F98] =	sst s1;
	(tag) =	ssettag s2;
	_ =	strace s9  }
0x27: {  	s1 =	sld [smem:$0x3FA8]  }
0x28: {  	s2 =	sld [smem:$0x3FA9]  }
0x29: {  	s4 =	sld [smem:$0x3FAB]  }
0x2a: {  	p0 =	seq.s32 s5, $0x0;
	s5 =	sld [smem:$0x3FAC]  }
0x2b: {  	s6 =	sld [smem:$0x3FAD]  }
0x2c: {  	s7 =	sld [smem:$0x3FAE]  }
0x2d: {  	s3 =	simm.s32 $0x108;
	s8 =	sld [smem:$0x3FAF]  }
0x2e: {  	s3 =	simm.s32 @!p0 $0x1082;
	s9 =	sld [smem:$0x3FB0]  }
0x2f: {  	lr =	sadd.s32 s0, s3;
	s0 =	sld [smem:$0x3FA7]  }
0x30: {  	s3 =	sld [smem:$0x3FAA]  }
0x31: {  	[smem:$0x3FB3] =	sst s10  }
0x32: {  	s10 =	sld [smem:$0x3FB1];
	_ =	sdelay $0x3  }
0x33: {  	p0 =	seq.s32 s10, $0x1;
	s10 =	sld [smem:$0x3FB3];
	_ =	sdelay $0x3  }
0x34: {  	[smem:$0x3FB3] =	sst s10  }
0x35: {  	s10 =	sld [smem:$0x3FB2];
	_ =	sdelay $0x3  }
0x36: {  	p1 =	seq.s32 s10, $0x1;
	s10 =	sld [smem:$0x3FB3];
	_ =	sdelay $0x3  }
0x37: {  	[smem:$0x3FB3] =	sst s10  }
0x38: {  	s10 =	sld [smem:$0x3FB4]  }
0x39: {  	_ = 	snop;
	(pc) =	sbr.ind lr, $3  }
0x3a: {  	_ = 	snop  }
0x3b: {  	_ = 	snop  }
0x3c: {  	p2 =	seq.s32 s10, $0x1;
	s10 =	sld [smem:$0x3FB3]  }
0x3d: {  	_ =	shalt  }
0x3e: {  	_ =	shalt  }
0x3f: {  	_ =	shalt  }
0x40: {  	_ =	shalt  }
0x41: {  	_ =	shalt  }
0x42: {  	_ =	shalt  }
0x43: {  	_ =	shalt  }
0x44: {  	_ =	shalt  }
0x45: {  	_ =	shalt  }
0x46: {  	_ =	shalt  }
0x47: {  	_ =	shalt  }
0x48: {  	_ =	shalt  }
0x49: {  	_ =	shalt  }
0x4a: {  	_ =	shalt  }
0x4b: {  	_ =	shalt  }
0x4c: {  	_ =	shalt  }
0x4d: {  	_ =	shalt  }
0x4e: {  	_ =	shalt  }
0x4f: {  	_ =	shalt  }
0x50: {  	_ =	shalt  }
0x51: {  	_ =	shalt  }
0x52: {  	_ =	shalt  }
0x53: {  	_ =	shalt  }
0x54: {  	_ =	shalt  }
0x55: {  	_ =	shalt  }
0x56: {  	_ =	shalt  }
0x57: {  	_ =	shalt  }
0x58: {  	_ =	shalt  }
0x59: {  	_ =	shalt  }
0x5a: {  	_ =	shalt  }
0x5b: {  	_ =	shalt  }
0x5c: {  	_ =	shalt  }
0x5d: {  	_ =	shalt  }
0x5e: {  	_ =	shalt  }
0x5f: {  	_ =	shalt  }
0x60: {  	_ =	shalt  }
0x61: {  	_ =	shalt  }
0x62: {  	_ =	shalt  }
0x63: {  	_ =	shalt  }
0x64: {  	_ =	shalt  }
0x65: {  	_ =	shalt  }
0x66: {  	_ =	shalt  }
0x67: {  	_ =	shalt  }
0x68: {  	_ =	shalt  }
0x69: {  	_ =	shalt  }
0x6a: {  	_ =	shalt  }
0x6b: {  	_ =	shalt  }
0x6c: {  	_ =	shalt  }
0x6d: {  	_ =	shalt  }
0x6e: {  	_ =	shalt  }
0x6f: {  	_ =	shalt  }
0x70: {  	_ =	shalt  }
0x71: {  	_ =	shalt  }
0x72: {  	_ =	shalt  }
0x73: {  	_ =	shalt  }
0x74: {  	_ =	shalt  }
0x75: {  	_ =	shalt  }
0x76: {  	_ =	shalt  }
0x77: {  	_ =	shalt  }
0x78: {  	_ =	shalt  }
0x79: {  	_ =	shalt  }
0x7a: {  	_ =	shalt  }
0x7b: {  	_ =	shalt  }
0x7c: {  	_ =	shalt  }
0x7d: {  	_ =	shalt  }
0x7e: {  	_ =	shalt  }
0x7f: {  	_ =	shalt  }
0x80: {  	_ =	shalt  }
0x81: {  	_ =	shalt  }
0x82: {  	_ =	shalt  }
0x83: {  	_ =	shalt  }
0x84: {  	_ =	shalt  }
0x85: {  	_ =	shalt  }
0x86: {  	_ =	shalt  }
0x87: {  	_ =	shalt  }
.Lfunc_end0:
.L_simem_size_0:
called_computation.2_lowered:
.L_overlay_start_0:
0x88: {  	s2 =	sld [smem:$0x3FD9]  }
0x89: {  	s3 =	sld [smem:$0x3FFE];
	_ =	sdelay $0x1  }
0x8a: {  	s1 =	srdreg.scid  }
0x8b: {  	s0 =	sand.u32 $0x1, s1  }
0x8c: {  	s17 =	sshll.u32 s0, $0xA;
	s2 =	sadd.s32 s3, s2  }
0x8d: {  	s2 =	sadd.s32 s2, s17  }
0x8e: {  	[smem:$0x3FBF] =	sst s2  }
0x8f: {  	_ = 	snop  }
0x90: {  	s2 =	sld [smem:$0x3FD0];
	(tm) =	ssettm $0x1  }
0x91: {  	s18 =	sld [smem:$0x3FFB];
	_ =	sdelay $0x3  }
0x92: {  	_ =	strace s18  }
0x93: {  	s3 =	sld [smem:$0x3FFC];
	_ =	sdelay $0x3  }
0x94: {  	_ =	strace s3  }
0x95: {  	s3 =	sld [smem:$0x3FFD];
	_ =	sdelay $0x3  }
0x96: {  	_ =	strace s3  }
0x97: {  	_ =	strace $0x8FFFFFFF  }
0x98: {  	s19 =	sld [smem:$0x3FDB];
	_ =	sdelay $0x1  }
0x99: {  	s4 =	simm.s32 $_scs_section_size  }
0x9a: {  	s5 =	simm.s32 $_size__tile_overlayer_lowered;
	s6 =	simm.s32 $_tile_overlayer_lowered  }
0x9b: {  	s22 =	simm.s32 $0x1BFF;
	s21 =	sshll.u32 s6, $0x1;
	s3 =	sadd.s32 s4, s19  }
0x9c: {  	s7 =	simm.s32 $0x0;
	s20 =	sshll.u32 s5, $0x1;
	s5 =	sadd.s32 s21, s3  }
0x9d: {  	[timem:s7], [sflag:s22] =	dma.local [hbm:s5], s20  }
0x9e: {  	_ =	swait.ge [sflag:s22], s20  }
0x9f: {  	s4 =	ssub.s32 $0x0, s20;
	[sflag:s22] =	ssyncset.done $0x0  }
0xa0: {  	[sflag:s22] =	ssyncadd.s32 s4;
	_ =	sdelay $0x1  }
0xa1: {  	s23 =	simm.s32 $0x1B8B  }
0xa2: {  	_ =	swait.ge [sflag:s23], $0x1  }
0xa3: {  	[sflag:s23] =	ssyncset.done $0x0  }
0xa4: {  	s25 =	simm.s32 $0x1B8E;
	s24 =	sld [smem:$0x3FFE];
	[sflag:s23] =	ssyncadd.s32 $0xFFFFFFFF  }
0xa5: {  	s26 =	simm.s32 $execute0_lowered;
	[smem:$0x3FD2] =	sst s25  }
0xa6: {  	s5 =	sshll.u32 s26, $0x1;
	_ =	strace $0x8000004C;
	[dreg:$0x1] =	wrdreg $0xFFFFFFFF  }
0xa7: {  	s28 =	simm.s32 $_size_execute0_lowered;
	s3 =	sadd.s32 s3, s5;
	[dreg:$0x0] =	wrdreg $0x0  }
0xa8: {  	s5 =	sshll.u32 s28, $0x1;
	[dreg:$0x2] =	wrdreg s3  }
0xa9: {  	[dreg:$0x3] =	wrdreg s5  }
0xaa: {  	[dreg:$0x4] =	wrdreg $0xC0  }
0xab: {  	_ =	task [dreg:s7], $0x5FFFF  }
0xac: {  	[dreg:$0x1] =	wrdreg $0xFFFFFFFF  }
0xad: {  	[dreg:$0x0] =	wrdreg $0x60  }
0xae: {  	[dreg:$0x2] =	wrdreg s24  }
0xaf: {  	[dreg:$0x3] =	wrdreg s2  }
0xb0: {  	[dreg:$0x4] =	wrdreg $0xA8000  }
0xb1: {  	[dreg:$0x5] =	wrdreg $0x9  }
0xb2: {  	_ =	task.clear_ibuf [dreg:s7], $0x6FFFF;
	_ =	strace $0x9000004C  }
0xb3: {  	s29 =	simm.s32 $0x9;
	_ =	strace $0x8000004E  }
0xb4: {  	_ =	swait.ge [sflag:s29], $0x1  }
0xb5: {  	[sflag:s29] =	ssyncadd.s32 $0xFFFFFFFF  }
0xb6: {  	_ =	strace $0x9000004E  }
0xb7: {  	_ =	sfence  }
0xb8: {  	s30 =	sld [smem:$0x0];
	_ =	sdelay $0x2  }
0xb9: {  	s31 =	sshll.u32 s1, $0xD;
	s1 =	sshrl.u32 s1, $0x2  }
0xba: {  	s3 =	sand.u32 $0x4000, s31;
	s1 =	sadd.s32 s1, s30  }
0xbb: {  	s0 =	sor.u32 s3, s0;
	s1 =	sshll.u32 s1, $0x11  }
0xbc: {  	s0 =	sor.u32 s1, s0  }
0xbd: {  	s0 =	sadd.s32 $0x8F2B, s0  }
0xbe: {  	[sflag:s0] =	ssyncadd.remote.s32 $0x1  }
0xbf: {  	_ =	sfence.sel $0xFFFF  }
0xc0: {  	[dreg:$0x0] =	wrdreg $0xFFFFFFFF;
	(pc) =	sbr.abs _section_cstart, $3  }
0xc1: {  	[dreg:$0x1] =	wrdreg $0xFFFFFFFF  }
0xc2: {  	_ =	task.clear_ibuf [dreg:s7], $0x2FFFF;
	_ =	strace $0x9FFFFFFF  }
0xc3: {  	(tm) =	ssettm $0x7FFFFFFF  }
tec
execute0_lowered:
.L_overlay_start_1:
0x0: {  	(tag) =	ssettag $0x1  }
0x1: {  	s6 =	rddreg [dreg:$0x0]  }
0x2: {  	s10 =	rddreg [dreg:$0x1]  }
0x3: {  	s1 =	rddreg [dreg:$0x2];
	s2 =	srdreg.scid  }
0x4: {  	s0 =	rddreg [dreg:$0x3];
	s3 =	simm.s32 $0x0;
	s16 =	simm.s32 $0x80  }
0x5: {  	s17 =	simm.s32 $0x2800;
	s18 =	simm.s32 $0x1;
	s19 =	simm.s32 $0x6800  }
0x6: {  	s20 =	simm.s32 $0x2;
	s21 =	simm.s32 $0x1480;
	s22 =	simm.s32 $0x3  }
0x7: {  	s23 =	simm.s32 $0x100;
	s7 =	sand.u32 $0x1, s2;
	s2 =	stileid.u32  }
0x8: {  	s24 =	simm.s32 $0x4;
	[smem:$0x7FF] =	sst s3;
	s5 =	smul.u32 $0x140000, s7  }
0x9: {  	s4 =	sadd.s32 $0xD600, s6;
	s9 =	sadd.s32 $0x3600, s6;
	s8 =	smul.u32 $0x14000, s2  }
0xa: {  	_ =	strace $0x8000004D;
	s11 =	sshll.u32 s2, $0x1;
	s12 =	ssub.s32 $0x2, s7  }
0xb: {  	s25 =	smul.u32 $0x50000, s2;
	s31 =	sshll.u32 s2, $0x6;
	s7 =	sor.u32 s7, s11  }
0xc: {  	s26 =	sshrl.u32 s12, $0x1;
	s8 =	sadd.s32 s8, s5;
	s5 =	sadd.s32 $0x35600, s6  }
0xd: {  	s28 =	smul.u32 $0x2800, s7;
	s12 =	ssub.s32 s12, s26;
	s29 =	sshrl.u32 s25, $0x2  }
0xe: {  	s30 =	smul.u32 $0x500, s7;
	s25 =	simm.s32 $0x0;
	s8 =	sshrl.u32 s8, $0x3  }
.Ltmp0:
0xf: {  	s14 =	sadd.s32 s29, s1;
	s12 =	smax.u32 s12, $0x1;
	(pc) =	sbr.rel .LBB2_1-.Ltmp0, $4  }
0x10: {  	s13 =	sadd.s32 s8, s6;
	s8 =	sshrl.u32 s28, $0x3;
	s6 =	sor.u32 $0x1C05, s31  }
0x11: {  	s7 =	sadd.s32 s9, s30;
	s15 =	sadd.s32 $0x280, s8;
	s8 =	sadd.s32 s10, s30  }
0x12: {  	s11 =	sadd.s32 $0x37E00, s13;
	s13 =	sshrl.u32 s14, $0x3;
	s14 =	simm.s32 $0x5  }
0x13: {  	s9 =	sadd.s32 s9, s15;
	s10 =	sadd.s32 s10, s15;
	s15 =	simm.s32 $0x1400  }
.LBB2_7:
0x14: {  	_ =	swait.ge [sflag:s24], $0x4000  }
0x15: {  	s25 =	sadd.s32 $0x1, s25;
	[sflag:s24] =	ssyncset.done $0x0  }
0x16: {  	p0 =	sne.s32 s25, s12;
	[sflag:s24] =	ssyncadd.s32 $0xFFFFC000  }
.Ltmp1:
0x17: {  	[bflag:$0x0] =	sbarrier.arrive $0xFFFF;
	(pc) =	sbr.rel @!p0 .LBB2_8-.Ltmp1, $4  }
0x18: {  	[hbm:s11], [sflag:s6] =	dma.local [spmem:s13], $0x2800  }
0x19: {  	_ =	swait.ge [sflag:s14], $0x2800  }
0x1a: {  	[sflag:s14] =	ssyncset.done $0x0  }
0x1b: {  	[sflag:s14] =	ssyncadd.s32 $0xFFFFD800  }
.LBB2_1:
0x1c: {  	[spmem:s13], [sflag:s6] =	dma.local [hbm:s5], $0x2800  }
0x1d: {  	_ =	swait.ge [sflag:s14], $0x2800  }
0x1e: {  	[sflag:s14] =	ssyncset.done $0x0  }
0x1f: {  	[sflag:s14] =	ssyncadd.s32 $0xFFFFD800  }
0x20: {  	[bflag:$0x0] =	sbarrier.arrive $0xFFFF  }
0x21: {  	[tilespmem:s3], [sflag:$0x5] =	stream.linear.gather [hbm4b:s7+s3], $0x1400, $0x38;
	[tilespmem:$0x1E800] =	vst v63  }
0x22: {  	_ =	swait.ge [sflag:s14], $0x1400  }
0x23: {  	[sflag:s14] =	ssyncset.done $0x0  }
0x24: {  	[sflag:s14] =	ssyncadd.s32 $0xFFFFEC00  }
0x25: {  	[tilespmem:s15], [sflag:$0x5] =	stream.linear.gather [hbm4b:s8+s3], $0x1400, $0x38;
	[tilespmem:$0x1E800] =	vst v63  }
0x26: {  	_ =	swait.ge [sflag:s14], $0x1400  }
0x27: {  	[sflag:s14] =	ssyncset.done $0x0  }
0x28: {  	[sflag:s14] =	ssyncadd.s32 $0xFFFFEC00  }
0x29: {  	[tilespmem:s17], [sflag:$0x1] =	stream.indirect.gather [hbm4b:s4+s16], $0x80, s3, s16, $0xb8;
	[tilespmem:$0x1E800] =	vst v63  }
0x2a: {  	_ =	swait.ge [sflag:s18], $0x4000  }
0x2b: {  	[sflag:s18] =	ssyncset.done $0x0  }
0x2c: {  	[sflag:s18] =	ssyncadd.s32 $0xFFFFC000  }
0x2d: {  	[spmem:s1] =	stream.indirect.scatter.add.f32 [tilespmem:s17], [sflag:$0x3], $0x80, s15, s16, $0xb8;
	[tilespmem:$0x1E800] =	vst v63  }
0x2e: {  	_ = 	snop  }
0x2f: {  	[tilespmem:s19], [sflag:$0x2] =	stream.indirect.gather [hbm4b:s4+s16], $0x80, s16, s16, $0xb8;
	[tilespmem:$0x1E800] =	vst v63  }
0x30: {  	_ =	swait.ge [sflag:s20], $0x4000  }
0x31: {  	[sflag:s20] =	ssyncset.done $0x0  }
0x32: {  	[sflag:s20] =	ssyncadd.s32 $0xFFFFC000  }
0x33: {  	[spmem:s1] =	stream.indirect.scatter.add.f32 [tilespmem:s19], [sflag:$0x4], $0x80, s21, s16, $0xb8;
	[tilespmem:$0x1E800] =	vst v63  }
0x34: {  	_ =	swait.ge [sflag:s22], $0x4000  }
0x35: {  	[sflag:s22] =	ssyncset.done $0x0  }
0x36: {  	s26 =	simm.s32 $0xFFFFB800;
	[sflag:s22] =	ssyncadd.s32 $0xFFFFC000  }
0x37: {  	[tilespmem:s17], [sflag:$0x1] =	stream.indirect.gather [hbm4b:s4+s16], $0x80, s23, s16, $0xb8;
	[tilespmem:$0x1E800] =	vst v63  }
.LBB2_2:
0x38: {  	_ =	swait.ge [sflag:s18], $0x4000  }
0x39: {  	s28 =	sshra.s32 s26, $0x2;
	[sflag:s18] =	ssyncset.done $0x0  }
0x3a: {  	s29 =	sadd.s32 $0x2700, s28;
	[sflag:s18] =	ssyncadd.s32 $0xFFFFC000  }
0x3b: {  	[spmem:s1] =	stream.indirect.scatter.add.f32 [tilespmem:s17], [sflag:$0x3], $0x80, s29, s16, $0xb8;
	[tilespmem:$0x1E800] =	vst v63  }
0x3c: {  	_ =	swait.ge [sflag:s24], $0x4000  }
0x3d: {  	[sflag:s24] =	ssyncset.done $0x0  }
0x3e: {  	s30 =	sadd.s32 $0x1380, s28;
	[sflag:s24] =	ssyncadd.s32 $0xFFFFC000  }
0x3f: {  	[tilespmem:s19], [sflag:$0x2] =	stream.indirect.gather [hbm4b:s4+s16], $0x80, s30, s16, $0xb8;
	[tilespmem:$0x1E800] =	vst v63  }
0x40: {  	_ =	swait.ge [sflag:s20], $0x4000  }
0x41: {  	p0 =	seq.s32 s26, $0x0;
	[sflag:s20] =	ssyncset.done $0x0  }
.Ltmp2:
0x42: {  	s31 =	sadd.s32 $0x2780, s28;
	[sflag:s20] =	ssyncadd.s32 $0xFFFFC000;
	(pc) =	sbr.rel @p0 .LBB2_4-.Ltmp2, $4  }
0x43: {  	[spmem:s1] =	stream.indirect.scatter.add.f32 [tilespmem:s19], [sflag:$0x4], $0x80, s31, s16, $0xb8;
	[tilespmem:$0x1E800] =	vst v63  }
0x44: {  	_ =	swait.ge [sflag:s22], $0x4000  }
0x45: {  	[sflag:s22] =	ssyncset.done $0x0  }
0x46: {  	[sflag:s22] =	ssyncadd.s32 $0xFFFFC000  }
.Ltmp3:
0x47: {  	(pc) =	sbr.rel .LBB2_2-.Ltmp3, $3  }
0x48: {  	_ =	sdelay $0x1  }
0x49: {  	s28 =	sadd.s32 $0x1400, s28;
	s26 =	sadd.s32 $0x400, s26  }
0x4a: {  	[tilespmem:s17], [sflag:$0x1] =	stream.indirect.gather [hbm4b:s4+s16], $0x80, s28, s16, $0xb8;
	[tilespmem:$0x1E800] =	vst v63  }
.LBB2_4:
0x4b: {  	_ =	swait.ge [sflag:s24], $0x4000  }
0x4c: {  	[sflag:s24] =	ssyncset.done $0x0  }
0x4d: {  	[sflag:s24] =	ssyncadd.s32 $0xFFFFC000  }
0x4e: {  	[tilespmem:s3], [sflag:$0x5] =	stream.linear.gather [hbm4b:s9+s3], $0x1400, $0x38;
	[tilespmem:$0x1E800] =	vst v63  }
0x4f: {  	_ =	swait.ge [sflag:s14], $0x1400  }
0x50: {  	[sflag:s14] =	ssyncset.done $0x0  }
0x51: {  	[sflag:s14] =	ssyncadd.s32 $0xFFFFEC00  }
0x52: {  	[tilespmem:s15], [sflag:$0x5] =	stream.linear.gather [hbm4b:s10+s3], $0x1400, $0x38;
	[tilespmem:$0x1E800] =	vst v63  }
0x53: {  	_ =	swait.ge [sflag:s14], $0x1400  }
0x54: {  	[sflag:s14] =	ssyncset.done $0x0  }
0x55: {  	[sflag:s14] =	ssyncadd.s32 $0xFFFFEC00  }
0x56: {  	[tilespmem:s17], [sflag:$0x1] =	stream.indirect.gather [hbm4b:s4+s16], $0x80, s3, s16, $0xb8;
	[tilespmem:$0x1E800] =	vst v63  }
0x57: {  	_ =	swait.ge [sflag:s18], $0x4000  }
0x58: {  	[sflag:s18] =	ssyncset.done $0x0  }
0x59: {  	[sflag:s18] =	ssyncadd.s32 $0xFFFFC000  }
0x5a: {  	[spmem:s1] =	stream.indirect.scatter.add.f32 [tilespmem:s17], [sflag:$0x3], $0x80, s15, s16, $0xb8;
	[tilespmem:$0x1E800] =	vst v63  }
0x5b: {  	_ = 	snop  }
0x5c: {  	[tilespmem:s19], [sflag:$0x2] =	stream.indirect.gather [hbm4b:s4+s16], $0x80, s16, s16, $0xb8;
	[tilespmem:$0x1E800] =	vst v63  }
0x5d: {  	_ =	swait.ge [sflag:s20], $0x4000  }
0x5e: {  	[sflag:s20] =	ssyncset.done $0x0  }
0x5f: {  	[sflag:s20] =	ssyncadd.s32 $0xFFFFC000  }
0x60: {  	[spmem:s1] =	stream.indirect.scatter.add.f32 [tilespmem:s19], [sflag:$0x4], $0x80, s21, s16, $0xb8;
	[tilespmem:$0x1E800] =	vst v63  }
0x61: {  	_ =	swait.ge [sflag:s22], $0x4000  }
0x62: {  	[sflag:s22] =	ssyncset.done $0x0  }
0x63: {  	s26 =	simm.s32 $0xFFFFB800;
	[sflag:s22] =	ssyncadd.s32 $0xFFFFC000  }
0x64: {  	[tilespmem:s17], [sflag:$0x1] =	stream.indirect.gather [hbm4b:s4+s16], $0x80, s23, s16, $0xb8;
	[tilespmem:$0x1E800] =	vst v63  }
.LBB2_5:
0x65: {  	_ =	swait.ge [sflag:s18], $0x4000  }
0x66: {  	s28 =	sshra.s32 s26, $0x2;
	[sflag:s18] =	ssyncset.done $0x0  }
0x67: {  	s29 =	sadd.s32 $0x2700, s28;
	[sflag:s18] =	ssyncadd.s32 $0xFFFFC000  }
0x68: {  	[spmem:s1] =	stream.indirect.scatter.add.f32 [tilespmem:s17], [sflag:$0x3], $0x80, s29, s16, $0xb8;
	[tilespmem:$0x1E800] =	vst v63  }
0x69: {  	_ =	swait.ge [sflag:s24], $0x4000  }
0x6a: {  	[sflag:s24] =	ssyncset.done $0x0  }
0x6b: {  	s30 =	sadd.s32 $0x1380, s28;
	[sflag:s24] =	ssyncadd.s32 $0xFFFFC000  }
0x6c: {  	[tilespmem:s19], [sflag:$0x2] =	stream.indirect.gather [hbm4b:s4+s16], $0x80, s30, s16, $0xb8;
	[tilespmem:$0x1E800] =	vst v63  }
0x6d: {  	_ =	swait.ge [sflag:s20], $0x4000  }
0x6e: {  	p0 =	seq.s32 s26, $0x0;
	[sflag:s20] =	ssyncset.done $0x0  }
.Ltmp4:
0x6f: {  	s31 =	sadd.s32 $0x2780, s28;
	[sflag:s20] =	ssyncadd.s32 $0xFFFFC000;
	(pc) =	sbr.rel @p0 .LBB2_7-.Ltmp4, $4  }
0x70: {  	[spmem:s1] =	stream.indirect.scatter.add.f32 [tilespmem:s19], [sflag:$0x4], $0x80, s31, s16, $0xb8;
	[tilespmem:$0x1E800] =	vst v63  }
0x71: {  	_ =	swait.ge [sflag:s22], $0x4000  }
0x72: {  	[sflag:s22] =	ssyncset.done $0x0  }
0x73: {  	[sflag:s22] =	ssyncadd.s32 $0xFFFFC000  }
.Ltmp5:
0x74: {  	(pc) =	sbr.rel .LBB2_5-.Ltmp5, $3  }
0x75: {  	_ =	sdelay $0x1  }
0x76: {  	s28 =	sadd.s32 $0x1400, s28;
	s26 =	sadd.s32 $0x400, s26  }
0x77: {  	[tilespmem:s17], [sflag:$0x1] =	stream.indirect.gather [hbm4b:s4+s16], $0x80, s28, s16, $0xb8;
	[tilespmem:$0x1E800] =	vst v63  }
.LBB2_8:
0x78: {  	_ =	sfence.sel $0x180000  }
0x79: {  	[bflag:$0x0] =	sbarrier.arrive $0xFFFF  }
0x7a: {  	p0 =	sne.s32 s2, $0x0;
	_ =	strace $0x9000004D  }
0x7b: {  	s0 =	sadd.s32 @!p0 $0x100000, s0;
	[bflag:$0x2] =	sbarrier.arrive $0xFFFF  }
0x7c: {  	[sflag:s0] =	ssyncadd.tile.s32 @!p0 $0x1;
	_ =	shalt  }
.Lfunc_end2:
_tile_overlayer_lowered:
.L_overlay_start_2:
0x7d: {  	(tag) =	ssettag $0x2  }
0x7e: {  	s0 =	rddreg [dreg:$0x0];
	s2 =	stileid.u32  }
0x7f: {  	s1 =	rddreg [dreg:$0x1];
	p0 =	sne.s32 s2, $0x0  }
0x80: {  	s3 =	rddreg [dreg:$0x2];
	[bflag:$0x3] =	sbarrier.arrive $0xFFFF;
	s2 =	simm.s32 @!p0 $0x1C05  }
0x81: {  	[timem:s3], [sflag:s2] =	dma.local @!p0 [hbm:s0], s1  }
0x82: {  	s0 =	simm.s32 @!p0 $0x5  }
0x83: {  	_ =	swait.ge @!p0 [sflag:s0], s1  }
0x84: {  	s1 =	ssub.s32 @!p0 $0x0, s1;
	[sflag:s0] =	ssyncset.done @!p0 $0x0  }
0x85: {  	[sflag:s0] =	ssyncadd.s32 @!p0 s1  }
0x86: {  	[bflag:$0x3] =	sbarrier.arrive $0xFFFF  }
0x87: {  	_ =	shalt  }

// kernel: kernel.19.cloned.1.call-start
scs
__scs_entry_jumppad:
0x0: {  	(pc) =	sbr.rel $0x88, $3  }
0x1: {  	(tag) =	ssettag $0x0;
	lr =	simm.s32 $0x1  }
0x2: {  	[smem:$0x3F98] =	sst lr;
	_ =	strace $0xD0000000  }
0x3: {  	_ = 	snop  }
0x4: {  	_ = 	snop  }
0x5: {  	_ = 	snop  }
0x6: {  	_ = 	snop  }
0x7: {  	_ = 	snop  }
__scs_overlays_trampoline_lowered:
0x8: {  	[smem:$0x3FA7] =	sst s0  }
0x9: {  	[smem:$0x3FA8] =	sst s1  }
0xa: {  	[smem:$0x3FA9] =	sst s2  }
0xb: {  	[smem:$0x3FAA] =	sst s3  }
0xc: {  	[smem:$0x3FAB] =	sst s4  }
0xd: {  	[smem:$0x3FAC] =	sst s5  }
0xe: {  	[smem:$0x3FAD] =	sst s6  }
0xf: {  	[smem:$0x3FAE] =	sst s7  }
0x10: {  	[smem:$0x3FAF] =	sst s8  }
0x11: {  	[smem:$0x3FB0] =	sst s9;
	s0 =	simm.s32 @!p0 $0x0  }
0x12: {  	s1 =	sld [smem:$0x3F96];
	s0 =	simm.s32 @p0 $0x1  }
0x13: {  	[smem:$0x3FB1] =	sst s0;
	s0 =	simm.s32 @!p1 $0x0  }
0x14: {  	s2 =	sld [smem:$0x3F95];
	s0 =	simm.s32 @p1 $0x1  }
0x15: {  	[smem:$0x3FB2] =	sst s0;
	s0 =	simm.s32 @!p2 $0x0  }
0x16: {  	s3 =	sld [smem:$0x3FDB];
	s0 =	simm.s32 @p2 $0x1  }
0x17: {  	s4 =	simm.s32 $0x1BF5;
	[smem:$0x3FB4] =	sst s0  }
0x18: {  	s0 =	sld [smem:$0x3F97];
	_ =	swait.ge [sflag:s4], $0x0  }
0x19: {  	s7 =	sld [smem:$0x3F98]  }
0x1a: {  	s8 =	sadd.s32 $0xFFFFE003, lr  }
0x1b: {  	s9 =	sadd.s32 $0xFFFFFEF7, lr;
	s5 =	simm.s32 $0xFFFFFFFF;
	p2 =	slt.u32 s8, $0xFFFFF086  }
0x1c: {  	p1 =	slt.u32 s9, $0xF7A;
	s5 =	simm.s32 @!p2 $0x0  }
0x1d: {  	s5 =	simm.s32 @p1 $0x1;
	p0 =	seq.s32 s7, s2  }
0x1e: {  	s7 =	smul.u32 @!p0 $0xF7A, s2;
	p2 =	seq.s32 @!p0 s5, $0x0  }
0x1f: {  	s9 =	smul.u32 $0xF7A, s1;
	s8 =	simm.s32 @!p0 $0x1BF5;
	p2 =	por !p2, p0  }
0x20: {  	[sflag:s8] =	ssyncset.s32 @!p0 $0xFFFFF086;
	s6 =	sadd.s32 @!p0 s3, s7;
	s7 =	simm.s32 @!p0 $0x108  }
0x21: {  	s3 =	sadd.s32 s3, s9;
	s6 =	sadd.s32 @!p0 $0x88, s6;
	s7 =	simm.s32 @p2 $0x1082  }
0x22: {  	[simem:s7], [sflag:s8] =	dma.local @!p0 [hbm:s6], $0xF7A  }
0x23: {  	s9 =	sor.u32 $0xD0000000, s2;
	s6 =	simm.s32 $0x108;
	_ =	swait.ge @!p0 [sflag:s8], $0x0  }
0x24: {  	s3 =	sadd.s32 $0x88, s3;
	s6 =	simm.s32 @!p1 $0x1082;
	[sflag:s4] =	ssyncset.s32 $0xFFFFF086  }
0x25: {  	[simem:s6], [sflag:s4] =	dma.local [hbm:s3], $0xF7A  }
0x26: {  	[smem:$0x3F98] =	sst s1;
	(tag) =	ssettag s2;
	_ =	strace s9  }
0x27: {  	s1 =	sld [smem:$0x3FA8]  }
0x28: {  	s2 =	sld [smem:$0x3FA9]  }
0x29: {  	s4 =	sld [smem:$0x3FAB]  }
0x2a: {  	p0 =	seq.s32 s5, $0x0;
	s5 =	sld [smem:$0x3FAC]  }
0x2b: {  	s6 =	sld [smem:$0x3FAD]  }
0x2c: {  	s7 =	sld [smem:$0x3FAE]  }
0x2d: {  	s3 =	simm.s32 $0x108;
	s8 =	sld [smem:$0x3FAF]  }
0x2e: {  	s3 =	simm.s32 @!p0 $0x1082;
	s9 =	sld [smem:$0x3FB0]  }
0x2f: {  	lr =	sadd.s32 s0, s3;
	s0 =	sld [smem:$0x3FA7]  }
0x30: {  	s3 =	sld [smem:$0x3FAA]  }
0x31: {  	[smem:$0x3FB3] =	sst s10  }
0x32: {  	s10 =	sld [smem:$0x3FB1];
	_ =	sdelay $0x3  }
0x33: {  	p0 =	seq.s32 s10, $0x1;
	s10 =	sld [smem:$0x3FB3];
	_ =	sdelay $0x3  }
0x34: {  	[smem:$0x3FB3] =	sst s10  }
0x35: {  	s10 =	sld [smem:$0x3FB2];
	_ =	sdelay $0x3  }
0x36: {  	p1 =	seq.s32 s10, $0x1;
	s10 =	sld [smem:$0x3FB3];
	_ =	sdelay $0x3  }
0x37: {  	[smem:$0x3FB3] =	sst s10  }
0x38: {  	s10 =	sld [smem:$0x3FB4]  }
0x39: {  	_ = 	snop;
	(pc) =	sbr.ind lr, $3  }
0x3a: {  	_ = 	snop  }
0x3b: {  	_ = 	snop  }
0x3c: {  	p2 =	seq.s32 s10, $0x1;
	s10 =	sld [smem:$0x3FB3]  }
0x3d: {  	_ =	shalt  }
0x3e: {  	_ =	shalt  }
0x3f: {  	_ =	shalt  }
0x40: {  	_ =	shalt  }
0x41: {  	_ =	shalt  }
0x42: {  	_ =	shalt  }
0x43: {  	_ =	shalt  }
0x44: {  	_ =	shalt  }
0x45: {  	_ =	shalt  }
0x46: {  	_ =	shalt  }
0x47: {  	_ =	shalt  }
0x48: {  	_ =	shalt  }
0x49: {  	_ =	shalt  }
0x4a: {  	_ =	shalt  }
0x4b: {  	_ =	shalt  }
0x4c: {  	_ =	shalt  }
0x4d: {  	_ =	shalt  }
0x4e: {  	_ =	shalt  }
0x4f: {  	_ =	shalt  }
0x50: {  	_ =	shalt  }
0x51: {  	_ =	shalt  }
0x52: {  	_ =	shalt  }
0x53: {  	_ =	shalt  }
0x54: {  	_ =	shalt  }
0x55: {  	_ =	shalt  }
0x56: {  	_ =	shalt  }
0x57: {  	_ =	shalt  }
0x58: {  	_ =	shalt  }
0x59: {  	_ =	shalt  }
0x5a: {  	_ =	shalt  }
0x5b: {  	_ =	shalt  }
0x5c: {  	_ =	shalt  }
0x5d: {  	_ =	shalt  }
0x5e: {  	_ =	shalt  }
0x5f: {  	_ =	shalt  }
0x60: {  	_ =	shalt  }
0x61: {  	_ =	shalt  }
0x62: {  	_ =	shalt  }
0x63: {  	_ =	shalt  }
0x64: {  	_ =	shalt  }
0x65: {  	_ =	shalt  }
0x66: {  	_ =	shalt  }
0x67: {  	_ =	shalt  }
0x68: {  	_ =	shalt  }
0x69: {  	_ =	shalt  }
0x6a: {  	_ =	shalt  }
0x6b: {  	_ =	shalt  }
0x6c: {  	_ =	shalt  }
0x6d: {  	_ =	shalt  }
0x6e: {  	_ =	shalt  }
0x6f: {  	_ =	shalt  }
0x70: {  	_ =	shalt  }
0x71: {  	_ =	shalt  }
0x72: {  	_ =	shalt  }
0x73: {  	_ =	shalt  }
0x74: {  	_ =	shalt  }
0x75: {  	_ =	shalt  }
0x76: {  	_ =	shalt  }
0x77: {  	_ =	shalt  }
0x78: {  	_ =	shalt  }
0x79: {  	_ =	shalt  }
0x7a: {  	_ =	shalt  }
0x7b: {  	_ =	shalt  }
0x7c: {  	_ =	shalt  }
0x7d: {  	_ =	shalt  }
0x7e: {  	_ =	shalt  }
0x7f: {  	_ =	shalt  }
0x80: {  	_ =	shalt  }
0x81: {  	_ =	shalt  }
0x82: {  	_ =	shalt  }
0x83: {  	_ =	shalt  }
0x84: {  	_ =	shalt  }
0x85: {  	_ =	shalt  }
0x86: {  	_ =	shalt  }
0x87: {  	_ =	shalt  }
.Lfunc_end0:
.L_simem_size_0:
called_computation.3_lowered:
.L_overlay_start_0:
0x88: {  	s2 =	sld [smem:$0x3FD9]  }
0x89: {  	s3 =	sld [smem:$0x3FFE];
	_ =	sdelay $0x1  }
0x8a: {  	s1 =	srdreg.scid  }
0x8b: {  	s0 =	sand.u32 $0x1, s1  }
0x8c: {  	s17 =	sshll.u32 s0, $0xA;
	s2 =	sadd.s32 s3, s2  }
0x8d: {  	s2 =	sadd.s32 s2, s17  }
0x8e: {  	[smem:$0x3FBF] =	sst s2  }
0x8f: {  	_ = 	snop  }
0x90: {  	s2 =	sld [smem:$0x3FD0];
	(tm) =	ssettm $0x1  }
0x91: {  	s18 =	sld [smem:$0x3FFB];
	_ =	sdelay $0x3  }
0x92: {  	_ =	strace s18  }
0x93: {  	s3 =	sld [smem:$0x3FFC];
	_ =	sdelay $0x3  }
0x94: {  	_ =	strace s3  }
0x95: {  	s3 =	sld [smem:$0x3FFD];
	_ =	sdelay $0x3  }
0x96: {  	_ =	strace s3  }
0x97: {  	_ =	strace $0x8FFFFFFF  }
0x98: {  	s19 =	sld [smem:$0x3FDB];
	_ =	sdelay $0x1  }
0x99: {  	s4 =	simm.s32 $_scs_section_size  }
0x9a: {  	s5 =	simm.s32 $_size__tile_overlayer_lowered;
	s6 =	simm.s32 $_tile_overlayer_lowered  }
0x9b: {  	s22 =	simm.s32 $0x1BFF;
	s21 =	sshll.u32 s6, $0x1;
	s3 =	sadd.s32 s4, s19  }
0x9c: {  	s7 =	simm.s32 $0x0;
	s20 =	sshll.u32 s5, $0x1;
	s5 =	sadd.s32 s21, s3  }
0x9d: {  	[timem:s7], [sflag:s22] =	dma.local [hbm:s5], s20  }
0x9e: {  	_ =	swait.ge [sflag:s22], s20  }
0x9f: {  	s4 =	ssub.s32 $0x0, s20;
	[sflag:s22] =	ssyncset.done $0x0  }
0xa0: {  	[sflag:s22] =	ssyncadd.s32 s4;
	_ =	sdelay $0x1  }
0xa1: {  	s23 =	simm.s32 $0x1B8B  }
0xa2: {  	_ =	swait.ge [sflag:s23], $0x1  }
0xa3: {  	[sflag:s23] =	ssyncset.done $0x0  }
0xa4: {  	s25 =	simm.s32 $0x1B8E;
	s24 =	sld [smem:$0x3FFE];
	[sflag:s23] =	ssyncadd.s32 $0xFFFFFFFF  }
0xa5: {  	s26 =	simm.s32 $execute0_lowered;
	[smem:$0x3FD2] =	sst s25  }
0xa6: {  	s5 =	sshll.u32 s26, $0x1;
	_ =	strace $0x8000004F;
	[dreg:$0x1] =	wrdreg $0xFFFFFFFF  }
0xa7: {  	s28 =	simm.s32 $_size_execute0_lowered;
	s3 =	sadd.s32 s3, s5;
	[dreg:$0x0] =	wrdreg $0x0  }
0xa8: {  	s5 =	sshll.u32 s28, $0x1;
	[dreg:$0x2] =	wrdreg s3  }
0xa9: {  	[dreg:$0x3] =	wrdreg s5  }
0xaa: {  	[dreg:$0x4] =	wrdreg $0xC0  }
0xab: {  	_ =	task [dreg:s7], $0x5FFFF  }
0xac: {  	[dreg:$0x1] =	wrdreg $0xFFFFFFFF  }
0xad: {  	[dreg:$0x0] =	wrdreg $0x60  }
0xae: {  	[dreg:$0x2] =	wrdreg s24  }
0xaf: {  	[dreg:$0x3] =	wrdreg s2  }
0xb0: {  	[dreg:$0x4] =	wrdreg $0xA8000  }
0xb1: {  	[dreg:$0x5] =	wrdreg $0x9  }
0xb2: {  	_ =	task.clear_ibuf [dreg:s7], $0x6FFFF;
	_ =	strace $0x9000004F  }
0xb3: {  	s29 =	simm.s32 $0x9;
	_ =	strace $0x80000051  }
0xb4: {  	_ =	swait.ge [sflag:s29], $0x1  }
0xb5: {  	[sflag:s29] =	ssyncadd.s32 $0xFFFFFFFF  }
0xb6: {  	_ =	strace $0x90000051  }
0xb7: {  	_ =	sfence  }
0xb8: {  	s30 =	sld [smem:$0x0];
	_ =	sdelay $0x2  }
0xb9: {  	s31 =	sshll.u32 s1, $0xD;
	s1 =	sshrl.u32 s1, $0x2  }
0xba: {  	s3 =	sand.u32 $0x4000, s31;
	s1 =	sadd.s32 s1, s30  }
0xbb: {  	s0 =	sor.u32 s3, s0;
	s1 =	sshll.u32 s1, $0x11  }
0xbc: {  	s0 =	sor.u32 s1, s0  }
0xbd: {  	s0 =	sadd.s32 $0x8F2B, s0  }
0xbe: {  	[sflag:s0] =	ssyncadd.remote.s32 $0x1  }
0xbf: {  	_ =	sfence.sel $0xFFFF  }
0xc0: {  	[dreg:$0x0] =	wrdreg $0xFFFFFFFF;
	(pc) =	sbr.abs _section_cstart, $3  }
0xc1: {  	[dreg:$0x1] =	wrdreg $0xFFFFFFFF  }
0xc2: {  	_ =	task.clear_ibuf [dreg:s7], $0x2FFFF;
	_ =	strace $0x9FFFFFFF  }
0xc3: {  	(tm) =	ssettm $0x7FFFFFFF  }
tec
execute0_lowered:
.L_overlay_start_1:
0x0: {  	(tag) =	ssettag $0x1  }
0x1: {  	s6 =	rddreg [dreg:$0x0]  }
0x2: {  	s10 =	rddreg [dreg:$0x1]  }
0x3: {  	s1 =	rddreg [dreg:$0x2];
	s2 =	srdreg.scid  }
0x4: {  	s0 =	rddreg [dreg:$0x3];
	s3 =	simm.s32 $0x0;
	s16 =	simm.s32 $0x80  }
0x5: {  	s17 =	simm.s32 $0x2800;
	s18 =	simm.s32 $0x1;
	s19 =	simm.s32 $0x6800  }
0x6: {  	s20 =	simm.s32 $0x2;
	s21 =	simm.s32 $0x1480;
	s22 =	simm.s32 $0x3  }
0x7: {  	s23 =	simm.s32 $0x100;
	s7 =	sand.u32 $0x1, s2;
	s2 =	stileid.u32  }
0x8: {  	s24 =	simm.s32 $0x4;
	[smem:$0x7FF] =	sst s3;
	s5 =	smul.u32 $0x140000, s7  }
0x9: {  	s4 =	sadd.s32 $0xD600, s6;
	s9 =	sadd.s32 $0x3600, s6;
	s8 =	smul.u32 $0x14000, s2  }
0xa: {  	_ =	strace $0x80000050;
	s11 =	sshll.u32 s2, $0x1;
	s12 =	ssub.s32 $0x2, s7  }
0xb: {  	s25 =	smul.u32 $0x50000, s2;
	s31 =	sshll.u32 s2, $0x6;
	s7 =	sor.u32 s7, s11  }
0xc: {  	s26 =	sshrl.u32 s12, $0x1;
	s8 =	sadd.s32 s8, s5;
	s5 =	sadd.s32 $0x35600, s6  }
0xd: {  	s28 =	smul.u32 $0x2800, s7;
	s12 =	ssub.s32 s12, s26;
	s29 =	sshrl.u32 s25, $0x2  }
0xe: {  	s30 =	smul.u32 $0x500, s7;
	s25 =	simm.s32 $0x0;
	s8 =	sshrl.u32 s8, $0x3  }
.Ltmp0:
0xf: {  	s14 =	sadd.s32 s29, s1;
	s12 =	smax.u32 s12, $0x1;
	(pc) =	sbr.rel .LBB2_1-.Ltmp0, $4  }
0x10: {  	s13 =	sadd.s32 s8, s6;
	s8 =	sshrl.u32 s28, $0x3;
	s6 =	sor.u32 $0x1C05, s31  }
0x11: {  	s7 =	sadd.s32 s9, s30;
	s15 =	sadd.s32 $0x280, s8;
	s8 =	sadd.s32 s10, s30  }
0x12: {  	s11 =	sadd.s32 $0x37E00, s13;
	s13 =	sshrl.u32 s14, $0x3;
	s14 =	simm.s32 $0x5  }
0x13: {  	s9 =	sadd.s32 s9, s15;
	s10 =	sadd.s32 s10, s15;
	s15 =	simm.s32 $0x1400  }
.LBB2_7:
0x14: {  	_ =	swait.ge [sflag:s24], $0x4000  }
0x15: {  	s25 =	sadd.s32 $0x1, s25;
	[sflag:s24] =	ssyncset.done $0x0  }
0x16: {  	p0 =	sne.s32 s25, s12;
	[sflag:s24] =	ssyncadd.s32 $0xFFFFC000  }
.Ltmp1:
0x17: {  	[bflag:$0x0] =	sbarrier.arrive $0xFFFF;
	(pc) =	sbr.rel @!p0 .LBB2_8-.Ltmp1, $4  }
0x18: {  	[hbm:s11], [sflag:s6] =	dma.local [spmem:s13], $0x2800  }
0x19: {  	_ =	swait.ge [sflag:s14], $0x2800  }
0x1a: {  	[sflag:s14] =	ssyncset.done $0x0  }
0x1b: {  	[sflag:s14] =	ssyncadd.s32 $0xFFFFD800  }
.LBB2_1:
0x1c: {  	[spmem:s13], [sflag:s6] =	dma.local [hbm:s5], $0x2800  }
0x1d: {  	_ =	swait.ge [sflag:s14], $0x2800  }
0x1e: {  	[sflag:s14] =	ssyncset.done $0x0  }
0x1f: {  	[sflag:s14] =	ssyncadd.s32 $0xFFFFD800  }
0x20: {  	[bflag:$0x0] =	sbarrier.arrive $0xFFFF  }
0x21: {  	[tilespmem:s3], [sflag:$0x5] =	stream.linear.gather [hbm4b:s7+s3], $0x1400, $0x38;
	[tilespmem:$0x1E800] =	vst v63  }
0x22: {  	_ =	swait.ge [sflag:s14], $0x1400  }
0x23: {  	[sflag:s14] =	ssyncset.done $0x0  }
0x24: {  	[sflag:s14] =	ssyncadd.s32 $0xFFFFEC00  }
0x25: {  	[tilespmem:s15], [sflag:$0x5] =	stream.linear.gather [hbm4b:s8+s3], $0x1400, $0x38;
	[tilespmem:$0x1E800] =	vst v63  }
0x26: {  	_ =	swait.ge [sflag:s14], $0x1400  }
0x27: {  	[sflag:s14] =	ssyncset.done $0x0  }
0x28: {  	[sflag:s14] =	ssyncadd.s32 $0xFFFFEC00  }
0x29: {  	[tilespmem:s17], [sflag:$0x1] =	stream.indirect.gather [hbm4b:s4+s16], $0x80, s3, s16, $0xb8;
	[tilespmem:$0x1E800] =	vst v63  }
0x2a: {  	_ =	swait.ge [sflag:s18], $0x4000  }
0x2b: {  	[sflag:s18] =	ssyncset.done $0x0  }
0x2c: {  	[sflag:s18] =	ssyncadd.s32 $0xFFFFC000  }
0x2d: {  	[spmem:s1] =	stream.indirect.scatter.add.f32 [tilespmem:s17], [sflag:$0x3], $0x80, s15, s16, $0xb8;
	[tilespmem:$0x1E800] =	vst v63  }
0x2e: {  	_ = 	snop  }
0x2f: {  	[tilespmem:s19], [sflag:$0x2] =	stream.indirect.gather [hbm4b:s4+s16], $0x80, s16, s16, $0xb8;
	[tilespmem:$0x1E800] =	vst v63  }
0x30: {  	_ =	swait.ge [sflag:s20], $0x4000  }
0x31: {  	[sflag:s20] =	ssyncset.done $0x0  }
0x32: {  	[sflag:s20] =	ssyncadd.s32 $0xFFFFC000  }
0x33: {  	[spmem:s1] =	stream.indirect.scatter.add.f32 [tilespmem:s19], [sflag:$0x4], $0x80, s21, s16, $0xb8;
	[tilespmem:$0x1E800] =	vst v63  }
0x34: {  	_ =	swait.ge [sflag:s22], $0x4000  }
0x35: {  	[sflag:s22] =	ssyncset.done $0x0  }
0x36: {  	s26 =	simm.s32 $0xFFFFB800;
	[sflag:s22] =	ssyncadd.s32 $0xFFFFC000  }
0x37: {  	[tilespmem:s17], [sflag:$0x1] =	stream.indirect.gather [hbm4b:s4+s16], $0x80, s23, s16, $0xb8;
	[tilespmem:$0x1E800] =	vst v63  }
.LBB2_2:
0x38: {  	_ =	swait.ge [sflag:s18], $0x4000  }
0x39: {  	s28 =	sshra.s32 s26, $0x2;
	[sflag:s18] =	ssyncset.done $0x0  }
0x3a: {  	s29 =	sadd.s32 $0x2700, s28;
	[sflag:s18] =	ssyncadd.s32 $0xFFFFC000  }
0x3b: {  	[spmem:s1] =	stream.indirect.scatter.add.f32 [tilespmem:s17], [sflag:$0x3], $0x80, s29, s16, $0xb8;
	[tilespmem:$0x1E800] =	vst v63  }
0x3c: {  	_ =	swait.ge [sflag:s24], $0x4000  }
0x3d: {  	[sflag:s24] =	ssyncset.done $0x0  }
0x3e: {  	s30 =	sadd.s32 $0x1380, s28;
	[sflag:s24] =	ssyncadd.s32 $0xFFFFC000  }
0x3f: {  	[tilespmem:s19], [sflag:$0x2] =	stream.indirect.gather [hbm4b:s4+s16], $0x80, s30, s16, $0xb8;
	[tilespmem:$0x1E800] =	vst v63  }
0x40: {  	_ =	swait.ge [sflag:s20], $0x4000  }
0x41: {  	p0 =	seq.s32 s26, $0x0;
	[sflag:s20] =	ssyncset.done $0x0  }
.Ltmp2:
0x42: {  	s31 =	sadd.s32 $0x2780, s28;
	[sflag:s20] =	ssyncadd.s32 $0xFFFFC000;
	(pc) =	sbr.rel @p0 .LBB2_4-.Ltmp2, $4  }
0x43: {  	[spmem:s1] =	stream.indirect.scatter.add.f32 [tilespmem:s19], [sflag:$0x4], $0x80, s31, s16, $0xb8;
	[tilespmem:$0x1E800] =	vst v63  }
0x44: {  	_ =	swait.ge [sflag:s22], $0x4000  }
0x45: {  	[sflag:s22] =	ssyncset.done $0x0  }
0x46: {  	[sflag:s22] =	ssyncadd.s32 $0xFFFFC000  }
.Ltmp3:
0x47: {  	(pc) =	sbr.rel .LBB2_2-.Ltmp3, $3  }
0x48: {  	_ =	sdelay $0x1  }
0x49: {  	s28 =	sadd.s32 $0x1400, s28;
	s26 =	sadd.s32 $0x400, s26  }
0x4a: {  	[tilespmem:s17], [sflag:$0x1] =	stream.indirect.gather [hbm4b:s4+s16], $0x80, s28, s16, $0xb8;
	[tilespmem:$0x1E800] =	vst v63  }
.LBB2_4:
0x4b: {  	_ =	swait.ge [sflag:s24], $0x4000  }
0x4c: {  	[sflag:s24] =	ssyncset.done $0x0  }
0x4d: {  	[sflag:s24] =	ssyncadd.s32 $0xFFFFC000  }
0x4e: {  	[tilespmem:s3], [sflag:$0x5] =	stream.linear.gather [hbm4b:s9+s3], $0x1400, $0x38;
	[tilespmem:$0x1E800] =	vst v63  }
0x4f: {  	_ =	swait.ge [sflag:s14], $0x1400  }
0x50: {  	[sflag:s14] =	ssyncset.done $0x0  }
0x51: {  	[sflag:s14] =	ssyncadd.s32 $0xFFFFEC00  }
0x52: {  	[tilespmem:s15], [sflag:$0x5] =	stream.linear.gather [hbm4b:s10+s3], $0x1400, $0x38;
	[tilespmem:$0x1E800] =	vst v63  }
0x53: {  	_ =	swait.ge [sflag:s14], $0x1400  }
0x54: {  	[sflag:s14] =	ssyncset.done $0x0  }
0x55: {  	[sflag:s14] =	ssyncadd.s32 $0xFFFFEC00  }
0x56: {  	[tilespmem:s17], [sflag:$0x1] =	stream.indirect.gather [hbm4b:s4+s16], $0x80, s3, s16, $0xb8;
	[tilespmem:$0x1E800] =	vst v63  }
0x57: {  	_ =	swait.ge [sflag:s18], $0x4000  }
0x58: {  	[sflag:s18] =	ssyncset.done $0x0  }
0x59: {  	[sflag:s18] =	ssyncadd.s32 $0xFFFFC000  }
0x5a: {  	[spmem:s1] =	stream.indirect.scatter.add.f32 [tilespmem:s17], [sflag:$0x3], $0x80, s15, s16, $0xb8;
	[tilespmem:$0x1E800] =	vst v63  }
0x5b: {  	_ = 	snop  }
0x5c: {  	[tilespmem:s19], [sflag:$0x2] =	stream.indirect.gather [hbm4b:s4+s16], $0x80, s16, s16, $0xb8;
	[tilespmem:$0x1E800] =	vst v63  }
0x5d: {  	_ =	swait.ge [sflag:s20], $0x4000  }
0x5e: {  	[sflag:s20] =	ssyncset.done $0x0  }
0x5f: {  	[sflag:s20] =	ssyncadd.s32 $0xFFFFC000  }
0x60: {  	[spmem:s1] =	stream.indirect.scatter.add.f32 [tilespmem:s19], [sflag:$0x4], $0x80, s21, s16, $0xb8;
	[tilespmem:$0x1E800] =	vst v63  }
0x61: {  	_ =	swait.ge [sflag:s22], $0x4000  }
0x62: {  	[sflag:s22] =	ssyncset.done $0x0  }
0x63: {  	s26 =	simm.s32 $0xFFFFB800;
	[sflag:s22] =	ssyncadd.s32 $0xFFFFC000  }
0x64: {  	[tilespmem:s17], [sflag:$0x1] =	stream.indirect.gather [hbm4b:s4+s16], $0x80, s23, s16, $0xb8;
	[tilespmem:$0x1E800] =	vst v63  }
.LBB2_5:
0x65: {  	_ =	swait.ge [sflag:s18], $0x4000  }
0x66: {  	s28 =	sshra.s32 s26, $0x2;
	[sflag:s18] =	ssyncset.done $0x0  }
0x67: {  	s29 =	sadd.s32 $0x2700, s28;
	[sflag:s18] =	ssyncadd.s32 $0xFFFFC000  }
0x68: {  	[spmem:s1] =	stream.indirect.scatter.add.f32 [tilespmem:s17], [sflag:$0x3], $0x80, s29, s16, $0xb8;
	[tilespmem:$0x1E800] =	vst v63  }
0x69: {  	_ =	swait.ge [sflag:s24], $0x4000  }
0x6a: {  	[sflag:s24] =	ssyncset.done $0x0  }
0x6b: {  	s30 =	sadd.s32 $0x1380, s28;
	[sflag:s24] =	ssyncadd.s32 $0xFFFFC000  }
0x6c: {  	[tilespmem:s19], [sflag:$0x2] =	stream.indirect.gather [hbm4b:s4+s16], $0x80, s30, s16, $0xb8;
	[tilespmem:$0x1E800] =	vst v63  }
0x6d: {  	_ =	swait.ge [sflag:s20], $0x4000  }
0x6e: {  	p0 =	seq.s32 s26, $0x0;
	[sflag:s20] =	ssyncset.done $0x0  }
.Ltmp4:
0x6f: {  	s31 =	sadd.s32 $0x2780, s28;
	[sflag:s20] =	ssyncadd.s32 $0xFFFFC000;
	(pc) =	sbr.rel @p0 .LBB2_7-.Ltmp4, $4  }
0x70: {  	[spmem:s1] =	stream.indirect.scatter.add.f32 [tilespmem:s19], [sflag:$0x4], $0x80, s31, s16, $0xb8;
	[tilespmem:$0x1E800] =	vst v63  }
0x71: {  	_ =	swait.ge [sflag:s22], $0x4000  }
0x72: {  	[sflag:s22] =	ssyncset.done $0x0  }
0x73: {  	[sflag:s22] =	ssyncadd.s32 $0xFFFFC000  }
.Ltmp5:
0x74: {  	(pc) =	sbr.rel .LBB2_5-.Ltmp5, $3  }
0x75: {  	_ =	sdelay $0x1  }
0x76: {  	s28 =	sadd.s32 $0x1400, s28;
	s26 =	sadd.s32 $0x400, s26  }
0x77: {  	[tilespmem:s17], [sflag:$0x1] =	stream.indirect.gather [hbm4b:s4+s16], $0x80, s28, s16, $0xb8;
	[tilespmem:$0x1E800] =	vst v63  }
.LBB2_8:
0x78: {  	_ =	sfence.sel $0x180000  }
0x79: {  	[bflag:$0x0] =	sbarrier.arrive $0xFFFF  }
0x7a: {  	p0 =	sne.s32 s2, $0x0;
	_ =	strace $0x90000050  }
0x7b: {  	s0 =	sadd.s32 @!p0 $0x100000, s0;
	[bflag:$0x2] =	sbarrier.arrive $0xFFFF  }
0x7c: {  	[sflag:s0] =	ssyncadd.tile.s32 @!p0 $0x1;
	_ =	shalt  }
.Lfunc_end2:
_tile_overlayer_lowered:
.L_overlay_start_2:
0x7d: {  	(tag) =	ssettag $0x2  }
0x7e: {  	s0 =	rddreg [dreg:$0x0];
	s2 =	stileid.u32  }
0x7f: {  	s1 =	rddreg [dreg:$0x1];
	p0 =	sne.s32 s2, $0x0  }
0x80: {  	s3 =	rddreg [dreg:$0x2];
	[bflag:$0x3] =	sbarrier.arrive $0xFFFF;
	s2 =	simm.s32 @!p0 $0x1C05  }
0x81: {  	[timem:s3], [sflag:s2] =	dma.local @!p0 [hbm:s0], s1  }
0x82: {  	s0 =	simm.s32 @!p0 $0x5  }
0x83: {  	_ =	swait.ge @!p0 [sflag:s0], s1  }
0x84: {  	s1 =	ssub.s32 @!p0 $0x0, s1;
	[sflag:s0] =	ssyncset.done @!p0 $0x0  }
0x85: {  	[sflag:s0] =	ssyncadd.s32 @!p0 s1  }
0x86: {  	[bflag:$0x3] =	sbarrier.arrive $0xFFFF  }
0x87: {  	_ =	shalt  }

</sc_bundles>
